<compile_context>
chip_gen: v7x
topology: tpu7x:2x2x1
jax: 0.10.2.dev20260603
libtpu: 0.0.44.dev20260713+nightly
codegen_flags: <defaults>
</compile_context>

<pallas_src>
import functools

import jax
import jax.numpy as jnp
from jax import lax
from jax.experimental import pallas as pl
from jax.experimental.pallas import tpu as pltpu
from jax.experimental.pallas import tpu_sc as plsc

LAT = 128
NTY = 9
EPS = 1e-5

NC = 2
NS = 16
NW = NC * NS
CH = 80


def _ln(x, g, o):
    mu = jnp.mean(x, axis=-1, keepdims=True)
    xm = x - mu
    var = jnp.mean(xm * xm, axis=-1, keepdims=True)
    return xm / jnp.sqrt(var + EPS) * g + o


def _full(shape):
    return pl.BlockSpec(shape, lambda i: tuple(0 for _ in shape))


def _dot(a, b):
    return jnp.dot(a, b, preferred_element_type=jnp.float32)



def _enc_node_body(x_ref, w1, b1, w2, b2, w3, b3, g, o, ws, wd,
                   node_ref, pq_ref):
    x = x_ref[...]
    h = jax.nn.relu(_dot(x, w1[...]) + b1[...])
    h = jax.nn.relu(_dot(h, w2[...]) + b2[...])
    node = _ln(_dot(h, w3[...]) + b3[...], g[...], o[...])
    node_ref[...] = node
    pq_ref[0] = _dot(node, ws[...])
    pq_ref[1] = _dot(node, wd[...])


def _enc_edge_body(rx_ref, ry_ref, w1x, w1y, w1r, b1, w2, b2, w3, b3, g, o,
                   out_ref):
    rx = rx_ref[...]
    ry = ry_ref[...]
    r = jnp.sqrt(rx * rx + ry * ry)
    rnd = lambda v: v.astype(jnp.bfloat16).astype(jnp.float32)
    h = jax.nn.relu(rnd(rx) * rnd(w1x[...]) + rnd(ry) * rnd(w1y[...])
                    + rnd(r) * rnd(w1r[...]) + b1[...])
    h = jax.nn.relu(_dot(h, w2[...]) + b2[...])
    out_ref[...] = _ln(_dot(h, w3[...]) + b3[...], g[...], o[...])


def _edge_mlp_body(e_ref, t_ref, w1, b1, w2, b2, w3, b3, g, o,
                   out_ref):
    e = e_ref[...]
    h = jax.nn.relu(_dot(e, w1[...]) + t_ref[...] + b1[...])
    h = jax.nn.relu(_dot(h, w2[...]) + b2[...])
    out_ref[...] = e + _ln(_dot(h, w3[...]) + b3[...], g[...], o[...])


def _node_mlp_body(n_ref, aggp_ref, w1a, w1b, b1, w2, b2, w3, b3, g, o,
                   ws, wd, node_ref, pq_ref):
    n = n_ref[...]
    agg = aggp_ref[0] + aggp_ref[1]
    h = jax.nn.relu(_dot(n, w1a[...]) + _dot(agg, w1b[...]) + b1[...])
    h = jax.nn.relu(_dot(h, w2[...]) + b2[...])
    node = n + _ln(_dot(h, w3[...]) + b3[...], g[...], o[...])
    node_ref[...] = node
    pq_ref[0] = _dot(node, ws[...])
    pq_ref[1] = _dot(node, wd[...])


def _dec_body(p_ref, b1, w2, b2, w3, b3, out_ref):
    h = jax.nn.relu(p_ref[...] + b1[...])
    h = jax.nn.relu(_dot(h, w2[...]) + b2[...])
    out_ref[...] = _dot(h, w3[...]) + b3[...]



def _sc_relgather(mesh_x, mesh_y, srcs, dsts):
    n = mesh_x.shape[0]
    e = srcs.shape[0]
    epw = e // NW
    mesh = plsc.VectorSubcoreMesh(core_axis_name="c", subcore_axis_name="s", num_cores=NC, num_subcores=NS)

    @functools.partial(
        pl.kernel,
        out_type=(jax.ShapeDtypeStruct((e,), jnp.float32),
                  jax.ShapeDtypeStruct((e,), jnp.float32)),
        mesh=mesh,
        scratch_types=[
            pltpu.VMEM((n,), jnp.float32),
            pltpu.VMEM((n,), jnp.float32),
            pltpu.VMEM((epw,), jnp.int32),
            pltpu.VMEM((epw,), jnp.int32),
            pltpu.VMEM((epw,), jnp.float32),
            pltpu.VMEM((epw,), jnp.float32),
        ],
        compiler_params=pltpu.CompilerParams(needs_layout_passes=False),
    )
    def k(mx_hbm, my_hbm, s_hbm, d_hbm, rx_hbm, ry_hbm,
          xv, yv, sv, dv, rxv, ryv):
        wid = lax.axis_index("c") * NS + lax.axis_index("s")
        base = wid * epw
        pltpu.sync_copy(mx_hbm, xv)
        pltpu.sync_copy(my_hbm, yv)
        pltpu.sync_copy(s_hbm.at[pl.ds(base, epw)], sv)
        pltpu.sync_copy(d_hbm.at[pl.ds(base, epw)], dv)

        def body(i, _):
            sl = pl.ds(i * 16, 16)
            si = sv[sl]
            di = dv[sl]
            xs = plsc.load_gather(xv, [si])
            xd = plsc.load_gather(xv, [di])
            ys = plsc.load_gather(yv, [si])
            yd = plsc.load_gather(yv, [di])
            rxv[sl] = xs - xd
            ryv[sl] = ys - yd
            return 0

        lax.fori_loop(0, epw // 16, body, 0)
        pltpu.sync_copy(rxv, rx_hbm.at[pl.ds(base, epw)])
        pltpu.sync_copy(ryv, ry_hbm.at[pl.ds(base, epw)])

    return k(mesh_x, mesh_y, srcs, dsts)


def _sc_gather(r2, srcs3, dstsn3):
    nch = srcs3.shape[1]
    e = NW * nch * CH
    mesh = plsc.VectorSubcoreMesh(core_axis_name="c", subcore_axis_name="s", num_cores=NC, num_subcores=NS)

    @functools.partial(
        pl.kernel,
        out_type=jax.ShapeDtypeStruct((e, LAT), jnp.float32),
        mesh=mesh,
        scratch_types=[
            pltpu.VMEM((nch, CH), jnp.int32),
            pltpu.VMEM((nch, CH), jnp.int32),
            pltpu.VMEM((2, CH, LAT), jnp.float32),
            pltpu.VMEM((2, CH, LAT), jnp.float32),
            pltpu.SemaphoreType.DMA,
            pltpu.SemaphoreType.DMA,
            pltpu.SemaphoreType.DMA,
        ],
    )
    def k(r2_hbm, s3_hbm, d3_hbm, t_hbm,
          siv, div, bufs, bufd, semp, semq, semo):
        wid = lax.axis_index("c") * NS + lax.axis_index("s")
        base = wid * nch * CH
        pltpu.sync_copy(s3_hbm.at[wid], siv)
        pltpu.sync_copy(d3_hbm.at[wid], div)

        def start_gather(j, b):
            pltpu.async_copy(r2_hbm.at[siv.at[j]], bufs.at[b], semp)
            pltpu.async_copy(r2_hbm.at[div.at[j]], bufd.at[b], semq)

        def wait_gather(b):
            pltpu.make_async_copy(r2_hbm.at[siv.at[0]], bufs.at[b], semp).wait()
            pltpu.make_async_copy(r2_hbm.at[div.at[0]], bufd.at[b], semq).wait()

        def wait_store(b):
            pltpu.make_async_copy(
                bufs.at[b], t_hbm.at[pl.ds(base, CH)], semo).wait()

        start_gather(0, 0)

        def body(j, _):
            b = j % 2
            nb = 1 - b

            @pl.when(j >= 1)
            def _():
                wait_store(nb)

            @pl.when(j + 1 < nch)
            def _():
                start_gather(j + 1, nb)

            wait_gather(b)

            @pl.loop(0, CH, unroll=4)
            def _(i):
                for c in range(LAT // 16):
                    sl = pl.ds(c * 16, 16)
                    bufs[b, i, sl] = bufs[b, i, sl] + bufd[b, i, sl]

            pltpu.async_copy(bufs.at[b], t_hbm.at[pl.ds(base + j * CH, CH)],
                             semo)
            return 0

        lax.fori_loop(0, nch, body, 0)
        wait_store((nch - 1) % 2)

    return k(r2, srcs3, dstsn3)


def _sc_scatter(edge, dsts3, n):
    nch = dsts3.shape[1]
    npad = ((n + NS * 128 - 1) // (NS * 128)) * (NS * 128)
    npt = npad // NS
    nz = 128
    nzc = npt // nz
    mesh = plsc.VectorSubcoreMesh(core_axis_name="c", subcore_axis_name="s", num_cores=NC, num_subcores=NS)

    @functools.partial(
        pl.kernel,
        out_type=jax.ShapeDtypeStruct((NC, npad, LAT), jnp.float32),
        mesh=mesh,
        scratch_types=[
            pltpu.VMEM((nch, CH), jnp.int32),
            pltpu.VMEM((CH, LAT), jnp.float32),
            pltpu.VMEM((nz, LAT), jnp.float32),
            pltpu.VMEM_SHARED((npad, LAT), jnp.float32),
        ],
    )
    def k(e_hbm, d3_hbm, agg_hbm, div, bufr, bufz, acc):
        c = lax.axis_index("c")
        s = lax.axis_index("s")
        wid = c * NS + s
        base = wid * nch * CH
        pltpu.sync_copy(d3_hbm.at[wid], div)

        def zbody(i, _):
            def zrow(kk, __):
                bufz[i, pl.ds(kk * 16, 16)] = jnp.zeros((16,), jnp.float32)
                return 0
            lax.fori_loop(0, LAT // 16, zrow, 0)
            return 0

        lax.fori_loop(0, nz, zbody, 0)
        for t in range(nzc):
            pltpu.sync_copy(bufz, acc.at[pl.ds(s * npt + t * nz, nz)])
        plsc.subcore_barrier()

        def body(j, _):
            pltpu.sync_copy(e_hbm.at[pl.ds(base + j * CH, CH)], bufr)
            pltpu.sync_copy(bufr, acc.at[div.at[j]], add=True)
            return 0

        lax.fori_loop(0, nch, body, 0)
        plsc.subcore_barrier()
        for t in range(nzc):
            pltpu.sync_copy(acc.at[pl.ds(s * npt + t * nz, nz)], bufz)
            pltpu.sync_copy(bufz, agg_hbm.at[c, pl.ds(s * npt + t * nz, nz)])

    return k(edge, dsts3)



def kernel(node_type, velocity, mesh_pos, srcs, dsts, params):
    n = velocity.shape[1]
    e = srcs.shape[0]
    f32 = jnp.float32
    epw = e // NW
    nch = epw // CH
    bn = 2000
    be = 2000

    nn = params["node_norm"]
    en = params["edge_norm"]
    on = params["out_norm"]

    (nW1, nb1), (nW2, nb2), (nW3, nb3) = params["node_enc"]["layers"]
    ng, no = params["node_enc"]["ln"]
    nW1f = nW1 / nn["std"][:, None]
    nb1f = (nb1 - (nn["mean"] / nn["std"]) @ nW1).reshape(1, LAT)
    nW1p = jnp.zeros((LAT, LAT), f32).at[:11].set(nW1f)

    (eW1, eb1), (eW2, eb2), (eW3, eb3) = params["edge_enc"]["layers"]
    eg, eo = params["edge_enc"]["ln"]
    eW1f = eW1 / en["std"][:, None]
    eb1f = (eb1 - (en["mean"] / en["std"]) @ eW1).reshape(1, LAT)

    mp = params["mp"]
    st = lambda xs: jnp.stack(xs, 0)
    Ew1e = st([b["edge"]["layers"][0][0][:LAT] for b in mp])
    Ews = [b["edge"]["layers"][0][0][LAT:2 * LAT] for b in mp]
    Ewd = [b["edge"]["layers"][0][0][2 * LAT:] for b in mp]
    Eb1 = st([b["edge"]["layers"][0][1].reshape(1, LAT) for b in mp])
    Ew2 = st([b["edge"]["layers"][1][0] for b in mp])
    Eb2 = st([b["edge"]["layers"][1][1].reshape(1, LAT) for b in mp])
    Ew3 = st([b["edge"]["layers"][2][0] for b in mp])
    Eb3 = st([b["edge"]["layers"][2][1].reshape(1, LAT) for b in mp])
    Egs = st([b["edge"]["ln"][0].reshape(1, LAT) for b in mp])
    Eos = st([b["edge"]["ln"][1].reshape(1, LAT) for b in mp])

    Nw1a = st([b["node"]["layers"][0][0][:LAT] for b in mp])
    Nw1b = st([b["node"]["layers"][0][0][LAT:] for b in mp])
    Nb1 = st([b["node"]["layers"][0][1].reshape(1, LAT) for b in mp])
    Nw2 = st([b["node"]["layers"][1][0] for b in mp])
    Nb2 = st([b["node"]["layers"][1][1].reshape(1, LAT) for b in mp])
    Nw3 = st([b["node"]["layers"][2][0] for b in mp])
    Nb3 = st([b["node"]["layers"][2][1].reshape(1, LAT) for b in mp])
    Ngs = st([b["node"]["ln"][0].reshape(1, LAT) for b in mp])
    Nos = st([b["node"]["ln"][1].reshape(1, LAT) for b in mp])

    (dW1, db1), (dW2, db2), (dW3, db3) = params["decoder"]["layers"]
    dW3f = jnp.zeros((LAT, LAT), f32).at[:, :2].set(dW3 * on["std"][None, :])
    db3f = jnp.zeros((LAT,), f32).at[:2].set(db3 * on["std"] + on["mean"])
    Wsn = st(Ews[1:] + [dW1])
    Wdn = st(Ewd[1:] + [dW1])

    oh = jax.nn.one_hot(node_type, NTY, dtype=f32)
    nf = jnp.concatenate([velocity[0], oh], axis=-1)
    nfp = jnp.zeros((n, LAT), f32).at[:, :11].set(nf)

    mesh_x = mesh_pos[0, :, 0]
    mesh_y = mesh_pos[0, :, 1]
    srcs3 = srcs.reshape(NW, nch, CH)
    dsts3 = dsts.reshape(NW, nch, CH)
    dstsn3 = dsts3 + n

    relx, rely = _sc_relgather(mesh_x, mesh_y, srcs, dsts)

    w128 = _full((LAT, LAT))
    b128 = _full((1, LAT))
    node0, pq0 = pl.pallas_call(
        _enc_node_body,
        grid=(n // bn,),
        in_specs=[pl.BlockSpec((bn, LAT), lambda i: (i, 0))] + [w128, b128] * 3
                 + [b128, b128, w128, w128],
        out_specs=[pl.BlockSpec((bn, LAT), lambda i: (i, 0)),
                   pl.BlockSpec((2, bn, LAT), lambda i: (0, i, 0))],
        out_shape=[jax.ShapeDtypeStruct((n, LAT), f32),
                   jax.ShapeDtypeStruct((2, n, LAT), f32)],
    )(nfp, nW1p, nb1f, nW2, nb2.reshape(1, LAT), nW3, nb3.reshape(1, LAT),
      ng.reshape(1, LAT), no.reshape(1, LAT), Ews[0], Ewd[0])

    edge0 = pl.pallas_call(
        _enc_edge_body,
        grid=(e // be,),
        in_specs=[pl.BlockSpec((be, 1), lambda i: (i, 0))] * 2
                 + [b128] * 4 + [w128, b128, w128, b128, b128, b128],
        out_specs=pl.BlockSpec((be, LAT), lambda i: (i, 0)),
        out_shape=jax.ShapeDtypeStruct((e, LAT), f32),
    )(relx.reshape(e, 1), rely.reshape(e, 1),
      eW1f[0].reshape(1, LAT), eW1f[1].reshape(1, LAT), eW1f[2].reshape(1, LAT),
      eb1f, eW2, eb2.reshape(1, LAT), eW3, eb3.reshape(1, LAT),
      eg.reshape(1, LAT), eo.reshape(1, LAT))

    edge_call = pl.pallas_call(
        _edge_mlp_body,
        grid=(e // be,),
        in_specs=[pl.BlockSpec((be, LAT), lambda i: (i, 0))] * 2
                 + [w128, b128, w128, b128, w128, b128, b128, b128],
        out_specs=pl.BlockSpec((be, LAT), lambda i: (i, 0)),
        out_shape=jax.ShapeDtypeStruct((e, LAT), f32),
    )
    node_call = pl.pallas_call(
        _node_mlp_body,
        grid=(n // bn,),
        in_specs=[pl.BlockSpec((bn, LAT), lambda i: (i, 0)),
                  pl.BlockSpec((2, bn, LAT), lambda i: (0, i, 0))]
                 + [w128, w128, b128, w128, b128, w128, b128, b128, b128,
                    w128, w128],
        out_specs=[pl.BlockSpec((bn, LAT), lambda i: (i, 0)),
                   pl.BlockSpec((2, bn, LAT), lambda i: (0, i, 0))],
        out_shape=[jax.ShapeDtypeStruct((n, LAT), f32),
                   jax.ShapeDtypeStruct((2, n, LAT), f32)],
    )

    def round_body(r, carry):
        node, edge, r2 = carry
        t = _sc_gather(r2, srcs3, dstsn3)
        edge = edge_call(edge, t, Ew1e[r], Eb1[r], Ew2[r], Eb2[r],
                         Ew3[r], Eb3[r], Egs[r], Eos[r])
        aggp = _sc_scatter(edge, dsts3, n)
        node, pq = node_call(node, aggp, Nw1a[r], Nw1b[r], Nb1[r], Nw2[r],
                             Nb2[r], Nw3[r], Nb3[r], Ngs[r], Nos[r],
                             Wsn[r], Wdn[r])
        return node, edge, pq.reshape(2 * n, LAT)

    node, edge, r2 = lax.fori_loop(
        0, len(mp), round_body, (node0, edge0, pq0.reshape(2 * n, LAT)))

    outp = pl.pallas_call(
        _dec_body,
        grid=(n // bn,),
        in_specs=[pl.BlockSpec((bn, LAT), lambda i: (i, 0)),
                  b128, w128, b128, w128, b128],
        out_specs=pl.BlockSpec((bn, LAT), lambda i: (i, 0)),
        out_shape=jax.ShapeDtypeStruct((n, LAT), f32),
    )(r2[:n], db1.reshape(1, LAT), dW2, db2.reshape(1, LAT), dW3f,
      db3f.reshape(1, LAT))

    return outp[:, :2][None]

# --- scband reference (transcript-rebuilt; emitter-appended) ---
"""Pipeline reference for scband-cfd-model-40664750359028 (READ-ONLY COPY).

The authoritative reference and input builder live on the scoring server;
editing this copy changes nothing except your own understanding.
"""

import jax, jax.numpy as jnp
import numpy as np

NT_SIZE = 9
LATENT = 128
NUM_MP = 15


def _mlp_params(rng, dims, ln):
    layers = []
    for i in range(len(dims) - 1):
        W = jnp.asarray(rng.normal(0.0, 0.05, (dims[i], dims[i + 1])).astype(np.float32))
        b = jnp.zeros((dims[i + 1],), jnp.float32)
        layers.append((W, b))
    p = {"layers": layers}
    if ln:
        p["ln"] = (jnp.ones((dims[-1],), jnp.float32), jnp.zeros((dims[-1],), jnp.float32))
    return p


def _mlp(p, x):
    layers = p["layers"]
    for (W, b) in layers[:-1]:
        x = jax.nn.relu(x @ W + b)
    W, b = layers[-1]
    x = x @ W + b
    if "ln" in p:
        g, o = p["ln"]
        mu = x.mean(-1, keepdims=True)
        var = x.var(-1, keepdims=True)
        x = (x - mu) / jnp.sqrt(var + 1e-5) * g + o
    return x


def setup_inputs() -> dict:
    rng = np.random.default_rng(0)
    N, E, B = 10000, 320000, 1
    node_type = jnp.asarray(rng.integers(0, 7, (N,)), dtype=jnp.int32)
    velocity = jnp.asarray(rng.normal(size=(B, N, 2)).astype(np.float32))
    mesh_pos = jnp.asarray(rng.random((B, N, 2)).astype(np.float32))
    srcs = jnp.asarray(rng.integers(0, N, (E,)), dtype=jnp.int32)
    dsts = jnp.asarray(rng.integers(0, N, (E,)), dtype=jnp.int32)
    params = {
        "node_norm": {"mean": jnp.zeros((11,), jnp.float32), "std": jnp.ones((11,), jnp.float32)},
        "edge_norm": {"mean": jnp.zeros((3,), jnp.float32), "std": jnp.ones((3,), jnp.float32)},
        "out_norm": {"mean": jnp.zeros((2,), jnp.float32), "std": jnp.ones((2,), jnp.float32)},
        "node_enc": _mlp_params(rng, [11, LATENT, LATENT, LATENT], True),
        "edge_enc": _mlp_params(rng, [3, LATENT, LATENT, LATENT], True),
        "mp": [
            {
                "edge": _mlp_params(rng, [3 * LATENT, LATENT, LATENT, LATENT], True),
                "node": _mlp_params(rng, [2 * LATENT, LATENT, LATENT, LATENT], True),
            }
            for _ in range(NUM_MP)
        ],
        "decoder": _mlp_params(rng, [LATENT, LATENT, LATENT, 2], False),
    }
    return {
        "node_type": node_type,
        "velocity": velocity,
        "mesh_pos": mesh_pos,
        "srcs": srcs,
        "dsts": dsts,
        "params": params,
    }


def reference(node_type, velocity, mesh_pos, srcs, dsts, params):
    B, N = velocity.shape[0], velocity.shape[1]
    oh = jax.nn.one_hot(node_type, NT_SIZE, dtype=velocity.dtype)
    node_feat = jnp.concatenate([velocity, jnp.broadcast_to(oh[None], (B,) + oh.shape)], axis=-1)
    rel = mesh_pos[:, srcs, :] - mesh_pos[:, dsts, :]
    edge_feat = jnp.concatenate([rel, jnp.linalg.norm(rel, axis=-1, keepdims=True)], axis=-1)
    node_feat = (node_feat - params["node_norm"]["mean"]) / params["node_norm"]["std"]
    edge_feat = (edge_feat - params["edge_norm"]["mean"]) / params["edge_norm"]["std"]
    node = _mlp(params["node_enc"], node_feat)
    edge = _mlp(params["edge_enc"], edge_feat)
    for blk in params["mp"]:
        e_in = jnp.concatenate([edge, node[:, srcs, :], node[:, dsts, :]], axis=-1)
        edge = edge + _mlp(blk["edge"], e_in)
        agg = jax.vmap(lambda e: jax.ops.segment_sum(e, dsts, num_segments=N))(edge)
        node = node + _mlp(blk["node"], jnp.concatenate([node, agg], axis=-1))
    out = _mlp(params["decoder"], node)
    out = out * params["out_norm"]["std"] + params["out_norm"]["mean"]
    return out

if __name__ == "__main__":
    import jax
    _d = setup_inputs()
    print(jax.jit(kernel)(*tuple(_d.values())))

</pallas_src>

<mosaic_0001>
#map = affine_map<(d0, d1) -> (0)>
module attributes {stable_mosaic.version = 14 : i64} {
  func.func @k(%arg0: i32, %arg1: i32, %arg2: memref<10000xf32, #tpu.memory_space<hbm>>, %arg3: memref<10000xf32, #tpu.memory_space<hbm>>, %arg4: memref<320000xi32, #tpu.memory_space<hbm>>, %arg5: memref<320000xi32, #tpu.memory_space<hbm>>, %arg6: memref<320000xf32, #tpu.memory_space<hbm>>, %arg7: memref<320000xf32, #tpu.memory_space<hbm>>, %arg8: memref<10000xf32, #tpu.memory_space<vmem>>, %arg9: memref<10000xf32, #tpu.memory_space<vmem>>, %arg10: memref<10000xi32, #tpu.memory_space<vmem>>, %arg11: memref<10000xi32, #tpu.memory_space<vmem>>, %arg12: memref<10000xf32, #tpu.memory_space<vmem>>, %arg13: memref<10000xf32, #tpu.memory_space<vmem>>) attributes {dimension_semantics = [#tpu.dimension_semantics<core_parallel>, #tpu.dimension_semantics<subcore_parallel>], iteration_bounds = array<i64: 2, 16>, scalar_prefetch = 0 : i64, scratch_operands = 6 : i64, tpu.core_type = #tpu.core_type<sc_vector_subcore>, window_params = [{transform_indices = #map}, {transform_indices = #map}, {transform_indices = #map}, {transform_indices = #map}, {transform_indices = #map}, {transform_indices = #map}]} {
    %mul3A = arith.constant 16 : i32
    %mul3A_0 = arith.muli %arg0, %mul3A : i32
    %add3A = arith.addi %mul3A_0, %arg1 : i32
    %mul3A_1 = arith.constant 10000 : i32
    %mul3A_2 = arith.muli %add3A, %mul3A_1 : i32
    "tpu.region"() ({
      %run_scoped3A = tpu.sem_alloc : memref<!tpu.dma_semaphore, #tpu.memory_space<semaphore_mem>>
      tpu.enqueue_dma source(%arg2 : memref<10000xf32, #tpu.memory_space<hbm>>) target(%arg8 : memref<10000xf32, #tpu.memory_space<vmem>>) target_semaphore(%run_scoped3A : memref<!tpu.dma_semaphore, #tpu.memory_space<semaphore_mem>>)
      tpu.wait_dma2 semaphore(%run_scoped3A : memref<!tpu.dma_semaphore, #tpu.memory_space<semaphore_mem>>) src(%arg2 : memref<10000xf32, #tpu.memory_space<hbm>>) dst(%arg8 : memref<10000xf32, #tpu.memory_space<vmem>>)
      tpu.yield
    }) : () -> ()
    "tpu.region"() ({
      %run_scoped3A = tpu.sem_alloc : memref<!tpu.dma_semaphore, #tpu.memory_space<semaphore_mem>>
      tpu.enqueue_dma source(%arg3 : memref<10000xf32, #tpu.memory_space<hbm>>) target(%arg9 : memref<10000xf32, #tpu.memory_space<vmem>>) target_semaphore(%run_scoped3A : memref<!tpu.dma_semaphore, #tpu.memory_space<semaphore_mem>>)
      tpu.wait_dma2 semaphore(%run_scoped3A : memref<!tpu.dma_semaphore, #tpu.memory_space<semaphore_mem>>) src(%arg3 : memref<10000xf32, #tpu.memory_space<hbm>>) dst(%arg9 : memref<10000xf32, #tpu.memory_space<vmem>>)
      tpu.yield
    }) : () -> ()
    "tpu.region"() ({
      %run_scoped3A = tpu.sem_alloc : memref<!tpu.dma_semaphore, #tpu.memory_space<semaphore_mem>>
      %dma_start3A = tpu.memref_slice %arg4[%mul3A_2] : memref<320000xi32, #tpu.memory_space<hbm>> -> memref<10000xi32, #tpu.memory_space<hbm>>
      %dma_start3A_9 = tpu.memref_slice %arg4[%mul3A_2] : memref<320000xi32, #tpu.memory_space<hbm>> -> memref<10000xi32, #tpu.memory_space<hbm>>
      tpu.enqueue_dma source(%dma_start3A_9 : memref<10000xi32, #tpu.memory_space<hbm>>) target(%arg10 : memref<10000xi32, #tpu.memory_space<vmem>>) target_semaphore(%run_scoped3A : memref<!tpu.dma_semaphore, #tpu.memory_space<semaphore_mem>>)
      %dma_wait3A = tpu.memref_slice %arg4[%mul3A_2] : memref<320000xi32, #tpu.memory_space<hbm>> -> memref<10000xi32, #tpu.memory_space<hbm>>
      %dma_wait3A_10 = tpu.memref_slice %arg4[%mul3A_2] : memref<320000xi32, #tpu.memory_space<hbm>> -> memref<10000xi32, #tpu.memory_space<hbm>>
      tpu.wait_dma2 semaphore(%run_scoped3A : memref<!tpu.dma_semaphore, #tpu.memory_space<semaphore_mem>>) src(%dma_wait3A_10 : memref<10000xi32, #tpu.memory_space<hbm>>) dst(%arg10 : memref<10000xi32, #tpu.memory_space<vmem>>)
      tpu.yield
    }) : () -> ()
    "tpu.region"() ({
      %run_scoped3A = tpu.sem_alloc : memref<!tpu.dma_semaphore, #tpu.memory_space<semaphore_mem>>
      %dma_start3A = tpu.memref_slice %arg5[%mul3A_2] : memref<320000xi32, #tpu.memory_space<hbm>> -> memref<10000xi32, #tpu.memory_space<hbm>>
      %dma_start3A_9 = tpu.memref_slice %arg5[%mul3A_2] : memref<320000xi32, #tpu.memory_space<hbm>> -> memref<10000xi32, #tpu.memory_space<hbm>>
      tpu.enqueue_dma source(%dma_start3A_9 : memref<10000xi32, #tpu.memory_space<hbm>>) target(%arg11 : memref<10000xi32, #tpu.memory_space<vmem>>) target_semaphore(%run_scoped3A : memref<!tpu.dma_semaphore, #tpu.memory_space<semaphore_mem>>)
      %dma_wait3A = tpu.memref_slice %arg5[%mul3A_2] : memref<320000xi32, #tpu.memory_space<hbm>> -> memref<10000xi32, #tpu.memory_space<hbm>>
      %dma_wait3A_10 = tpu.memref_slice %arg5[%mul3A_2] : memref<320000xi32, #tpu.memory_space<hbm>> -> memref<10000xi32, #tpu.memory_space<hbm>>
      tpu.wait_dma2 semaphore(%run_scoped3A : memref<!tpu.dma_semaphore, #tpu.memory_space<semaphore_mem>>) src(%dma_wait3A_10 : memref<10000xi32, #tpu.memory_space<hbm>>) dst(%arg11 : memref<10000xi32, #tpu.memory_space<vmem>>)
      tpu.yield
    }) : () -> ()
    %scan3A = arith.constant 0 : i32
    %scan3A_3 = arith.constant 0 : i32
    %scan3A_4 = arith.constant 625 : i32
    %scan3A_5 = arith.addi %scan3A_3, %scan3A_4 : i32
    %scan3A_6 = arith.constant 1 : i32
    %scan3A_7 = scf.for %scan3A_9 = %scan3A_3 to %scan3A_5 step %scan3A_6 iter_args(%scan3A_10 = %scan3A) -> (i32)  : i32 {
      %mul3A_11 = arith.constant 16 : i32
      %mul3A_12 = arith.muli %scan3A_9, %mul3A_11 : i32
      %get3A = arith.index_cast %mul3A_12 : i32 to index
      %get3A_13 = tpu.vector_load %arg10[%get3A] {strides = array<i32>} : memref<10000xi32, #tpu.memory_space<vmem>>, vector<16xi32>,
      %get3A_14 = arith.index_cast %mul3A_12 : i32 to index
      %get3A_15 = tpu.vector_load %arg11[%get3A_14] {strides = array<i32>} : memref<10000xi32, #tpu.memory_space<vmem>>, vector<16xi32>,
      %gather3A = tpu.vector_load_idx %arg8[%get3A_13] : memref<10000xf32, #tpu.memory_space<vmem>>[vector<16xi32>], vector<16xf32>,
      %gather3A_16 = tpu.vector_load_idx %arg8[%get3A_15] : memref<10000xf32, #tpu.memory_space<vmem>>[vector<16xi32>], vector<16xf32>,
      %gather3A_17 = tpu.vector_load_idx %arg9[%get3A_13] : memref<10000xf32, #tpu.memory_space<vmem>>[vector<16xi32>], vector<16xf32>,
      %gather3A_18 = tpu.vector_load_idx %arg9[%get3A_15] : memref<10000xf32, #tpu.memory_space<vmem>>[vector<16xi32>], vector<16xf32>,
      %sub3A = arith.subf %gather3A, %gather3A_16 : vector<16xf32>
      %swap3A = arith.index_cast %mul3A_12 : i32 to index
      %swap3A_19 = tpu.vector_load %arg12[%swap3A] {strides = array<i32>} : memref<10000xf32, #tpu.memory_space<vmem>>, vector<16xf32>,
      tpu.vector_store %arg12[%swap3A], %sub3A {strides = array<i32>} : memref<10000xf32, #tpu.memory_space<vmem>>, vector<16xf32>,
      %sub3A_20 = arith.subf %gather3A_17, %gather3A_18 : vector<16xf32>
      %swap3A_21 = arith.index_cast %mul3A_12 : i32 to index
      %swap3A_22 = tpu.vector_load %arg13[%swap3A_21] {strides = array<i32>} : memref<10000xf32, #tpu.memory_space<vmem>>, vector<16xf32>,
      tpu.vector_store %arg13[%swap3A_21], %sub3A_20 {strides = array<i32>} : memref<10000xf32, #tpu.memory_space<vmem>>, vector<16xf32>,
      %scan3A_23 = arith.constant 0 : i32
      scf.yield %scan3A_23 : i32
    }
    %scan3A_8 = arith.constant 625 : i32
    "tpu.region"() ({
      %run_scoped3A = tpu.sem_alloc : memref<!tpu.dma_semaphore, #tpu.memory_space<semaphore_mem>>
      %dma_start3A = tpu.memref_slice %arg6[%mul3A_2] : memref<320000xf32, #tpu.memory_space<hbm>> -> memref<10000xf32, #tpu.memory_space<hbm>>
      %dma_start3A_9 = tpu.memref_slice %arg6[%mul3A_2] : memref<320000xf32, #tpu.memory_space<hbm>> -> memref<10000xf32, #tpu.memory_space<hbm>>
      tpu.enqueue_dma source(%arg12 : memref<10000xf32, #tpu.memory_space<vmem>>) target(%dma_start3A_9 : memref<10000xf32, #tpu.memory_space<hbm>>) target_semaphore(%run_scoped3A : memref<!tpu.dma_semaphore, #tpu.memory_space<semaphore_mem>>)
      %dma_wait3A = tpu.memref_slice %arg6[%mul3A_2] : memref<320000xf32, #tpu.memory_space<hbm>> -> memref<10000xf32, #tpu.memory_space<hbm>>
      %dma_wait3A_10 = tpu.memref_slice %arg6[%mul3A_2] : memref<320000xf32, #tpu.memory_space<hbm>> -> memref<10000xf32, #tpu.memory_space<hbm>>
      tpu.wait_dma2 semaphore(%run_scoped3A : memref<!tpu.dma_semaphore, #tpu.memory_space<semaphore_mem>>) src(%arg12 : memref<10000xf32, #tpu.memory_space<vmem>>) dst(%dma_wait3A_10 : memref<10000xf32, #tpu.memory_space<hbm>>)
      tpu.yield
    }) : () -> ()
    "tpu.region"() ({
      %run_scoped3A = tpu.sem_alloc : memref<!tpu.dma_semaphore, #tpu.memory_space<semaphore_mem>>
      %dma_start3A = tpu.memref_slice %arg7[%mul3A_2] : memref<320000xf32, #tpu.memory_space<hbm>> -> memref<10000xf32, #tpu.memory_space<hbm>>
      %dma_start3A_9 = tpu.memref_slice %arg7[%mul3A_2] : memref<320000xf32, #tpu.memory_space<hbm>> -> memref<10000xf32, #tpu.memory_space<hbm>>
      tpu.enqueue_dma source(%arg13 : memref<10000xf32, #tpu.memory_space<vmem>>) target(%dma_start3A_9 : memref<10000xf32, #tpu.memory_space<hbm>>) target_semaphore(%run_scoped3A : memref<!tpu.dma_semaphore, #tpu.memory_space<semaphore_mem>>)
      %dma_wait3A = tpu.memref_slice %arg7[%mul3A_2] : memref<320000xf32, #tpu.memory_space<hbm>> -> memref<10000xf32, #tpu.memory_space<hbm>>
      %dma_wait3A_10 = tpu.memref_slice %arg7[%mul3A_2] : memref<320000xf32, #tpu.memory_space<hbm>> -> memref<10000xf32, #tpu.memory_space<hbm>>
      tpu.wait_dma2 semaphore(%run_scoped3A : memref<!tpu.dma_semaphore, #tpu.memory_space<semaphore_mem>>) src(%arg13 : memref<10000xf32, #tpu.memory_space<vmem>>) dst(%dma_wait3A_10 : memref<10000xf32, #tpu.memory_space<hbm>>)
      tpu.yield
    }) : () -> ()
    return
  }
}

#map = affine_map<(d0, d1) -> (0, 0)>
#map1 = affine_map<(d0, d1) -> (0, 0, 0)>
module attributes {stable_mosaic.version = 14 : i64} {
  func.func @k(%arg0: i32, %arg1: i32, %arg2: memref<320000x128xf32, #tpu.memory_space<hbm>>, %arg3: memref<32x125x80xi32, #tpu.memory_space<hbm>>, %arg4: memref<2x10240x128xf32, #tpu.memory_space<hbm>>, %arg5: memref<125x80xi32, #tpu.memory_space<vmem>>, %arg6: memref<80x128xf32, #tpu.memory_space<vmem>>, %arg7: memref<128x128xf32, #tpu.memory_space<vmem>>, %arg8: memref<10240x128xf32, #tpu.memory_space<vmem_shared>>) attributes {dimension_semantics = [#tpu.dimension_semantics<core_parallel>, #tpu.dimension_semantics<subcore_parallel>], iteration_bounds = array<i64: 2, 16>, scalar_prefetch = 0 : i64, scratch_operands = 4 : i64, tpu.core_type = #tpu.core_type<sc_vector_subcore>, window_params = [{transform_indices = #map}, {transform_indices = #map1}, {transform_indices = #map1}]} {
    %mul3A = arith.constant 16 : i32
    %mul3A_0 = arith.muli %arg0, %mul3A : i32
    %add3A = arith.addi %mul3A_0, %arg1 : i32
    %mul3A_1 = arith.constant 125 : i32
    %mul3A_2 = arith.muli %add3A, %mul3A_1 : i32
    %mul3A_3 = arith.constant 80 : i32
    %mul3A_4 = arith.muli %mul3A_2, %mul3A_3 : i32
    "tpu.region"() ({
      %run_scoped3A = tpu.sem_alloc : memref<!tpu.dma_semaphore, #tpu.memory_space<semaphore_mem>>
      %dma_start3A = arith.constant 0 : i32
      %dma_start3A_79 = arith.constant 0 : i32
      %dma_start3A_80 = tpu.memref_slice %arg3[%add3A, %dma_start3A, %dma_start3A_79] : memref<32x125x80xi32, #tpu.memory_space<hbm>> -> memref<1x125x80xi32, #tpu.memory_space<hbm>>
      %dma_start3A_81 = tpu.memref_squeeze %dma_start3A_80 : memref<1x125x80xi32, #tpu.memory_space<hbm>> -> memref<125x80xi32, #tpu.memory_space<hbm>>
      %dma_start3A_82 = arith.constant 0 : i32
      %dma_start3A_83 = arith.constant 0 : i32
      %dma_start3A_84 = tpu.memref_slice %arg3[%add3A, %dma_start3A_82, %dma_start3A_83] : memref<32x125x80xi32, #tpu.memory_space<hbm>> -> memref<1x125x80xi32, #tpu.memory_space<hbm>>
      %dma_start3A_85 = tpu.memref_squeeze %dma_start3A_84 : memref<1x125x80xi32, #tpu.memory_space<hbm>> -> memref<125x80xi32, #tpu.memory_space<hbm>>
      tpu.enqueue_dma source(%dma_start3A_85 : memref<125x80xi32, #tpu.memory_space<hbm>>) target(%arg5 : memref<125x80xi32, #tpu.memory_space<vmem>>) target_semaphore(%run_scoped3A : memref<!tpu.dma_semaphore, #tpu.memory_space<semaphore_mem>>)
      %dma_wait3A = arith.constant 0 : i32
      %dma_wait3A_86 = arith.constant 0 : i32
      %dma_wait3A_87 = tpu.memref_slice %arg3[%add3A, %dma_wait3A, %dma_wait3A_86] : memref<32x125x80xi32, #tpu.memory_space<hbm>> -> memref<1x125x80xi32, #tpu.memory_space<hbm>>
      %dma_wait3A_88 = tpu.memref_squeeze %dma_wait3A_87 : memref<1x125x80xi32, #tpu.memory_space<hbm>> -> memref<125x80xi32, #tpu.memory_space<hbm>>
      %dma_wait3A_89 = arith.constant 0 : i32
      %dma_wait3A_90 = arith.constant 0 : i32
      %dma_wait3A_91 = tpu.memref_slice %arg3[%add3A, %dma_wait3A_89, %dma_wait3A_90] : memref<32x125x80xi32, #tpu.memory_space<hbm>> -> memref<1x125x80xi32, #tpu.memory_space<hbm>>
      %dma_wait3A_92 = tpu.memref_squeeze %dma_wait3A_91 : memref<1x125x80xi32, #tpu.memory_space<hbm>> -> memref<125x80xi32, #tpu.memory_space<hbm>>
      tpu.wait_dma2 semaphore(%run_scoped3A : memref<!tpu.dma_semaphore, #tpu.memory_space<semaphore_mem>>) src(%dma_wait3A_92 : memref<125x80xi32, #tpu.memory_space<hbm>>) dst(%arg5 : memref<125x80xi32, #tpu.memory_space<vmem>>)
      tpu.yield
    }) : () -> ()
    %scan3A = arith.constant 0 : i32
    %scan3A_5 = arith.constant 0 : i32
    %scan3A_6 = arith.constant 128 : i32
    %scan3A_7 = arith.addi %scan3A_5, %scan3A_6 : i32
    %scan3A_8 = arith.constant 1 : i32
    %scan3A_9 = scf.for %scan3A_79 = %scan3A_5 to %scan3A_7 step %scan3A_8 iter_args(%scan3A_80 = %scan3A) -> (i32)  : i32 {
      %scan3A_81 = arith.constant 0 : i32
      %scan3A_82 = arith.constant 0 : i32
      %scan3A_83 = arith.constant 8 : i32
      %scan3A_84 = arith.addi %scan3A_82, %scan3A_83 : i32
      %scan3A_85 = arith.constant 1 : i32
      %scan3A_86 = scf.for %scan3A_89 = %scan3A_82 to %scan3A_84 step %scan3A_85 iter_args(%scan3A_90 = %scan3A_81) -> (i32)  : i32 {
        %broadcast_in_dim3A = arith.constant 0.000000e+00 : f32
        %broadcast_in_dim3A_91 = vector.broadcast %broadcast_in_dim3A : f32 to vector<16xf32>
        %mul3A_92 = arith.constant 16 : i32
        %mul3A_93 = arith.muli %scan3A_89, %mul3A_92 : i32
        %swap3A = arith.index_cast %scan3A_79 : i32 to index
        %swap3A_94 = arith.index_cast %mul3A_93 : i32 to index
        %swap3A_95 = tpu.vector_load %arg7[%swap3A, %swap3A_94] {strides = array<i32>} : memref<128x128xf32, #tpu.memory_space<vmem>>, vector<1x16xf32>,
        %swap3A_96 = vector.shape_cast %swap3A_95 : vector<1x16xf32> to vector<16xf32>
        %swap3A_97 = vector.shape_cast %broadcast_in_dim3A_91 : vector<16xf32> to vector<1x16xf32>
        tpu.vector_store %arg7[%swap3A, %swap3A_94], %swap3A_97 {strides = array<i32>} : memref<128x128xf32, #tpu.memory_space<vmem>>, vector<1x16xf32>,
        %scan3A_98 = arith.constant 0 : i32
        scf.yield %scan3A_98 : i32
      }
      %scan3A_87 = arith.constant 8 : i32
      %scan3A_88 = arith.constant 0 : i32
      scf.yield %scan3A_88 : i32
    }
    %scan3A_10 = arith.constant 128 : i32
    %mul3A_11 = arith.constant 640 : i32
    %mul3A_12 = arith.muli %arg1, %mul3A_11 : i32
    %add3A_13 = arith.constant 0 : i32
    %add3A_14 = arith.addi %mul3A_12, %add3A_13 : i32
    "tpu.region"() ({
      %run_scoped3A = tpu.sem_alloc : memref<!tpu.dma_semaphore, #tpu.memory_space<semaphore_mem>>
      %dma_start3A = arith.constant 0 : i32
      %dma_start3A_79 = tpu.memref_slice %arg8[%add3A_14, %dma_start3A] : memref<10240x128xf32, #tpu.memory_space<vmem_shared>> -> memref<128x128xf32, #tpu.memory_space<vmem_shared>>
      %dma_start3A_80 = arith.constant 0 : i32
      %dma_start3A_81 = tpu.memref_slice %arg8[%add3A_14, %dma_start3A_80] : memref<10240x128xf32, #tpu.memory_space<vmem_shared>> -> memref<128x128xf32, #tpu.memory_space<vmem_shared>>
      tpu.enqueue_dma source(%arg7 : memref<128x128xf32, #tpu.memory_space<vmem>>) target(%dma_start3A_81 : memref<128x128xf32, #tpu.memory_space<vmem_shared>>) target_semaphore(%run_scoped3A : memref<!tpu.dma_semaphore, #tpu.memory_space<semaphore_mem>>)
      %dma_wait3A = arith.constant 0 : i32
      %dma_wait3A_82 = tpu.memref_slice %arg8[%add3A_14, %dma_wait3A] : memref<10240x128xf32, #tpu.memory_space<vmem_shared>> -> memref<128x128xf32, #tpu.memory_space<vmem_shared>>
      %dma_wait3A_83 = arith.constant 0 : i32
      %dma_wait3A_84 = tpu.memref_slice %arg8[%add3A_14, %dma_wait3A_83] : memref<10240x128xf32, #tpu.memory_space<vmem_shared>> -> memref<128x128xf32, #tpu.memory_space<vmem_shared>>
      tpu.wait_dma2 semaphore(%run_scoped3A : memref<!tpu.dma_semaphore, #tpu.memory_space<semaphore_mem>>) src(%arg7 : memref<128x128xf32, #tpu.memory_space<vmem>>) dst(%dma_wait3A_84 : memref<128x128xf32, #tpu.memory_space<vmem_shared>>)
      tpu.yield
    }) : () -> ()
    %mul3A_15 = arith.constant 640 : i32
    %mul3A_16 = arith.muli %arg1, %mul3A_15 : i32
    %add3A_17 = arith.constant 128 : i32
    %add3A_18 = arith.addi %mul3A_16, %add3A_17 : i32
    "tpu.region"() ({
      %run_scoped3A = tpu.sem_alloc : memref<!tpu.dma_semaphore, #tpu.memory_space<semaphore_mem>>
      %dma_start3A = arith.constant 0 : i32
      %dma_start3A_79 = tpu.memref_slice %arg8[%add3A_18, %dma_start3A] : memref<10240x128xf32, #tpu.memory_space<vmem_shared>> -> memref<128x128xf32, #tpu.memory_space<vmem_shared>>
      %dma_start3A_80 = arith.constant 0 : i32
      %dma_start3A_81 = tpu.memref_slice %arg8[%add3A_18, %dma_start3A_80] : memref<10240x128xf32, #tpu.memory_space<vmem_shared>> -> memref<128x128xf32, #tpu.memory_space<vmem_shared>>
      tpu.enqueue_dma source(%arg7 : memref<128x128xf32, #tpu.memory_space<vmem>>) target(%dma_start3A_81 : memref<128x128xf32, #tpu.memory_space<vmem_shared>>) target_semaphore(%run_scoped3A : memref<!tpu.dma_semaphore, #tpu.memory_space<semaphore_mem>>)
      %dma_wait3A = arith.constant 0 : i32
      %dma_wait3A_82 = tpu.memref_slice %arg8[%add3A_18, %dma_wait3A] : memref<10240x128xf32, #tpu.memory_space<vmem_shared>> -> memref<128x128xf32, #tpu.memory_space<vmem_shared>>
      %dma_wait3A_83 = arith.constant 0 : i32
      %dma_wait3A_84 = tpu.memref_slice %arg8[%add3A_18, %dma_wait3A_83] : memref<10240x128xf32, #tpu.memory_space<vmem_shared>> -> memref<128x128xf32, #tpu.memory_space<vmem_shared>>
      tpu.wait_dma2 semaphore(%run_scoped3A : memref<!tpu.dma_semaphore, #tpu.memory_space<semaphore_mem>>) src(%arg7 : memref<128x128xf32, #tpu.memory_space<vmem>>) dst(%dma_wait3A_84 : memref<128x128xf32, #tpu.memory_space<vmem_shared>>)
      tpu.yield
    }) : () -> ()
    %mul3A_19 = arith.constant 640 : i32
    %mul3A_20 = arith.muli %arg1, %mul3A_19 : i32
    %add3A_21 = arith.constant 256 : i32
    %add3A_22 = arith.addi %mul3A_20, %add3A_21 : i32
    "tpu.region"() ({
      %run_scoped3A = tpu.sem_alloc : memref<!tpu.dma_semaphore, #tpu.memory_space<semaphore_mem>>
      %dma_start3A = arith.constant 0 : i32
      %dma_start3A_79 = tpu.memref_slice %arg8[%add3A_22, %dma_start3A] : memref<10240x128xf32, #tpu.memory_space<vmem_shared>> -> memref<128x128xf32, #tpu.memory_space<vmem_shared>>
      %dma_start3A_80 = arith.constant 0 : i32
      %dma_start3A_81 = tpu.memref_slice %arg8[%add3A_22, %dma_start3A_80] : memref<10240x128xf32, #tpu.memory_space<vmem_shared>> -> memref<128x128xf32, #tpu.memory_space<vmem_shared>>
      tpu.enqueue_dma source(%arg7 : memref<128x128xf32, #tpu.memory_space<vmem>>) target(%dma_start3A_81 : memref<128x128xf32, #tpu.memory_space<vmem_shared>>) target_semaphore(%run_scoped3A : memref<!tpu.dma_semaphore, #tpu.memory_space<semaphore_mem>>)
      %dma_wait3A = arith.constant 0 : i32
      %dma_wait3A_82 = tpu.memref_slice %arg8[%add3A_22, %dma_wait3A] : memref<10240x128xf32, #tpu.memory_space<vmem_shared>> -> memref<128x128xf32, #tpu.memory_space<vmem_shared>>
      %dma_wait3A_83 = arith.constant 0 : i32
      %dma_wait3A_84 = tpu.memref_slice %arg8[%add3A_22, %dma_wait3A_83] : memref<10240x128xf32, #tpu.memory_space<vmem_shared>> -> memref<128x128xf32, #tpu.memory_space<vmem_shared>>
      tpu.wait_dma2 semaphore(%run_scoped3A : memref<!tpu.dma_semaphore, #tpu.memory_space<semaphore_mem>>) src(%arg7 : memref<128x128xf32, #tpu.memory_space<vmem>>) dst(%dma_wait3A_84 : memref<128x128xf32, #tpu.memory_space<vmem_shared>>)
      tpu.yield
    }) : () -> ()
    %mul3A_23 = arith.constant 640 : i32
    %mul3A_24 = arith.muli %arg1, %mul3A_23 : i32
    %add3A_25 = arith.constant 384 : i32
    %add3A_26 = arith.addi %mul3A_24, %add3A_25 : i32
    "tpu.region"() ({
      %run_scoped3A = tpu.sem_alloc : memref<!tpu.dma_semaphore, #tpu.memory_space<semaphore_mem>>
      %dma_start3A = arith.constant 0 : i32
      %dma_start3A_79 = tpu.memref_slice %arg8[%add3A_26, %dma_start3A] : memref<10240x128xf32, #tpu.memory_space<vmem_shared>> -> memref<128x128xf32, #tpu.memory_space<vmem_shared>>
      %dma_start3A_80 = arith.constant 0 : i32
      %dma_start3A_81 = tpu.memref_slice %arg8[%add3A_26, %dma_start3A_80] : memref<10240x128xf32, #tpu.memory_space<vmem_shared>> -> memref<128x128xf32, #tpu.memory_space<vmem_shared>>
      tpu.enqueue_dma source(%arg7 : memref<128x128xf32, #tpu.memory_space<vmem>>) target(%dma_start3A_81 : memref<128x128xf32, #tpu.memory_space<vmem_shared>>) target_semaphore(%run_scoped3A : memref<!tpu.dma_semaphore, #tpu.memory_space<semaphore_mem>>)
      %dma_wait3A = arith.constant 0 : i32
      %dma_wait3A_82 = tpu.memref_slice %arg8[%add3A_26, %dma_wait3A] : memref<10240x128xf32, #tpu.memory_space<vmem_shared>> -> memref<128x128xf32, #tpu.memory_space<vmem_shared>>
      %dma_wait3A_83 = arith.constant 0 : i32
      %dma_wait3A_84 = tpu.memref_slice %arg8[%add3A_26, %dma_wait3A_83] : memref<10240x128xf32, #tpu.memory_space<vmem_shared>> -> memref<128x128xf32, #tpu.memory_space<vmem_shared>>
      tpu.wait_dma2 semaphore(%run_scoped3A : memref<!tpu.dma_semaphore, #tpu.memory_space<semaphore_mem>>) src(%arg7 : memref<128x128xf32, #tpu.memory_space<vmem>>) dst(%dma_wait3A_84 : memref<128x128xf32, #tpu.memory_space<vmem_shared>>)
      tpu.yield
    }) : () -> ()
    %mul3A_27 = arith.constant 640 : i32
    %mul3A_28 = arith.muli %arg1, %mul3A_27 : i32
    %add3A_29 = arith.constant 512 : i32
    %add3A_30 = arith.addi %mul3A_28, %add3A_29 : i32
    "tpu.region"() ({
      %run_scoped3A = tpu.sem_alloc : memref<!tpu.dma_semaphore, #tpu.memory_space<semaphore_mem>>
      %dma_start3A = arith.constant 0 : i32
      %dma_start3A_79 = tpu.memref_slice %arg8[%add3A_30, %dma_start3A] : memref<10240x128xf32, #tpu.memory_space<vmem_shared>> -> memref<128x128xf32, #tpu.memory_space<vmem_shared>>
      %dma_start3A_80 = arith.constant 0 : i32
      %dma_start3A_81 = tpu.memref_slice %arg8[%add3A_30, %dma_start3A_80] : memref<10240x128xf32, #tpu.memory_space<vmem_shared>> -> memref<128x128xf32, #tpu.memory_space<vmem_shared>>
      tpu.enqueue_dma source(%arg7 : memref<128x128xf32, #tpu.memory_space<vmem>>) target(%dma_start3A_81 : memref<128x128xf32, #tpu.memory_space<vmem_shared>>) target_semaphore(%run_scoped3A : memref<!tpu.dma_semaphore, #tpu.memory_space<semaphore_mem>>)
      %dma_wait3A = arith.constant 0 : i32
      %dma_wait3A_82 = tpu.memref_slice %arg8[%add3A_30, %dma_wait3A] : memref<10240x128xf32, #tpu.memory_space<vmem_shared>> -> memref<128x128xf32, #tpu.memory_space<vmem_shared>>
      %dma_wait3A_83 = arith.constant 0 : i32
      %dma_wait3A_84 = tpu.memref_slice %arg8[%add3A_30, %dma_wait3A_83] : memref<10240x128xf32, #tpu.memory_space<vmem_shared>> -> memref<128x128xf32, #tpu.memory_space<vmem_shared>>
      tpu.wait_dma2 semaphore(%run_scoped3A : memref<!tpu.dma_semaphore, #tpu.memory_space<semaphore_mem>>) src(%arg7 : memref<128x128xf32, #tpu.memory_space<vmem>>) dst(%dma_wait3A_84 : memref<128x128xf32, #tpu.memory_space<vmem_shared>>)
      tpu.yield
    }) : () -> ()
    %barrier3A = arith.constant 0 : index
    tpu.barrier barrier_id(%barrier3A)
    %scan3A_31 = arith.constant 0 : i32
    %scan3A_32 = arith.constant 0 : i32
    %scan3A_33 = arith.constant 125 : i32
    %scan3A_34 = arith.addi %scan3A_32, %scan3A_33 : i32
    %scan3A_35 = arith.constant 1 : i32
    %scan3A_36 = scf.for %scan3A_79 = %scan3A_32 to %scan3A_34 step %scan3A_35 iter_args(%scan3A_80 = %scan3A_31) -> (i32)  : i32 {
      %mul3A_81 = arith.constant 80 : i32
      %mul3A_82 = arith.muli %scan3A_79, %mul3A_81 : i32
      %add3A_83 = arith.addi %mul3A_4, %mul3A_82 : i32
      "tpu.region"() ({
        %run_scoped3A = tpu.sem_alloc : memref<!tpu.dma_semaphore, #tpu.memory_space<semaphore_mem>>
        %dma_start3A = arith.constant 0 : i32
        %dma_start3A_85 = tpu.memref_slice %arg2[%add3A_83, %dma_start3A] : memref<320000x128xf32, #tpu.memory_space<hbm>> -> memref<80x128xf32, #tpu.memory_space<hbm>>
        %dma_start3A_86 = arith.constant 0 : i32
        %dma_start3A_87 = tpu.memref_slice %arg2[%add3A_83, %dma_start3A_86] : memref<320000x128xf32, #tpu.memory_space<hbm>> -> memref<80x128xf32, #tpu.memory_space<hbm>>
        tpu.enqueue_dma source(%dma_start3A_87 : memref<80x128xf32, #tpu.memory_space<hbm>>) target(%arg6 : memref<80x128xf32, #tpu.memory_space<vmem>>) target_semaphore(%run_scoped3A : memref<!tpu.dma_semaphore, #tpu.memory_space<semaphore_mem>>)
        %dma_wait3A = arith.constant 0 : i32
        %dma_wait3A_88 = tpu.memref_slice %arg2[%add3A_83, %dma_wait3A] : memref<320000x128xf32, #tpu.memory_space<hbm>> -> memref<80x128xf32, #tpu.memory_space<hbm>>
        %dma_wait3A_89 = arith.constant 0 : i32
        %dma_wait3A_90 = tpu.memref_slice %arg2[%add3A_83, %dma_wait3A_89] : memref<320000x128xf32, #tpu.memory_space<hbm>> -> memref<80x128xf32, #tpu.memory_space<hbm>>
        tpu.wait_dma2 semaphore(%run_scoped3A : memref<!tpu.dma_semaphore, #tpu.memory_space<semaphore_mem>>) src(%dma_wait3A_90 : memref<80x128xf32, #tpu.memory_space<hbm>>) dst(%arg6 : memref<80x128xf32, #tpu.memory_space<vmem>>)
        tpu.yield
      }) : () -> ()
      "tpu.region"() ({
        %run_scoped3A = tpu.sem_alloc : memref<!tpu.dma_semaphore, #tpu.memory_space<semaphore_mem>>
        %dma_start3A = arith.constant 0 : i32
        %dma_start3A_85 = tpu.memref_slice %arg5[%scan3A_79, %dma_start3A] : memref<125x80xi32, #tpu.memory_space<vmem>> -> memref<1x80xi32, #tpu.memory_space<vmem>>
        %dma_start3A_86 = tpu.memref_squeeze %dma_start3A_85 : memref<1x80xi32, #tpu.memory_space<vmem>> -> memref<80xi32, #tpu.memory_space<vmem>>
        %dma_start3A_87 = arith.constant 0 : i32
        %dma_start3A_88 = arith.constant 0 : i32
        %dma_start3A_89 = tpu.memref_slice %arg8[%dma_start3A_87, %dma_start3A_88] : memref<10240x128xf32, #tpu.memory_space<vmem_shared>> -> memref<10240x128xf32, #tpu.memory_space<vmem_shared>>
        tpu.enqueue_indirect_dma source(%arg6 : memref<80x128xf32, #tpu.memory_space<vmem>>) target(%dma_start3A_89 : memref<10240x128xf32, #tpu.memory_space<vmem_shared>>) offsets(%dma_start3A_86 : memref<80xi32, #tpu.memory_space<vmem>>) semaphore(%run_scoped3A : memref<!tpu.dma_semaphore, #tpu.memory_space<semaphore_mem>>) {add = true}
        %dma_wait3A = arith.constant 0 : i32
        %dma_wait3A_90 = tpu.memref_slice %arg5[%scan3A_79, %dma_wait3A] : memref<125x80xi32, #tpu.memory_space<vmem>> -> memref<1x80xi32, #tpu.memory_space<vmem>>
        %dma_wait3A_91 = tpu.memref_squeeze %dma_wait3A_90 : memref<1x80xi32, #tpu.memory_space<vmem>> -> memref<80xi32, #tpu.memory_space<vmem>>
        %dma_wait3A_92 = arith.constant 0 : i32
        %dma_wait3A_93 = arith.constant 0 : i32
        %dma_wait3A_94 = tpu.memref_slice %arg8[%dma_wait3A_92, %dma_wait3A_93] : memref<10240x128xf32, #tpu.memory_space<vmem_shared>> -> memref<10240x128xf32, #tpu.memory_space<vmem_shared>>
        tpu.wait_indirect_dma semaphore(%run_scoped3A : memref<!tpu.dma_semaphore, #tpu.memory_space<semaphore_mem>>) src(%arg6 : memref<80x128xf32, #tpu.memory_space<vmem>>) dst(%dma_wait3A_94 : memref<10240x128xf32, #tpu.memory_space<vmem_shared>>)
        tpu.yield
      }) : () -> ()
      %scan3A_84 = arith.constant 0 : i32
      scf.yield %scan3A_84 : i32
    }
    %scan3A_37 = arith.constant 125 : i32
    %barrier3A_38 = arith.constant 0 : index
    tpu.barrier barrier_id(%barrier3A_38)
    %mul3A_39 = arith.constant 640 : i32
    %mul3A_40 = arith.muli %arg1, %mul3A_39 : i32
    %add3A_41 = arith.constant 0 : i32
    %add3A_42 = arith.addi %mul3A_40, %add3A_41 : i32
    "tpu.region"() ({
      %run_scoped3A = tpu.sem_alloc : memref<!tpu.dma_semaphore, #tpu.memory_space<semaphore_mem>>
      %dma_start3A = arith.constant 0 : i32
      %dma_start3A_79 = tpu.memref_slice %arg8[%add3A_42, %dma_start3A] : memref<10240x128xf32, #tpu.memory_space<vmem_shared>> -> memref<128x128xf32, #tpu.memory_space<vmem_shared>>
      %dma_start3A_80 = arith.constant 0 : i32
      %dma_start3A_81 = tpu.memref_slice %arg8[%add3A_42, %dma_start3A_80] : memref<10240x128xf32, #tpu.memory_space<vmem_shared>> -> memref<128x128xf32, #tpu.memory_space<vmem_shared>>
      tpu.enqueue_dma source(%dma_start3A_81 : memref<128x128xf32, #tpu.memory_space<vmem_shared>>) target(%arg7 : memref<128x128xf32, #tpu.memory_space<vmem>>) target_semaphore(%run_scoped3A : memref<!tpu.dma_semaphore, #tpu.memory_space<semaphore_mem>>)
      %dma_wait3A = arith.constant 0 : i32
      %dma_wait3A_82 = tpu.memref_slice %arg8[%add3A_42, %dma_wait3A] : memref<10240x128xf32, #tpu.memory_space<vmem_shared>> -> memref<128x128xf32, #tpu.memory_space<vmem_shared>>
      %dma_wait3A_83 = arith.constant 0 : i32
      %dma_wait3A_84 = tpu.memref_slice %arg8[%add3A_42, %dma_wait3A_83] : memref<10240x128xf32, #tpu.memory_space<vmem_shared>> -> memref<128x128xf32, #tpu.memory_space<vmem_shared>>
      tpu.wait_dma2 semaphore(%run_scoped3A : memref<!tpu.dma_semaphore, #tpu.memory_space<semaphore_mem>>) src(%dma_wait3A_84 : memref<128x128xf32, #tpu.memory_space<vmem_shared>>) dst(%arg7 : memref<128x128xf32, #tpu.memory_space<vmem>>)
      tpu.yield
    }) : () -> ()
    %mul3A_43 = arith.constant 640 : i32
    %mul3A_44 = arith.muli %arg1, %mul3A_43 : i32
    %add3A_45 = arith.constant 0 : i32
    %add3A_46 = arith.addi %mul3A_44, %add3A_45 : i32
    "tpu.region"() ({
      %run_scoped3A = tpu.sem_alloc : memref<!tpu.dma_semaphore, #tpu.memory_space<semaphore_mem>>
      %dma_start3A = arith.constant 0 : i32
      %dma_start3A_79 = tpu.memref_slice %arg4[%arg0, %add3A_46, %dma_start3A] : memref<2x10240x128xf32, #tpu.memory_space<hbm>> -> memref<1x128x128xf32, #tpu.memory_space<hbm>>
      %dma_start3A_80 = tpu.memref_squeeze %dma_start3A_79 : memref<1x128x128xf32, #tpu.memory_space<hbm>> -> memref<128x128xf32, #tpu.memory_space<hbm>>
      %dma_start3A_81 = arith.constant 0 : i32
      %dma_start3A_82 = tpu.memref_slice %arg4[%arg0, %add3A_46, %dma_start3A_81] : memref<2x10240x128xf32, #tpu.memory_space<hbm>> -> memref<1x128x128xf32, #tpu.memory_space<hbm>>
      %dma_start3A_83 = tpu.memref_squeeze %dma_start3A_82 : memref<1x128x128xf32, #tpu.memory_space<hbm>> -> memref<128x128xf32, #tpu.memory_space<hbm>>
      tpu.enqueue_dma source(%arg7 : memref<128x128xf32, #tpu.memory_space<vmem>>) target(%dma_start3A_83 : memref<128x128xf32, #tpu.memory_space<hbm>>) target_semaphore(%run_scoped3A : memref<!tpu.dma_semaphore, #tpu.memory_space<semaphore_mem>>)
      %dma_wait3A = arith.constant 0 : i32
      %dma_wait3A_84 = tpu.memref_slice %arg4[%arg0, %add3A_46, %dma_wait3A] : memref<2x10240x128xf32, #tpu.memory_space<hbm>> -> memref<1x128x128xf32, #tpu.memory_space<hbm>>
      %dma_wait3A_85 = tpu.memref_squeeze %dma_wait3A_84 : memref<1x128x128xf32, #tpu.memory_space<hbm>> -> memref<128x128xf32, #tpu.memory_space<hbm>>
      %dma_wait3A_86 = arith.constant 0 : i32
      %dma_wait3A_87 = tpu.memref_slice %arg4[%arg0, %add3A_46, %dma_wait3A_86] : memref<2x10240x128xf32, #tpu.memory_space<hbm>> -> memref<1x128x128xf32, #tpu.memory_space<hbm>>
      %dma_wait3A_88 = tpu.memref_squeeze %dma_wait3A_87 : memref<1x128x128xf32, #tpu.memory_space<hbm>> -> memref<128x128xf32, #tpu.memory_space<hbm>>
      tpu.wait_dma2 semaphore(%run_scoped3A : memref<!tpu.dma_semaphore, #tpu.memory_space<semaphore_mem>>) src(%arg7 : memref<128x128xf32, #tpu.memory_space<vmem>>) dst(%dma_wait3A_88 : memref<128x128xf32, #tpu.memory_space<hbm>>)
      tpu.yield
    }) : () -> ()
    %mul3A_47 = arith.constant 640 : i32
    %mul3A_48 = arith.muli %arg1, %mul3A_47 : i32
    %add3A_49 = arith.constant 128 : i32
    %add3A_50 = arith.addi %mul3A_48, %add3A_49 : i32
    "tpu.region"() ({
      %run_scoped3A = tpu.sem_alloc : memref<!tpu.dma_semaphore, #tpu.memory_space<semaphore_mem>>
      %dma_start3A = arith.constant 0 : i32
      %dma_start3A_79 = tpu.memref_slice %arg8[%add3A_50, %dma_start3A] : memref<10240x128xf32, #tpu.memory_space<vmem_shared>> -> memref<128x128xf32, #tpu.memory_space<vmem_shared>>
      %dma_start3A_80 = arith.constant 0 : i32
      %dma_start3A_81 = tpu.memref_slice %arg8[%add3A_50, %dma_start3A_80] : memref<10240x128xf32, #tpu.memory_space<vmem_shared>> -> memref<128x128xf32, #tpu.memory_space<vmem_shared>>
      tpu.enqueue_dma source(%dma_start3A_81 : memref<128x128xf32, #tpu.memory_space<vmem_shared>>) target(%arg7 : memref<128x128xf32, #tpu.memory_space<vmem>>) target_semaphore(%run_scoped3A : memref<!tpu.dma_semaphore, #tpu.memory_space<semaphore_mem>>)
      %dma_wait3A = arith.constant 0 : i32
      %dma_wait3A_82 = tpu.memref_slice %arg8[%add3A_50, %dma_wait3A] : memref<10240x128xf32, #tpu.memory_space<vmem_shared>> -> memref<128x128xf32, #tpu.memory_space<vmem_shared>>
      %dma_wait3A_83 = arith.constant 0 : i32
      %dma_wait3A_84 = tpu.memref_slice %arg8[%add3A_50, %dma_wait3A_83] : memref<10240x128xf32, #tpu.memory_space<vmem_shared>> -> memref<128x128xf32, #tpu.memory_space<vmem_shared>>
      tpu.wait_dma2 semaphore(%run_scoped3A : memref<!tpu.dma_semaphore, #tpu.memory_space<semaphore_mem>>) src(%dma_wait3A_84 : memref<128x128xf32, #tpu.memory_space<vmem_shared>>) dst(%arg7 : memref<128x128xf32, #tpu.memory_space<vmem>>)
      tpu.yield
    }) : () -> ()
    %mul3A_51 = arith.constant 640 : i32
    %mul3A_52 = arith.muli %arg1, %mul3A_51 : i32
    %add3A_53 = arith.constant 128 : i32
    %add3A_54 = arith.addi %mul3A_52, %add3A_53 : i32
    "tpu.region"() ({
      %run_scoped3A = tpu.sem_alloc : memref<!tpu.dma_semaphore, #tpu.memory_space<semaphore_mem>>
      %dma_start3A = arith.constant 0 : i32
      %dma_start3A_79 = tpu.memref_slice %arg4[%arg0, %add3A_54, %dma_start3A] : memref<2x10240x128xf32, #tpu.memory_space<hbm>> -> memref<1x128x128xf32, #tpu.memory_space<hbm>>
      %dma_start3A_80 = tpu.memref_squeeze %dma_start3A_79 : memref<1x128x128xf32, #tpu.memory_space<hbm>> -> memref<128x128xf32, #tpu.memory_space<hbm>>
      %dma_start3A_81 = arith.constant 0 : i32
      %dma_start3A_82 = tpu.memref_slice %arg4[%arg0, %add3A_54, %dma_start3A_81] : memref<2x10240x128xf32, #tpu.memory_space<hbm>> -> memref<1x128x128xf32, #tpu.memory_space<hbm>>
      %dma_start3A_83 = tpu.memref_squeeze %dma_start3A_82 : memref<1x128x128xf32, #tpu.memory_space<hbm>> -> memref<128x128xf32, #tpu.memory_space<hbm>>
      tpu.enqueue_dma source(%arg7 : memref<128x128xf32, #tpu.memory_space<vmem>>) target(%dma_start3A_83 : memref<128x128xf32, #tpu.memory_space<hbm>>) target_semaphore(%run_scoped3A : memref<!tpu.dma_semaphore, #tpu.memory_space<semaphore_mem>>)
      %dma_wait3A = arith.constant 0 : i32
      %dma_wait3A_84 = tpu.memref_slice %arg4[%arg0, %add3A_54, %dma_wait3A] : memref<2x10240x128xf32, #tpu.memory_space<hbm>> -> memref<1x128x128xf32, #tpu.memory_space<hbm>>
      %dma_wait3A_85 = tpu.memref_squeeze %dma_wait3A_84 : memref<1x128x128xf32, #tpu.memory_space<hbm>> -> memref<128x128xf32, #tpu.memory_space<hbm>>
      %dma_wait3A_86 = arith.constant 0 : i32
      %dma_wait3A_87 = tpu.memref_slice %arg4[%arg0, %add3A_54, %dma_wait3A_86] : memref<2x10240x128xf32, #tpu.memory_space<hbm>> -> memref<1x128x128xf32, #tpu.memory_space<hbm>>
      %dma_wait3A_88 = tpu.memref_squeeze %dma_wait3A_87 : memref<1x128x128xf32, #tpu.memory_space<hbm>> -> memref<128x128xf32, #tpu.memory_space<hbm>>
      tpu.wait_dma2 semaphore(%run_scoped3A : memref<!tpu.dma_semaphore, #tpu.memory_space<semaphore_mem>>) src(%arg7 : memref<128x128xf32, #tpu.memory_space<vmem>>) dst(%dma_wait3A_88 : memref<128x128xf32, #tpu.memory_space<hbm>>)
      tpu.yield
    }) : () -> ()
    %mul3A_55 = arith.constant 640 : i32
    %mul3A_56 = arith.muli %arg1, %mul3A_55 : i32
    %add3A_57 = arith.constant 256 : i32
    %add3A_58 = arith.addi %mul3A_56, %add3A_57 : i32
    "tpu.region"() ({
      %run_scoped3A = tpu.sem_alloc : memref<!tpu.dma_semaphore, #tpu.memory_space<semaphore_mem>>
      %dma_start3A = arith.constant 0 : i32
      %dma_start3A_79 = tpu.memref_slice %arg8[%add3A_58, %dma_start3A] : memref<10240x128xf32, #tpu.memory_space<vmem_shared>> -> memref<128x128xf32, #tpu.memory_space<vmem_shared>>
      %dma_start3A_80 = arith.constant 0 : i32
      %dma_start3A_81 = tpu.memref_slice %arg8[%add3A_58, %dma_start3A_80] : memref<10240x128xf32, #tpu.memory_space<vmem_shared>> -> memref<128x128xf32, #tpu.memory_space<vmem_shared>>
      tpu.enqueue_dma source(%dma_start3A_81 : memref<128x128xf32, #tpu.memory_space<vmem_shared>>) target(%arg7 : memref<128x128xf32, #tpu.memory_space<vmem>>) target_semaphore(%run_scoped3A : memref<!tpu.dma_semaphore, #tpu.memory_space<semaphore_mem>>)
      %dma_wait3A = arith.constant 0 : i32
      %dma_wait3A_82 = tpu.memref_slice %arg8[%add3A_58, %dma_wait3A] : memref<10240x128xf32, #tpu.memory_space<vmem_shared>> -> memref<128x128xf32, #tpu.memory_space<vmem_shared>>
      %dma_wait3A_83 = arith.constant 0 : i32
      %dma_wait3A_84 = tpu.memref_slice %arg8[%add3A_58, %dma_wait3A_83] : memref<10240x128xf32, #tpu.memory_space<vmem_shared>> -> memref<128x128xf32, #tpu.memory_space<vmem_shared>>
      tpu.wait_dma2 semaphore(%run_scoped3A : memref<!tpu.dma_semaphore, #tpu.memory_space<semaphore_mem>>) src(%dma_wait3A_84 : memref<128x128xf32, #tpu.memory_space<vmem_shared>>) dst(%arg7 : memref<128x128xf32, #tpu.memory_space<vmem>>)
      tpu.yield
    }) : () -> ()
    %mul3A_59 = arith.constant 640 : i32
    %mul3A_60 = arith.muli %arg1, %mul3A_59 : i32
    %add3A_61 = arith.constant 256 : i32
    %add3A_62 = arith.addi %mul3A_60, %add3A_61 : i32
    "tpu.region"() ({
      %run_scoped3A = tpu.sem_alloc : memref<!tpu.dma_semaphore, #tpu.memory_space<semaphore_mem>>
      %dma_start3A = arith.constant 0 : i32
      %dma_start3A_79 = tpu.memref_slice %arg4[%arg0, %add3A_62, %dma_start3A] : memref<2x10240x128xf32, #tpu.memory_space<hbm>> -> memref<1x128x128xf32, #tpu.memory_space<hbm>>
      %dma_start3A_80 = tpu.memref_squeeze %dma_start3A_79 : memref<1x128x128xf32, #tpu.memory_space<hbm>> -> memref<128x128xf32, #tpu.memory_space<hbm>>
      %dma_start3A_81 = arith.constant 0 : i32
      %dma_start3A_82 = tpu.memref_slice %arg4[%arg0, %add3A_62, %dma_start3A_81] : memref<2x10240x128xf32, #tpu.memory_space<hbm>> -> memref<1x128x128xf32, #tpu.memory_space<hbm>>
      %dma_start3A_83 = tpu.memref_squeeze %dma_start3A_82 : memref<1x128x128xf32, #tpu.memory_space<hbm>> -> memref<128x128xf32, #tpu.memory_space<hbm>>
      tpu.enqueue_dma source(%arg7 : memref<128x128xf32, #tpu.memory_space<vmem>>) target(%dma_start3A_83 : memref<128x128xf32, #tpu.memory_space<hbm>>) target_semaphore(%run_scoped3A : memref<!tpu.dma_semaphore, #tpu.memory_space<semaphore_mem>>)
      %dma_wait3A = arith.constant 0 : i32
      %dma_wait3A_84 = tpu.memref_slice %arg4[%arg0, %add3A_62, %dma_wait3A] : memref<2x10240x128xf32, #tpu.memory_space<hbm>> -> memref<1x128x128xf32, #tpu.memory_space<hbm>>
      %dma_wait3A_85 = tpu.memref_squeeze %dma_wait3A_84 : memref<1x128x128xf32, #tpu.memory_space<hbm>> -> memref<128x128xf32, #tpu.memory_space<hbm>>
      %dma_wait3A_86 = arith.constant 0 : i32
      %dma_wait3A_87 = tpu.memref_slice %arg4[%arg0, %add3A_62, %dma_wait3A_86] : memref<2x10240x128xf32, #tpu.memory_space<hbm>> -> memref<1x128x128xf32, #tpu.memory_space<hbm>>
      %dma_wait3A_88 = tpu.memref_squeeze %dma_wait3A_87 : memref<1x128x128xf32, #tpu.memory_space<hbm>> -> memref<128x128xf32, #tpu.memory_space<hbm>>
      tpu.wait_dma2 semaphore(%run_scoped3A : memref<!tpu.dma_semaphore, #tpu.memory_space<semaphore_mem>>) src(%arg7 : memref<128x128xf32, #tpu.memory_space<vmem>>) dst(%dma_wait3A_88 : memref<128x128xf32, #tpu.memory_space<hbm>>)
      tpu.yield
    }) : () -> ()
    %mul3A_63 = arith.constant 640 : i32
    %mul3A_64 = arith.muli %arg1, %mul3A_63 : i32
    %add3A_65 = arith.constant 384 : i32
    %add3A_66 = arith.addi %mul3A_64, %add3A_65 : i32
    "tpu.region"() ({
      %run_scoped3A = tpu.sem_alloc : memref<!tpu.dma_semaphore, #tpu.memory_space<semaphore_mem>>
      %dma_start3A = arith.constant 0 : i32
      %dma_start3A_79 = tpu.memref_slice %arg8[%add3A_66, %dma_start3A] : memref<10240x128xf32, #tpu.memory_space<vmem_shared>> -> memref<128x128xf32, #tpu.memory_space<vmem_shared>>
      %dma_start3A_80 = arith.constant 0 : i32
      %dma_start3A_81 = tpu.memref_slice %arg8[%add3A_66, %dma_start3A_80] : memref<10240x128xf32, #tpu.memory_space<vmem_shared>> -> memref<128x128xf32, #tpu.memory_space<vmem_shared>>
      tpu.enqueue_dma source(%dma_start3A_81 : memref<128x128xf32, #tpu.memory_space<vmem_shared>>) target(%arg7 : memref<128x128xf32, #tpu.memory_space<vmem>>) target_semaphore(%run_scoped3A : memref<!tpu.dma_semaphore, #tpu.memory_space<semaphore_mem>>)
      %dma_wait3A = arith.constant 0 : i32
      %dma_wait3A_82 = tpu.memref_slice %arg8[%add3A_66, %dma_wait3A] : memref<10240x128xf32, #tpu.memory_space<vmem_shared>> -> memref<128x128xf32, #tpu.memory_space<vmem_shared>>
      %dma_wait3A_83 = arith.constant 0 : i32
      %dma_wait3A_84 = tpu.memref_slice %arg8[%add3A_66, %dma_wait3A_83] : memref<10240x128xf32, #tpu.memory_space<vmem_shared>> -> memref<128x128xf32, #tpu.memory_space<vmem_shared>>
      tpu.wait_dma2 semaphore(%run_scoped3A : memref<!tpu.dma_semaphore, #tpu.memory_space<semaphore_mem>>) src(%dma_wait3A_84 : memref<128x128xf32, #tpu.memory_space<vmem_shared>>) dst(%arg7 : memref<128x128xf32, #tpu.memory_space<vmem>>)
      tpu.yield
    }) : () -> ()
    %mul3A_67 = arith.constant 640 : i32
    %mul3A_68 = arith.muli %arg1, %mul3A_67 : i32
    %add3A_69 = arith.constant 384 : i32
    %add3A_70 = arith.addi %mul3A_68, %add3A_69 : i32
    "tpu.region"() ({
      %run_scoped3A = tpu.sem_alloc : memref<!tpu.dma_semaphore, #tpu.memory_space<semaphore_mem>>
      %dma_start3A = arith.constant 0 : i32
      %dma_start3A_79 = tpu.memref_slice %arg4[%arg0, %add3A_70, %dma_start3A] : memref<2x10240x128xf32, #tpu.memory_space<hbm>> -> memref<1x128x128xf32, #tpu.memory_space<hbm>>
      %dma_start3A_80 = tpu.memref_squeeze %dma_start3A_79 : memref<1x128x128xf32, #tpu.memory_space<hbm>> -> memref<128x128xf32, #tpu.memory_space<hbm>>
      %dma_start3A_81 = arith.constant 0 : i32
      %dma_start3A_82 = tpu.memref_slice %arg4[%arg0, %add3A_70, %dma_start3A_81] : memref<2x10240x128xf32, #tpu.memory_space<hbm>> -> memref<1x128x128xf32, #tpu.memory_space<hbm>>
      %dma_start3A_83 = tpu.memref_squeeze %dma_start3A_82 : memref<1x128x128xf32, #tpu.memory_space<hbm>> -> memref<128x128xf32, #tpu.memory_space<hbm>>
      tpu.enqueue_dma source(%arg7 : memref<128x128xf32, #tpu.memory_space<vmem>>) target(%dma_start3A_83 : memref<128x128xf32, #tpu.memory_space<hbm>>) target_semaphore(%run_scoped3A : memref<!tpu.dma_semaphore, #tpu.memory_space<semaphore_mem>>)
      %dma_wait3A = arith.constant 0 : i32
      %dma_wait3A_84 = tpu.memref_slice %arg4[%arg0, %add3A_70, %dma_wait3A] : memref<2x10240x128xf32, #tpu.memory_space<hbm>> -> memref<1x128x128xf32, #tpu.memory_space<hbm>>
      %dma_wait3A_85 = tpu.memref_squeeze %dma_wait3A_84 : memref<1x128x128xf32, #tpu.memory_space<hbm>> -> memref<128x128xf32, #tpu.memory_space<hbm>>
      %dma_wait3A_86 = arith.constant 0 : i32
      %dma_wait3A_87 = tpu.memref_slice %arg4[%arg0, %add3A_70, %dma_wait3A_86] : memref<2x10240x128xf32, #tpu.memory_space<hbm>> -> memref<1x128x128xf32, #tpu.memory_space<hbm>>
      %dma_wait3A_88 = tpu.memref_squeeze %dma_wait3A_87 : memref<1x128x128xf32, #tpu.memory_space<hbm>> -> memref<128x128xf32, #tpu.memory_space<hbm>>
      tpu.wait_dma2 semaphore(%run_scoped3A : memref<!tpu.dma_semaphore, #tpu.memory_space<semaphore_mem>>) src(%arg7 : memref<128x128xf32, #tpu.memory_space<vmem>>) dst(%dma_wait3A_88 : memref<128x128xf32, #tpu.memory_space<hbm>>)
      tpu.yield
    }) : () -> ()
    %mul3A_71 = arith.constant 640 : i32
    %mul3A_72 = arith.muli %arg1, %mul3A_71 : i32
    %add3A_73 = arith.constant 512 : i32
    %add3A_74 = arith.addi %mul3A_72, %add3A_73 : i32
    "tpu.region"() ({
      %run_scoped3A = tpu.sem_alloc : memref<!tpu.dma_semaphore, #tpu.memory_space<semaphore_mem>>
      %dma_start3A = arith.constant 0 : i32
      %dma_start3A_79 = tpu.memref_slice %arg8[%add3A_74, %dma_start3A] : memref<10240x128xf32, #tpu.memory_space<vmem_shared>> -> memref<128x128xf32, #tpu.memory_space<vmem_shared>>
      %dma_start3A_80 = arith.constant 0 : i32
      %dma_start3A_81 = tpu.memref_slice %arg8[%add3A_74, %dma_start3A_80] : memref<10240x128xf32, #tpu.memory_space<vmem_shared>> -> memref<128x128xf32, #tpu.memory_space<vmem_shared>>
      tpu.enqueue_dma source(%dma_start3A_81 : memref<128x128xf32, #tpu.memory_space<vmem_shared>>) target(%arg7 : memref<128x128xf32, #tpu.memory_space<vmem>>) target_semaphore(%run_scoped3A : memref<!tpu.dma_semaphore, #tpu.memory_space<semaphore_mem>>)
      %dma_wait3A = arith.constant 0 : i32
      %dma_wait3A_82 = tpu.memref_slice %arg8[%add3A_74, %dma_wait3A] : memref<10240x128xf32, #tpu.memory_space<vmem_shared>> -> memref<128x128xf32, #tpu.memory_space<vmem_shared>>
      %dma_wait3A_83 = arith.constant 0 : i32
      %dma_wait3A_84 = tpu.memref_slice %arg8[%add3A_74, %dma_wait3A_83] : memref<10240x128xf32, #tpu.memory_space<vmem_shared>> -> memref<128x128xf32, #tpu.memory_space<vmem_shared>>
      tpu.wait_dma2 semaphore(%run_scoped3A : memref<!tpu.dma_semaphore, #tpu.memory_space<semaphore_mem>>) src(%dma_wait3A_84 : memref<128x128xf32, #tpu.memory_space<vmem_shared>>) dst(%arg7 : memref<128x128xf32, #tpu.memory_space<vmem>>)
      tpu.yield
    }) : () -> ()
    %mul3A_75 = arith.constant 640 : i32
    %mul3A_76 = arith.muli %arg1, %mul3A_75 : i32
    %add3A_77 = arith.constant 512 : i32
    %add3A_78 = arith.addi %mul3A_76, %add3A_77 : i32
    "tpu.region"() ({
      %run_scoped3A = tpu.sem_alloc : memref<!tpu.dma_semaphore, #tpu.memory_space<semaphore_mem>>
      %dma_start3A = arith.constant 0 : i32
      %dma_start3A_79 = tpu.memref_slice %arg4[%arg0, %add3A_78, %dma_start3A] : memref<2x10240x128xf32, #tpu.memory_space<hbm>> -> memref<1x128x128xf32, #tpu.memory_space<hbm>>
      %dma_start3A_80 = tpu.memref_squeeze %dma_start3A_79 : memref<1x128x128xf32, #tpu.memory_space<hbm>> -> memref<128x128xf32, #tpu.memory_space<hbm>>
      %dma_start3A_81 = arith.constant 0 : i32
      %dma_start3A_82 = tpu.memref_slice %arg4[%arg0, %add3A_78, %dma_start3A_81] : memref<2x10240x128xf32, #tpu.memory_space<hbm>> -> memref<1x128x128xf32, #tpu.memory_space<hbm>>
      %dma_start3A_83 = tpu.memref_squeeze %dma_start3A_82 : memref<1x128x128xf32, #tpu.memory_space<hbm>> -> memref<128x128xf32, #tpu.memory_space<hbm>>
      tpu.enqueue_dma source(%arg7 : memref<128x128xf32, #tpu.memory_space<vmem>>) target(%dma_start3A_83 : memref<128x128xf32, #tpu.memory_space<hbm>>) target_semaphore(%run_scoped3A : memref<!tpu.dma_semaphore, #tpu.memory_space<semaphore_mem>>)
      %dma_wait3A = arith.constant 0 : i32
      %dma_wait3A_84 = tpu.memref_slice %arg4[%arg0, %add3A_78, %dma_wait3A] : memref<2x10240x128xf32, #tpu.memory_space<hbm>> -> memref<1x128x128xf32, #tpu.memory_space<hbm>>
      %dma_wait3A_85 = tpu.memref_squeeze %dma_wait3A_84 : memref<1x128x128xf32, #tpu.memory_space<hbm>> -> memref<128x128xf32, #tpu.memory_space<hbm>>
      %dma_wait3A_86 = arith.constant 0 : i32
      %dma_wait3A_87 = tpu.memref_slice %arg4[%arg0, %add3A_78, %dma_wait3A_86] : memref<2x10240x128xf32, #tpu.memory_space<hbm>> -> memref<1x128x128xf32, #tpu.memory_space<hbm>>
      %dma_wait3A_88 = tpu.memref_squeeze %dma_wait3A_87 : memref<1x128x128xf32, #tpu.memory_space<hbm>> -> memref<128x128xf32, #tpu.memory_space<hbm>>
      tpu.wait_dma2 semaphore(%run_scoped3A : memref<!tpu.dma_semaphore, #tpu.memory_space<semaphore_mem>>) src(%arg7 : memref<128x128xf32, #tpu.memory_space<vmem>>) dst(%dma_wait3A_88 : memref<128x128xf32, #tpu.memory_space<hbm>>)
      tpu.yield
    }) : () -> ()
    return
  }
}

#map = affine_map<(d0, d1) -> (0, 0)>
#map1 = affine_map<(d0, d1) -> (0, 0, 0)>
module attributes {stable_mosaic.version = 14 : i64} {
  func.func @k(%arg0: i32, %arg1: i32, %arg2: memref<20000x128xf32, #tpu.memory_space<hbm>>, %arg3: memref<32x125x80xi32, #tpu.memory_space<hbm>>, %arg4: memref<32x125x80xi32, #tpu.memory_space<hbm>>, %arg5: memref<320000x128xf32, #tpu.memory_space<hbm>>, %arg6: memref<125x80xi32, #tpu.memory_space<vmem>>, %arg7: memref<125x80xi32, #tpu.memory_space<vmem>>, %arg8: memref<2x80x128xf32, #tpu.memory_space<vmem>>, %arg9: memref<2x80x128xf32, #tpu.memory_space<vmem>>, %arg10: memref<!tpu.dma_semaphore, #tpu.memory_space<semaphore_mem>>, %arg11: memref<!tpu.dma_semaphore, #tpu.memory_space<semaphore_mem>>, %arg12: memref<!tpu.dma_semaphore, #tpu.memory_space<semaphore_mem>>) attributes {dimension_semantics = [#tpu.dimension_semantics<core_parallel>, #tpu.dimension_semantics<subcore_parallel>], iteration_bounds = array<i64: 2, 16>, scalar_prefetch = 0 : i64, scratch_operands = 7 : i64, tpu.core_type = #tpu.core_type<sc_vector_subcore>, window_params = [{transform_indices = #map}, {transform_indices = #map1}, {transform_indices = #map1}, {transform_indices = #map}]} {
    %mul3A = arith.constant 16 : i32
    %mul3A_0 = arith.muli %arg0, %mul3A : i32
    %add3A = arith.addi %mul3A_0, %arg1 : i32
    %mul3A_1 = arith.constant 125 : i32
    %mul3A_2 = arith.muli %add3A, %mul3A_1 : i32
    %mul3A_3 = arith.constant 80 : i32
    %mul3A_4 = arith.muli %mul3A_2, %mul3A_3 : i32
    "tpu.region"() ({
      %run_scoped3A = tpu.sem_alloc : memref<!tpu.dma_semaphore, #tpu.memory_space<semaphore_mem>>
      %dma_start3A_46 = arith.constant 0 : i32
      %dma_start3A_47 = arith.constant 0 : i32
      %dma_start3A_48 = tpu.memref_slice %arg3[%add3A, %dma_start3A_46, %dma_start3A_47] : memref<32x125x80xi32, #tpu.memory_space<hbm>> -> memref<1x125x80xi32, #tpu.memory_space<hbm>>
      %dma_start3A_49 = tpu.memref_squeeze %dma_start3A_48 : memref<1x125x80xi32, #tpu.memory_space<hbm>> -> memref<125x80xi32, #tpu.memory_space<hbm>>
      %dma_start3A_50 = arith.constant 0 : i32
      %dma_start3A_51 = arith.constant 0 : i32
      %dma_start3A_52 = tpu.memref_slice %arg3[%add3A, %dma_start3A_50, %dma_start3A_51] : memref<32x125x80xi32, #tpu.memory_space<hbm>> -> memref<1x125x80xi32, #tpu.memory_space<hbm>>
      %dma_start3A_53 = tpu.memref_squeeze %dma_start3A_52 : memref<1x125x80xi32, #tpu.memory_space<hbm>> -> memref<125x80xi32, #tpu.memory_space<hbm>>
      tpu.enqueue_dma source(%dma_start3A_53 : memref<125x80xi32, #tpu.memory_space<hbm>>) target(%arg6 : memref<125x80xi32, #tpu.memory_space<vmem>>) target_semaphore(%run_scoped3A : memref<!tpu.dma_semaphore, #tpu.memory_space<semaphore_mem>>)
      %dma_wait3A_54 = arith.constant 0 : i32
      %dma_wait3A_55 = arith.constant 0 : i32
      %dma_wait3A_56 = tpu.memref_slice %arg3[%add3A, %dma_wait3A_54, %dma_wait3A_55] : memref<32x125x80xi32, #tpu.memory_space<hbm>> -> memref<1x125x80xi32, #tpu.memory_space<hbm>>
      %dma_wait3A_57 = tpu.memref_squeeze %dma_wait3A_56 : memref<1x125x80xi32, #tpu.memory_space<hbm>> -> memref<125x80xi32, #tpu.memory_space<hbm>>
      %dma_wait3A_58 = arith.constant 0 : i32
      %dma_wait3A_59 = arith.constant 0 : i32
      %dma_wait3A_60 = tpu.memref_slice %arg3[%add3A, %dma_wait3A_58, %dma_wait3A_59] : memref<32x125x80xi32, #tpu.memory_space<hbm>> -> memref<1x125x80xi32, #tpu.memory_space<hbm>>
      %dma_wait3A_61 = tpu.memref_squeeze %dma_wait3A_60 : memref<1x125x80xi32, #tpu.memory_space<hbm>> -> memref<125x80xi32, #tpu.memory_space<hbm>>
      tpu.wait_dma2 semaphore(%run_scoped3A : memref<!tpu.dma_semaphore, #tpu.memory_space<semaphore_mem>>) src(%dma_wait3A_61 : memref<125x80xi32, #tpu.memory_space<hbm>>) dst(%arg6 : memref<125x80xi32, #tpu.memory_space<vmem>>)
      tpu.yield
    }) : () -> ()
    "tpu.region"() ({
      %run_scoped3A = tpu.sem_alloc : memref<!tpu.dma_semaphore, #tpu.memory_space<semaphore_mem>>
      %dma_start3A_46 = arith.constant 0 : i32
      %dma_start3A_47 = arith.constant 0 : i32
      %dma_start3A_48 = tpu.memref_slice %arg4[%add3A, %dma_start3A_46, %dma_start3A_47] : memref<32x125x80xi32, #tpu.memory_space<hbm>> -> memref<1x125x80xi32, #tpu.memory_space<hbm>>
      %dma_start3A_49 = tpu.memref_squeeze %dma_start3A_48 : memref<1x125x80xi32, #tpu.memory_space<hbm>> -> memref<125x80xi32, #tpu.memory_space<hbm>>
      %dma_start3A_50 = arith.constant 0 : i32
      %dma_start3A_51 = arith.constant 0 : i32
      %dma_start3A_52 = tpu.memref_slice %arg4[%add3A, %dma_start3A_50, %dma_start3A_51] : memref<32x125x80xi32, #tpu.memory_space<hbm>> -> memref<1x125x80xi32, #tpu.memory_space<hbm>>
      %dma_start3A_53 = tpu.memref_squeeze %dma_start3A_52 : memref<1x125x80xi32, #tpu.memory_space<hbm>> -> memref<125x80xi32, #tpu.memory_space<hbm>>
      tpu.enqueue_dma source(%dma_start3A_53 : memref<125x80xi32, #tpu.memory_space<hbm>>) target(%arg7 : memref<125x80xi32, #tpu.memory_space<vmem>>) target_semaphore(%run_scoped3A : memref<!tpu.dma_semaphore, #tpu.memory_space<semaphore_mem>>)
      %dma_wait3A_54 = arith.constant 0 : i32
      %dma_wait3A_55 = arith.constant 0 : i32
      %dma_wait3A_56 = tpu.memref_slice %arg4[%add3A, %dma_wait3A_54, %dma_wait3A_55] : memref<32x125x80xi32, #tpu.memory_space<hbm>> -> memref<1x125x80xi32, #tpu.memory_space<hbm>>
      %dma_wait3A_57 = tpu.memref_squeeze %dma_wait3A_56 : memref<1x125x80xi32, #tpu.memory_space<hbm>> -> memref<125x80xi32, #tpu.memory_space<hbm>>
      %dma_wait3A_58 = arith.constant 0 : i32
      %dma_wait3A_59 = arith.constant 0 : i32
      %dma_wait3A_60 = tpu.memref_slice %arg4[%add3A, %dma_wait3A_58, %dma_wait3A_59] : memref<32x125x80xi32, #tpu.memory_space<hbm>> -> memref<1x125x80xi32, #tpu.memory_space<hbm>>
      %dma_wait3A_61 = tpu.memref_squeeze %dma_wait3A_60 : memref<1x125x80xi32, #tpu.memory_space<hbm>> -> memref<125x80xi32, #tpu.memory_space<hbm>>
      tpu.wait_dma2 semaphore(%run_scoped3A : memref<!tpu.dma_semaphore, #tpu.memory_space<semaphore_mem>>) src(%dma_wait3A_61 : memref<125x80xi32, #tpu.memory_space<hbm>>) dst(%arg7 : memref<125x80xi32, #tpu.memory_space<vmem>>)
      tpu.yield
    }) : () -> ()
    %dma_start3A = arith.constant 0 : i32
    %dma_start3A_5 = arith.constant 0 : i32
    %dma_start3A_6 = arith.constant 0 : i32
    %dma_start3A_7 = arith.constant 0 : i32
    %dma_start3A_8 = tpu.memref_slice %arg8[%dma_start3A_5, %dma_start3A_6, %dma_start3A_7] : memref<2x80x128xf32, #tpu.memory_space<vmem>> -> memref<1x80x128xf32, #tpu.memory_space<vmem>>
    %dma_start3A_9 = tpu.memref_squeeze %dma_start3A_8 : memref<1x80x128xf32, #tpu.memory_space<vmem>> -> memref<80x128xf32, #tpu.memory_space<vmem>>
    %dma_start3A_10 = arith.constant 0 : i32
    %dma_start3A_11 = tpu.memref_slice %arg6[%dma_start3A, %dma_start3A_10] : memref<125x80xi32, #tpu.memory_space<vmem>> -> memref<1x80xi32, #tpu.memory_space<vmem>>
    %dma_start3A_12 = tpu.memref_squeeze %dma_start3A_11 : memref<1x80xi32, #tpu.memory_space<vmem>> -> memref<80xi32, #tpu.memory_space<vmem>>
    %dma_start3A_13 = arith.constant 0 : i32
    %dma_start3A_14 = arith.constant 0 : i32
    %dma_start3A_15 = tpu.memref_slice %arg2[%dma_start3A_13, %dma_start3A_14] : memref<20000x128xf32, #tpu.memory_space<hbm>> -> memref<20000x128xf32, #tpu.memory_space<hbm>>
    tpu.enqueue_indirect_dma source(%dma_start3A_15 : memref<20000x128xf32, #tpu.memory_space<hbm>>) target(%dma_start3A_9 : memref<80x128xf32, #tpu.memory_space<vmem>>) offsets(%dma_start3A_12 : memref<80xi32, #tpu.memory_space<vmem>>) semaphore(%arg10 : memref<!tpu.dma_semaphore, #tpu.memory_space<semaphore_mem>>)
    %dma_start3A_16 = arith.constant 0 : i32
    %dma_start3A_17 = arith.constant 0 : i32
    %dma_start3A_18 = arith.constant 0 : i32
    %dma_start3A_19 = arith.constant 0 : i32
    %dma_start3A_20 = tpu.memref_slice %arg9[%dma_start3A_17, %dma_start3A_18, %dma_start3A_19] : memref<2x80x128xf32, #tpu.memory_space<vmem>> -> memref<1x80x128xf32, #tpu.memory_space<vmem>>
    %dma_start3A_21 = tpu.memref_squeeze %dma_start3A_20 : memref<1x80x128xf32, #tpu.memory_space<vmem>> -> memref<80x128xf32, #tpu.memory_space<vmem>>
    %dma_start3A_22 = arith.constant 0 : i32
    %dma_start3A_23 = tpu.memref_slice %arg7[%dma_start3A_16, %dma_start3A_22] : memref<125x80xi32, #tpu.memory_space<vmem>> -> memref<1x80xi32, #tpu.memory_space<vmem>>
    %dma_start3A_24 = tpu.memref_squeeze %dma_start3A_23 : memref<1x80xi32, #tpu.memory_space<vmem>> -> memref<80xi32, #tpu.memory_space<vmem>>
    %dma_start3A_25 = arith.constant 0 : i32
    %dma_start3A_26 = arith.constant 0 : i32
    %dma_start3A_27 = tpu.memref_slice %arg2[%dma_start3A_25, %dma_start3A_26] : memref<20000x128xf32, #tpu.memory_space<hbm>> -> memref<20000x128xf32, #tpu.memory_space<hbm>>
    tpu.enqueue_indirect_dma source(%dma_start3A_27 : memref<20000x128xf32, #tpu.memory_space<hbm>>) target(%dma_start3A_21 : memref<80x128xf32, #tpu.memory_space<vmem>>) offsets(%dma_start3A_24 : memref<80xi32, #tpu.memory_space<vmem>>) semaphore(%arg11 : memref<!tpu.dma_semaphore, #tpu.memory_space<semaphore_mem>>)
    %scan3A = arith.constant 0 : i32
    %scan3A_28 = arith.constant 0 : i32
    %scan3A_29 = arith.constant 125 : i32
    %scan3A_30 = arith.addi %scan3A_28, %scan3A_29 : i32
    %scan3A_31 = arith.constant 1 : i32
    %scan3A_32 = scf.for %scan3A_46 = %scan3A_28 to %scan3A_30 step %scan3A_31 iter_args(%scan3A_47 = %scan3A) -> (i32)  : i32 {
      %jit3A = arith.constant 2 : i32
      %eq3A = arith.constant 0 : i32
      %eq3A_48 = arith.cmpi eq, %jit3A, %eq3A : i32
      %jit3A_49 = arith.constant 1 : i32
      %select_n3A = arith.select %eq3A_48, %jit3A_49, %jit3A : i32
      %rem3A = arith.remsi %scan3A_46, %select_n3A : i32
      %ne3A = arith.constant 0 : i32
      %ne3A_50 = arith.cmpi ne, %rem3A, %ne3A : i32
      %lt3A = arith.constant 0 : i32
      %lt3A_51 = arith.cmpi slt, %rem3A, %lt3A : i32
      %lt3A_52 = arith.constant 0 : i32
      %lt3A_53 = arith.cmpi slt, %select_n3A, %lt3A_52 : i32
      %ne3A_54 = arith.xori %lt3A_51, %lt3A_53 : i1
      %and3A = arith.andi %ne3A_54, %ne3A_50 : i1
      %add3A_55 = arith.addi %rem3A, %select_n3A : i32
      %select_n3A_56 = arith.select %and3A, %add3A_55, %rem3A : i32
      %sub3A = arith.constant 1 : i32
      %sub3A_57 = arith.subi %sub3A, %select_n3A_56 : i32
      %ge3A = arith.constant 1 : i32
      %ge3A_58 = arith.cmpi sge, %scan3A_46, %ge3A : i32
      %convert_element_type3A = arith.extui %ge3A_58 : i1 to i32
      %cond3A = arith.constant 0 : i32
      %cond3A_59 = arith.cmpi ne, %convert_element_type3A, %cond3A : i32
      scf.if %cond3A_59 {
        %dma_wait3A_110 = arith.constant 0 : i32
        %dma_wait3A_111 = arith.constant 0 : i32
        %dma_wait3A_112 = tpu.memref_slice %arg8[%sub3A_57, %dma_wait3A_110, %dma_wait3A_111] : memref<2x80x128xf32, #tpu.memory_space<vmem>> -> memref<1x80x128xf32, #tpu.memory_space<vmem>>
        %dma_wait3A_113 = tpu.memref_squeeze %dma_wait3A_112 : memref<1x80x128xf32, #tpu.memory_space<vmem>> -> memref<80x128xf32, #tpu.memory_space<vmem>>
        %dma_wait3A_114 = arith.constant 0 : i32
        %dma_wait3A_115 = tpu.memref_slice %arg5[%mul3A_4, %dma_wait3A_114] : memref<320000x128xf32, #tpu.memory_space<hbm>> -> memref<80x128xf32, #tpu.memory_space<hbm>>
        %dma_wait3A_116 = arith.constant 0 : i32
        %dma_wait3A_117 = tpu.memref_slice %arg5[%mul3A_4, %dma_wait3A_116] : memref<320000x128xf32, #tpu.memory_space<hbm>> -> memref<80x128xf32, #tpu.memory_space<hbm>>
        %dma_wait3A_118 = arith.constant 0 : i32
        %dma_wait3A_119 = arith.constant 0 : i32
        %dma_wait3A_120 = tpu.memref_slice %arg8[%sub3A_57, %dma_wait3A_118, %dma_wait3A_119] : memref<2x80x128xf32, #tpu.memory_space<vmem>> -> memref<1x80x128xf32, #tpu.memory_space<vmem>>
        %dma_wait3A_121 = tpu.memref_squeeze %dma_wait3A_120 : memref<1x80x128xf32, #tpu.memory_space<vmem>> -> memref<80x128xf32, #tpu.memory_space<vmem>>
        tpu.wait_dma2 semaphore(%arg12 : memref<!tpu.dma_semaphore, #tpu.memory_space<semaphore_mem>>) src(%dma_wait3A_121 : memref<80x128xf32, #tpu.memory_space<vmem>>) dst(%dma_wait3A_117 : memref<80x128xf32, #tpu.memory_space<hbm>>)
      } else {
      }
      %add3A_60 = arith.constant 1 : i32
      %add3A_61 = arith.addi %scan3A_46, %add3A_60 : i32
      %lt3A_62 = arith.constant 125 : i32
      %lt3A_63 = arith.cmpi slt, %add3A_61, %lt3A_62 : i32
      %convert_element_type3A_64 = arith.extui %lt3A_63 : i1 to i32
      %cond3A_65 = arith.constant 0 : i32
      %cond3A_66 = arith.cmpi ne, %convert_element_type3A_64, %cond3A_65 : i32
      scf.if %cond3A_66 {
        %add3A_110 = arith.constant 1 : i32
        %add3A_111 = arith.addi %scan3A_46, %add3A_110 : i32
        %dma_start3A_112 = arith.constant 0 : i32
        %dma_start3A_113 = arith.constant 0 : i32
        %dma_start3A_114 = tpu.memref_slice %arg8[%sub3A_57, %dma_start3A_112, %dma_start3A_113] : memref<2x80x128xf32, #tpu.memory_space<vmem>> -> memref<1x80x128xf32, #tpu.memory_space<vmem>>
        %dma_start3A_115 = tpu.memref_squeeze %dma_start3A_114 : memref<1x80x128xf32, #tpu.memory_space<vmem>> -> memref<80x128xf32, #tpu.memory_space<vmem>>
        %dma_start3A_116 = arith.constant 0 : i32
        %dma_start3A_117 = tpu.memref_slice %arg6[%add3A_111, %dma_start3A_116] : memref<125x80xi32, #tpu.memory_space<vmem>> -> memref<1x80xi32, #tpu.memory_space<vmem>>
        %dma_start3A_118 = tpu.memref_squeeze %dma_start3A_117 : memref<1x80xi32, #tpu.memory_space<vmem>> -> memref<80xi32, #tpu.memory_space<vmem>>
        %dma_start3A_119 = arith.constant 0 : i32
        %dma_start3A_120 = arith.constant 0 : i32
        %dma_start3A_121 = tpu.memref_slice %arg2[%dma_start3A_119, %dma_start3A_120] : memref<20000x128xf32, #tpu.memory_space<hbm>> -> memref<20000x128xf32, #tpu.memory_space<hbm>>
        tpu.enqueue_indirect_dma source(%dma_start3A_121 : memref<20000x128xf32, #tpu.memory_space<hbm>>) target(%dma_start3A_115 : memref<80x128xf32, #tpu.memory_space<vmem>>) offsets(%dma_start3A_118 : memref<80xi32, #tpu.memory_space<vmem>>) semaphore(%arg10 : memref<!tpu.dma_semaphore, #tpu.memory_space<semaphore_mem>>)
        %dma_start3A_122 = arith.constant 0 : i32
        %dma_start3A_123 = arith.constant 0 : i32
        %dma_start3A_124 = tpu.memref_slice %arg9[%sub3A_57, %dma_start3A_122, %dma_start3A_123] : memref<2x80x128xf32, #tpu.memory_space<vmem>> -> memref<1x80x128xf32, #tpu.memory_space<vmem>>
        %dma_start3A_125 = tpu.memref_squeeze %dma_start3A_124 : memref<1x80x128xf32, #tpu.memory_space<vmem>> -> memref<80x128xf32, #tpu.memory_space<vmem>>
        %dma_start3A_126 = arith.constant 0 : i32
        %dma_start3A_127 = tpu.memref_slice %arg7[%add3A_111, %dma_start3A_126] : memref<125x80xi32, #tpu.memory_space<vmem>> -> memref<1x80xi32, #tpu.memory_space<vmem>>
        %dma_start3A_128 = tpu.memref_squeeze %dma_start3A_127 : memref<1x80xi32, #tpu.memory_space<vmem>> -> memref<80xi32, #tpu.memory_space<vmem>>
        %dma_start3A_129 = arith.constant 0 : i32
        %dma_start3A_130 = arith.constant 0 : i32
        %dma_start3A_131 = tpu.memref_slice %arg2[%dma_start3A_129, %dma_start3A_130] : memref<20000x128xf32, #tpu.memory_space<hbm>> -> memref<20000x128xf32, #tpu.memory_space<hbm>>
        tpu.enqueue_indirect_dma source(%dma_start3A_131 : memref<20000x128xf32, #tpu.memory_space<hbm>>) target(%dma_start3A_125 : memref<80x128xf32, #tpu.memory_space<vmem>>) offsets(%dma_start3A_128 : memref<80xi32, #tpu.memory_space<vmem>>) semaphore(%arg11 : memref<!tpu.dma_semaphore, #tpu.memory_space<semaphore_mem>>)
      } else {
      }
      %dma_wait3A_67 = arith.constant 0 : i32
      %dma_wait3A_68 = arith.constant 0 : i32
      %dma_wait3A_69 = arith.constant 0 : i32
      %dma_wait3A_70 = tpu.memref_slice %arg8[%select_n3A_56, %dma_wait3A_68, %dma_wait3A_69] : memref<2x80x128xf32, #tpu.memory_space<vmem>> -> memref<1x80x128xf32, #tpu.memory_space<vmem>>
      %dma_wait3A_71 = tpu.memref_squeeze %dma_wait3A_70 : memref<1x80x128xf32, #tpu.memory_space<vmem>> -> memref<80x128xf32, #tpu.memory_space<vmem>>
      %dma_wait3A_72 = arith.constant 0 : i32
      %dma_wait3A_73 = tpu.memref_slice %arg6[%dma_wait3A_67, %dma_wait3A_72] : memref<125x80xi32, #tpu.memory_space<vmem>> -> memref<1x80xi32, #tpu.memory_space<vmem>>
      %dma_wait3A_74 = tpu.memref_squeeze %dma_wait3A_73 : memref<1x80xi32, #tpu.memory_space<vmem>> -> memref<80xi32, #tpu.memory_space<vmem>>
      %dma_wait3A_75 = arith.constant 0 : i32
      %dma_wait3A_76 = arith.constant 0 : i32
      %dma_wait3A_77 = tpu.memref_slice %arg2[%dma_wait3A_75, %dma_wait3A_76] : memref<20000x128xf32, #tpu.memory_space<hbm>> -> memref<20000x128xf32, #tpu.memory_space<hbm>>
      tpu.wait_indirect_dma semaphore(%arg10 : memref<!tpu.dma_semaphore, #tpu.memory_space<semaphore_mem>>) src(%dma_wait3A_77 : memref<20000x128xf32, #tpu.memory_space<hbm>>) dst(%dma_wait3A_71 : memref<80x128xf32, #tpu.memory_space<vmem>>)
      %dma_wait3A_78 = arith.constant 0 : i32
      %dma_wait3A_79 = arith.constant 0 : i32
      %dma_wait3A_80 = arith.constant 0 : i32
      %dma_wait3A_81 = tpu.memref_slice %arg9[%select_n3A_56, %dma_wait3A_79, %dma_wait3A_80] : memref<2x80x128xf32, #tpu.memory_space<vmem>> -> memref<1x80x128xf32, #tpu.memory_space<vmem>>
      %dma_wait3A_82 = tpu.memref_squeeze %dma_wait3A_81 : memref<1x80x128xf32, #tpu.memory_space<vmem>> -> memref<80x128xf32, #tpu.memory_space<vmem>>
      %dma_wait3A_83 = arith.constant 0 : i32
      %dma_wait3A_84 = tpu.memref_slice %arg7[%dma_wait3A_78, %dma_wait3A_83] : memref<125x80xi32, #tpu.memory_space<vmem>> -> memref<1x80xi32, #tpu.memory_space<vmem>>
      %dma_wait3A_85 = tpu.memref_squeeze %dma_wait3A_84 : memref<1x80xi32, #tpu.memory_space<vmem>> -> memref<80xi32, #tpu.memory_space<vmem>>
      %dma_wait3A_86 = arith.constant 0 : i32
      %dma_wait3A_87 = arith.constant 0 : i32
      %dma_wait3A_88 = tpu.memref_slice %arg2[%dma_wait3A_86, %dma_wait3A_87] : memref<20000x128xf32, #tpu.memory_space<hbm>> -> memref<20000x128xf32, #tpu.memory_space<hbm>>
      tpu.wait_indirect_dma semaphore(%arg11 : memref<!tpu.dma_semaphore, #tpu.memory_space<semaphore_mem>>) src(%dma_wait3A_88 : memref<20000x128xf32, #tpu.memory_space<hbm>>) dst(%dma_wait3A_82 : memref<80x128xf32, #tpu.memory_space<vmem>>)
      %scan3A_89 = arith.constant 0 : i32
      %scan3A_90 = arith.constant 80 : i32
      %scan3A_91 = arith.addi %scan3A_89, %scan3A_90 : i32
      %scan3A_92 = arith.constant 4 : i32
      scf.for %scan3A_110 = %scan3A_89 to %scan3A_91 step %scan3A_92  : i32 {
        %mul3A_111 = arith.constant 1 : i32
        %mul3A_112 = arith.muli %scan3A_110, %mul3A_111 : i32
        %add3A_113 = arith.constant 0 : i32
        %add3A_114 = arith.addi %add3A_113, %mul3A_112 : i32
        %get3A = arith.index_cast %select_n3A_56 : i32 to index
        %get3A_115 = arith.index_cast %add3A_114 : i32 to index
        %get3A_116 = arith.constant 0 : index
        %get3A_117 = tpu.vector_load %arg8[%get3A, %get3A_115, %get3A_116] {strides = array<i32>} : memref<2x80x128xf32, #tpu.memory_space<vmem>>, vector<1x1x16xf32>,
        %get3A_118 = vector.shape_cast %get3A_117 : vector<1x1x16xf32> to vector<16xf32>
        %get3A_119 = arith.index_cast %select_n3A_56 : i32 to index
        %get3A_120 = arith.index_cast %add3A_114 : i32 to index
        %get3A_121 = arith.constant 0 : index
        %get3A_122 = tpu.vector_load %arg9[%get3A_119, %get3A_120, %get3A_121] {strides = array<i32>} : memref<2x80x128xf32, #tpu.memory_space<vmem>>, vector<1x1x16xf32>,
        %get3A_123 = vector.shape_cast %get3A_122 : vector<1x1x16xf32> to vector<16xf32>
        %add3A_124 = arith.addf %get3A_118, %get3A_123 : vector<16xf32>
        %swap3A = arith.index_cast %select_n3A_56 : i32 to index
        %swap3A_125 = arith.index_cast %add3A_114 : i32 to index
        %swap3A_126 = arith.constant 0 : index
        %swap3A_127 = tpu.vector_load %arg8[%swap3A, %swap3A_125, %swap3A_126] {strides = array<i32>} : memref<2x80x128xf32, #tpu.memory_space<vmem>>, vector<1x1x16xf32>,
        %swap3A_128 = vector.shape_cast %swap3A_127 : vector<1x1x16xf32> to vector<16xf32>
        %swap3A_129 = vector.shape_cast %add3A_124 : vector<16xf32> to vector<1x1x16xf32>
        tpu.vector_store %arg8[%swap3A, %swap3A_125, %swap3A_126], %swap3A_129 {strides = array<i32>} : memref<2x80x128xf32, #tpu.memory_space<vmem>>, vector<1x1x16xf32>,
        %get3A_130 = arith.index_cast %select_n3A_56 : i32 to index
        %get3A_131 = arith.index_cast %add3A_114 : i32 to index
        %get3A_132 = arith.constant 16 : index
        %get3A_133 = tpu.vector_load %arg8[%get3A_130, %get3A_131, %get3A_132] {strides = array<i32>} : memref<2x80x128xf32, #tpu.memory_space<vmem>>, vector<1x1x16xf32>,
        %get3A_134 = vector.shape_cast %get3A_133 : vector<1x1x16xf32> to vector<16xf32>
        %get3A_135 = arith.index_cast %select_n3A_56 : i32 to index
        %get3A_136 = arith.index_cast %add3A_114 : i32 to index
        %get3A_137 = arith.constant 16 : index
        %get3A_138 = tpu.vector_load %arg9[%get3A_135, %get3A_136, %get3A_137] {strides = array<i32>} : memref<2x80x128xf32, #tpu.memory_space<vmem>>, vector<1x1x16xf32>,
        %get3A_139 = vector.shape_cast %get3A_138 : vector<1x1x16xf32> to vector<16xf32>
        %add3A_140 = arith.addf %get3A_134, %get3A_139 : vector<16xf32>
        %swap3A_141 = arith.index_cast %select_n3A_56 : i32 to index
        %swap3A_142 = arith.index_cast %add3A_114 : i32 to index
        %swap3A_143 = arith.constant 16 : index
        %swap3A_144 = tpu.vector_load %arg8[%swap3A_141, %swap3A_142, %swap3A_143] {strides = array<i32>} : memref<2x80x128xf32, #tpu.memory_space<vmem>>, vector<1x1x16xf32>,
        %swap3A_145 = vector.shape_cast %swap3A_144 : vector<1x1x16xf32> to vector<16xf32>
        %swap3A_146 = vector.shape_cast %add3A_140 : vector<16xf32> to vector<1x1x16xf32>
        tpu.vector_store %arg8[%swap3A_141, %swap3A_142, %swap3A_143], %swap3A_146 {strides = array<i32>} : memref<2x80x128xf32, #tpu.memory_space<vmem>>, vector<1x1x16xf32>,
        %get3A_147 = arith.index_cast %select_n3A_56 : i32 to index
        %get3A_148 = arith.index_cast %add3A_114 : i32 to index
        %get3A_149 = arith.constant 32 : index
        %get3A_150 = tpu.vector_load %arg8[%get3A_147, %get3A_148, %get3A_149] {strides = array<i32>} : memref<2x80x128xf32, #tpu.memory_space<vmem>>, vector<1x1x16xf32>,
        %get3A_151 = vector.shape_cast %get3A_150 : vector<1x1x16xf32> to vector<16xf32>
        %get3A_152 = arith.index_cast %select_n3A_56 : i32 to index
        %get3A_153 = arith.index_cast %add3A_114 : i32 to index
        %get3A_154 = arith.constant 32 : index
        %get3A_155 = tpu.vector_load %arg9[%get3A_152, %get3A_153, %get3A_154] {strides = array<i32>} : memref<2x80x128xf32, #tpu.memory_space<vmem>>, vector<1x1x16xf32>,
        %get3A_156 = vector.shape_cast %get3A_155 : vector<1x1x16xf32> to vector<16xf32>
        %add3A_157 = arith.addf %get3A_151, %get3A_156 : vector<16xf32>
        %swap3A_158 = arith.index_cast %select_n3A_56 : i32 to index
        %swap3A_159 = arith.index_cast %add3A_114 : i32 to index
        %swap3A_160 = arith.constant 32 : index
        %swap3A_161 = tpu.vector_load %arg8[%swap3A_158, %swap3A_159, %swap3A_160] {strides = array<i32>} : memref<2x80x128xf32, #tpu.memory_space<vmem>>, vector<1x1x16xf32>,
        %swap3A_162 = vector.shape_cast %swap3A_161 : vector<1x1x16xf32> to vector<16xf32>
        %swap3A_163 = vector.shape_cast %add3A_157 : vector<16xf32> to vector<1x1x16xf32>
        tpu.vector_store %arg8[%swap3A_158, %swap3A_159, %swap3A_160], %swap3A_163 {strides = array<i32>} : memref<2x80x128xf32, #tpu.memory_space<vmem>>, vector<1x1x16xf32>,
        %get3A_164 = arith.index_cast %select_n3A_56 : i32 to index
        %get3A_165 = arith.index_cast %add3A_114 : i32 to index
        %get3A_166 = arith.constant 48 : index
        %get3A_167 = tpu.vector_load %arg8[%get3A_164, %get3A_165, %get3A_166] {strides = array<i32>} : memref<2x80x128xf32, #tpu.memory_space<vmem>>, vector<1x1x16xf32>,
        %get3A_168 = vector.shape_cast %get3A_167 : vector<1x1x16xf32> to vector<16xf32>
        %get3A_169 = arith.index_cast %select_n3A_56 : i32 to index
        %get3A_170 = arith.index_cast %add3A_114 : i32 to index
        %get3A_171 = arith.constant 48 : index
        %get3A_172 = tpu.vector_load %arg9[%get3A_169, %get3A_170, %get3A_171] {strides = array<i32>} : memref<2x80x128xf32, #tpu.memory_space<vmem>>, vector<1x1x16xf32>,
        %get3A_173 = vector.shape_cast %get3A_172 : vector<1x1x16xf32> to vector<16xf32>
        %add3A_174 = arith.addf %get3A_168, %get3A_173 : vector<16xf32>
        %swap3A_175 = arith.index_cast %select_n3A_56 : i32 to index
        %swap3A_176 = arith.index_cast %add3A_114 : i32 to index
        %swap3A_177 = arith.constant 48 : index
        %swap3A_178 = tpu.vector_load %arg8[%swap3A_175, %swap3A_176, %swap3A_177] {strides = array<i32>} : memref<2x80x128xf32, #tpu.memory_space<vmem>>, vector<1x1x16xf32>,
        %swap3A_179 = vector.shape_cast %swap3A_178 : vector<1x1x16xf32> to vector<16xf32>
        %swap3A_180 = vector.shape_cast %add3A_174 : vector<16xf32> to vector<1x1x16xf32>
        tpu.vector_store %arg8[%swap3A_175, %swap3A_176, %swap3A_177], %swap3A_180 {strides = array<i32>} : memref<2x80x128xf32, #tpu.memory_space<vmem>>, vector<1x1x16xf32>,
        %get3A_181 = arith.index_cast %select_n3A_56 : i32 to index
        %get3A_182 = arith.index_cast %add3A_114 : i32 to index
        %get3A_183 = arith.constant 64 : index
        %get3A_184 = tpu.vector_load %arg8[%get3A_181, %get3A_182, %get3A_183] {strides = array<i32>} : memref<2x80x128xf32, #tpu.memory_space<vmem>>, vector<1x1x16xf32>,
        %get3A_185 = vector.shape_cast %get3A_184 : vector<1x1x16xf32> to vector<16xf32>
        %get3A_186 = arith.index_cast %select_n3A_56 : i32 to index
        %get3A_187 = arith.index_cast %add3A_114 : i32 to index
        %get3A_188 = arith.constant 64 : index
        %get3A_189 = tpu.vector_load %arg9[%get3A_186, %get3A_187, %get3A_188] {strides = array<i32>} : memref<2x80x128xf32, #tpu.memory_space<vmem>>, vector<1x1x16xf32>,
        %get3A_190 = vector.shape_cast %get3A_189 : vector<1x1x16xf32> to vector<16xf32>
        %add3A_191 = arith.addf %get3A_185, %get3A_190 : vector<16xf32>
        %swap3A_192 = arith.index_cast %select_n3A_56 : i32 to index
        %swap3A_193 = arith.index_cast %add3A_114 : i32 to index
        %swap3A_194 = arith.constant 64 : index
        %swap3A_195 = tpu.vector_load %arg8[%swap3A_192, %swap3A_193, %swap3A_194] {strides = array<i32>} : memref<2x80x128xf32, #tpu.memory_space<vmem>>, vector<1x1x16xf32>,
        %swap3A_196 = vector.shape_cast %swap3A_195 : vector<1x1x16xf32> to vector<16xf32>
        %swap3A_197 = vector.shape_cast %add3A_191 : vector<16xf32> to vector<1x1x16xf32>
        tpu.vector_store %arg8[%swap3A_192, %swap3A_193, %swap3A_194], %swap3A_197 {strides = array<i32>} : memref<2x80x128xf32, #tpu.memory_space<vmem>>, vector<1x1x16xf32>,
        %get3A_198 = arith.index_cast %select_n3A_56 : i32 to index
        %get3A_199 = arith.index_cast %add3A_114 : i32 to index
        %get3A_200 = arith.constant 80 : index
        %get3A_201 = tpu.vector_load %arg8[%get3A_198, %get3A_199, %get3A_200] {strides = array<i32>} : memref<2x80x128xf32, #tpu.memory_space<vmem>>, vector<1x1x16xf32>,
        %get3A_202 = vector.shape_cast %get3A_201 : vector<1x1x16xf32> to vector<16xf32>
        %get3A_203 = arith.index_cast %select_n3A_56 : i32 to index
        %get3A_204 = arith.index_cast %add3A_114 : i32 to index
        %get3A_205 = arith.constant 80 : index
        %get3A_206 = tpu.vector_load %arg9[%get3A_203, %get3A_204, %get3A_205] {strides = array<i32>} : memref<2x80x128xf32, #tpu.memory_space<vmem>>, vector<1x1x16xf32>,
        %get3A_207 = vector.shape_cast %get3A_206 : vector<1x1x16xf32> to vector<16xf32>
        %add3A_208 = arith.addf %get3A_202, %get3A_207 : vector<16xf32>
        %swap3A_209 = arith.index_cast %select_n3A_56 : i32 to index
        %swap3A_210 = arith.index_cast %add3A_114 : i32 to index
        %swap3A_211 = arith.constant 80 : index
        %swap3A_212 = tpu.vector_load %arg8[%swap3A_209, %swap3A_210, %swap3A_211] {strides = array<i32>} : memref<2x80x128xf32, #tpu.memory_space<vmem>>, vector<1x1x16xf32>,
        %swap3A_213 = vector.shape_cast %swap3A_212 : vector<1x1x16xf32> to vector<16xf32>
        %swap3A_214 = vector.shape_cast %add3A_208 : vector<16xf32> to vector<1x1x16xf32>
        tpu.vector_store %arg8[%swap3A_209, %swap3A_210, %swap3A_211], %swap3A_214 {strides = array<i32>} : memref<2x80x128xf32, #tpu.memory_space<vmem>>, vector<1x1x16xf32>,
        %get3A_215 = arith.index_cast %select_n3A_56 : i32 to index
        %get3A_216 = arith.index_cast %add3A_114 : i32 to index
        %get3A_217 = arith.constant 96 : index
        %get3A_218 = tpu.vector_load %arg8[%get3A_215, %get3A_216, %get3A_217] {strides = array<i32>} : memref<2x80x128xf32, #tpu.memory_space<vmem>>, vector<1x1x16xf32>,
        %get3A_219 = vector.shape_cast %get3A_218 : vector<1x1x16xf32> to vector<16xf32>
        %get3A_220 = arith.index_cast %select_n3A_56 : i32 to index
        %get3A_221 = arith.index_cast %add3A_114 : i32 to index
        %get3A_222 = arith.constant 96 : index
        %get3A_223 = tpu.vector_load %arg9[%get3A_220, %get3A_221, %get3A_222] {strides = array<i32>} : memref<2x80x128xf32, #tpu.memory_space<vmem>>, vector<1x1x16xf32>,
        %get3A_224 = vector.shape_cast %get3A_223 : vector<1x1x16xf32> to vector<16xf32>
        %add3A_225 = arith.addf %get3A_219, %get3A_224 : vector<16xf32>
        %swap3A_226 = arith.index_cast %select_n3A_56 : i32 to index
        %swap3A_227 = arith.index_cast %add3A_114 : i32 to index
        %swap3A_228 = arith.constant 96 : index
        %swap3A_229 = tpu.vector_load %arg8[%swap3A_226, %swap3A_227, %swap3A_228] {strides = array<i32>} : memref<2x80x128xf32, #tpu.memory_space<vmem>>, vector<1x1x16xf32>,
        %swap3A_230 = vector.shape_cast %swap3A_229 : vector<1x1x16xf32> to vector<16xf32>
        %swap3A_231 = vector.shape_cast %add3A_225 : vector<16xf32> to vector<1x1x16xf32>
        tpu.vector_store %arg8[%swap3A_226, %swap3A_227, %swap3A_228], %swap3A_231 {strides = array<i32>} : memref<2x80x128xf32, #tpu.memory_space<vmem>>, vector<1x1x16xf32>,
        %get3A_232 = arith.index_cast %select_n3A_56 : i32 to index
        %get3A_233 = arith.index_cast %add3A_114 : i32 to index
        %get3A_234 = arith.constant 112 : index
        %get3A_235 = tpu.vector_load %arg8[%get3A_232, %get3A_233, %get3A_234] {strides = array<i32>} : memref<2x80x128xf32, #tpu.memory_space<vmem>>, vector<1x1x16xf32>,
        %get3A_236 = vector.shape_cast %get3A_235 : vector<1x1x16xf32> to vector<16xf32>
        %get3A_237 = arith.index_cast %select_n3A_56 : i32 to index
        %get3A_238 = arith.index_cast %add3A_114 : i32 to index
        %get3A_239 = arith.constant 112 : index
        %get3A_240 = tpu.vector_load %arg9[%get3A_237, %get3A_238, %get3A_239] {strides = array<i32>} : memref<2x80x128xf32, #tpu.memory_space<vmem>>, vector<1x1x16xf32>,
        %get3A_241 = vector.shape_cast %get3A_240 : vector<1x1x16xf32> to vector<16xf32>
        %add3A_242 = arith.addf %get3A_236, %get3A_241 : vector<16xf32>
        %swap3A_243 = arith.index_cast %select_n3A_56 : i32 to index
        %swap3A_244 = arith.index_cast %add3A_114 : i32 to index
        %swap3A_245 = arith.constant 112 : index
        %swap3A_246 = tpu.vector_load %arg8[%swap3A_243, %swap3A_244, %swap3A_245] {strides = array<i32>} : memref<2x80x128xf32, #tpu.memory_space<vmem>>, vector<1x1x16xf32>,
        %swap3A_247 = vector.shape_cast %swap3A_246 : vector<1x1x16xf32> to vector<16xf32>
        %swap3A_248 = vector.shape_cast %add3A_242 : vector<16xf32> to vector<1x1x16xf32>
        tpu.vector_store %arg8[%swap3A_243, %swap3A_244, %swap3A_245], %swap3A_248 {strides = array<i32>} : memref<2x80x128xf32, #tpu.memory_space<vmem>>, vector<1x1x16xf32>,
        %scan3A_249 = arith.constant 1 : i32
        %scan3A_250 = arith.addi %scan3A_110, %scan3A_249 : i32
        %mul3A_251 = arith.constant 1 : i32
        %mul3A_252 = arith.muli %scan3A_250, %mul3A_251 : i32
        %add3A_253 = arith.constant 0 : i32
        %add3A_254 = arith.addi %add3A_253, %mul3A_252 : i32
        %get3A_255 = arith.index_cast %select_n3A_56 : i32 to index
        %get3A_256 = arith.index_cast %add3A_254 : i32 to index
        %get3A_257 = arith.constant 0 : index
        %get3A_258 = tpu.vector_load %arg8[%get3A_255, %get3A_256, %get3A_257] {strides = array<i32>} : memref<2x80x128xf32, #tpu.memory_space<vmem>>, vector<1x1x16xf32>,
        %get3A_259 = vector.shape_cast %get3A_258 : vector<1x1x16xf32> to vector<16xf32>
        %get3A_260 = arith.index_cast %select_n3A_56 : i32 to index
        %get3A_261 = arith.index_cast %add3A_254 : i32 to index
        %get3A_262 = arith.constant 0 : index
        %get3A_263 = tpu.vector_load %arg9[%get3A_260, %get3A_261, %get3A_262] {strides = array<i32>} : memref<2x80x128xf32, #tpu.memory_space<vmem>>, vector<1x1x16xf32>,
        %get3A_264 = vector.shape_cast %get3A_263 : vector<1x1x16xf32> to vector<16xf32>
        %add3A_265 = arith.addf %get3A_259, %get3A_264 : vector<16xf32>
        %swap3A_266 = arith.index_cast %select_n3A_56 : i32 to index
        %swap3A_267 = arith.index_cast %add3A_254 : i32 to index
        %swap3A_268 = arith.constant 0 : index
        %swap3A_269 = tpu.vector_load %arg8[%swap3A_266, %swap3A_267, %swap3A_268] {strides = array<i32>} : memref<2x80x128xf32, #tpu.memory_space<vmem>>, vector<1x1x16xf32>,
        %swap3A_270 = vector.shape_cast %swap3A_269 : vector<1x1x16xf32> to vector<16xf32>
        %swap3A_271 = vector.shape_cast %add3A_265 : vector<16xf32> to vector<1x1x16xf32>
        tpu.vector_store %arg8[%swap3A_266, %swap3A_267, %swap3A_268], %swap3A_271 {strides = array<i32>} : memref<2x80x128xf32, #tpu.memory_space<vmem>>, vector<1x1x16xf32>,
        %get3A_272 = arith.index_cast %select_n3A_56 : i32 to index
        %get3A_273 = arith.index_cast %add3A_254 : i32 to index
        %get3A_274 = arith.constant 16 : index
        %get3A_275 = tpu.vector_load %arg8[%get3A_272, %get3A_273, %get3A_274] {strides = array<i32>} : memref<2x80x128xf32, #tpu.memory_space<vmem>>, vector<1x1x16xf32>,
        %get3A_276 = vector.shape_cast %get3A_275 : vector<1x1x16xf32> to vector<16xf32>
        %get3A_277 = arith.index_cast %select_n3A_56 : i32 to index
        %get3A_278 = arith.index_cast %add3A_254 : i32 to index
        %get3A_279 = arith.constant 16 : index
        %get3A_280 = tpu.vector_load %arg9[%get3A_277, %get3A_278, %get3A_279] {strides = array<i32>} : memref<2x80x128xf32, #tpu.memory_space<vmem>>, vector<1x1x16xf32>,
        %get3A_281 = vector.shape_cast %get3A_280 : vector<1x1x16xf32> to vector<16xf32>
        %add3A_282 = arith.addf %get3A_276, %get3A_281 : vector<16xf32>
        %swap3A_283 = arith.index_cast %select_n3A_56 : i32 to index
        %swap3A_284 = arith.index_cast %add3A_254 : i32 to index
        %swap3A_285 = arith.constant 16 : index
        %swap3A_286 = tpu.vector_load %arg8[%swap3A_283, %swap3A_284, %swap3A_285] {strides = array<i32>} : memref<2x80x128xf32, #tpu.memory_space<vmem>>, vector<1x1x16xf32>,
        %swap3A_287 = vector.shape_cast %swap3A_286 : vector<1x1x16xf32> to vector<16xf32>
        %swap3A_288 = vector.shape_cast %add3A_282 : vector<16xf32> to vector<1x1x16xf32>
        tpu.vector_store %arg8[%swap3A_283, %swap3A_284, %swap3A_285], %swap3A_288 {strides = array<i32>} : memref<2x80x128xf32, #tpu.memory_space<vmem>>, vector<1x1x16xf32>,
        %get3A_289 = arith.index_cast %select_n3A_56 : i32 to index
        %get3A_290 = arith.index_cast %add3A_254 : i32 to index
        %get3A_291 = arith.constant 32 : index
        %get3A_292 = tpu.vector_load %arg8[%get3A_289, %get3A_290, %get3A_291] {strides = array<i32>} : memref<2x80x128xf32, #tpu.memory_space<vmem>>, vector<1x1x16xf32>,
        %get3A_293 = vector.shape_cast %get3A_292 : vector<1x1x16xf32> to vector<16xf32>
        %get3A_294 = arith.index_cast %select_n3A_56 : i32 to index
        %get3A_295 = arith.index_cast %add3A_254 : i32 to index
        %get3A_296 = arith.constant 32 : index
        %get3A_297 = tpu.vector_load %arg9[%get3A_294, %get3A_295, %get3A_296] {strides = array<i32>} : memref<2x80x128xf32, #tpu.memory_space<vmem>>, vector<1x1x16xf32>,
        %get3A_298 = vector.shape_cast %get3A_297 : vector<1x1x16xf32> to vector<16xf32>
        %add3A_299 = arith.addf %get3A_293, %get3A_298 : vector<16xf32>
        %swap3A_300 = arith.index_cast %select_n3A_56 : i32 to index
        %swap3A_301 = arith.index_cast %add3A_254 : i32 to index
        %swap3A_302 = arith.constant 32 : index
        %swap3A_303 = tpu.vector_load %arg8[%swap3A_300, %swap3A_301, %swap3A_302] {strides = array<i32>} : memref<2x80x128xf32, #tpu.memory_space<vmem>>, vector<1x1x16xf32>,
        %swap3A_304 = vector.shape_cast %swap3A_303 : vector<1x1x16xf32> to vector<16xf32>
        %swap3A_305 = vector.shape_cast %add3A_299 : vector<16xf32> to vector<1x1x16xf32>
        tpu.vector_store %arg8[%swap3A_300, %swap3A_301, %swap3A_302], %swap3A_305 {strides = array<i32>} : memref<2x80x128xf32, #tpu.memory_space<vmem>>, vector<1x1x16xf32>,
        %get3A_306 = arith.index_cast %select_n3A_56 : i32 to index
        %get3A_307 = arith.index_cast %add3A_254 : i32 to index
        %get3A_308 = arith.constant 48 : index
        %get3A_309 = tpu.vector_load %arg8[%get3A_306, %get3A_307, %get3A_308] {strides = array<i32>} : memref<2x80x128xf32, #tpu.memory_space<vmem>>, vector<1x1x16xf32>,
        %get3A_310 = vector.shape_cast %get3A_309 : vector<1x1x16xf32> to vector<16xf32>
        %get3A_311 = arith.index_cast %select_n3A_56 : i32 to index
        %get3A_312 = arith.index_cast %add3A_254 : i32 to index
        %get3A_313 = arith.constant 48 : index
        %get3A_314 = tpu.vector_load %arg9[%get3A_311, %get3A_312, %get3A_313] {strides = array<i32>} : memref<2x80x128xf32, #tpu.memory_space<vmem>>, vector<1x1x16xf32>,
        %get3A_315 = vector.shape_cast %get3A_314 : vector<1x1x16xf32> to vector<16xf32>
        %add3A_316 = arith.addf %get3A_310, %get3A_315 : vector<16xf32>
        %swap3A_317 = arith.index_cast %select_n3A_56 : i32 to index
        %swap3A_318 = arith.index_cast %add3A_254 : i32 to index
        %swap3A_319 = arith.constant 48 : index
        %swap3A_320 = tpu.vector_load %arg8[%swap3A_317, %swap3A_318, %swap3A_319] {strides = array<i32>} : memref<2x80x128xf32, #tpu.memory_space<vmem>>, vector<1x1x16xf32>,
        %swap3A_321 = vector.shape_cast %swap3A_320 : vector<1x1x16xf32> to vector<16xf32>
        %swap3A_322 = vector.shape_cast %add3A_316 : vector<16xf32> to vector<1x1x16xf32>
        tpu.vector_store %arg8[%swap3A_317, %swap3A_318, %swap3A_319], %swap3A_322 {strides = array<i32>} : memref<2x80x128xf32, #tpu.memory_space<vmem>>, vector<1x1x16xf32>,
        %get3A_323 = arith.index_cast %select_n3A_56 : i32 to index
        %get3A_324 = arith.index_cast %add3A_254 : i32 to index
        %get3A_325 = arith.constant 64 : index
        %get3A_326 = tpu.vector_load %arg8[%get3A_323, %get3A_324, %get3A_325] {strides = array<i32>} : memref<2x80x128xf32, #tpu.memory_space<vmem>>, vector<1x1x16xf32>,
        %get3A_327 = vector.shape_cast %get3A_326 : vector<1x1x16xf32> to vector<16xf32>
        %get3A_328 = arith.index_cast %select_n3A_56 : i32 to index
        %get3A_329 = arith.index_cast %add3A_254 : i32 to index
        %get3A_330 = arith.constant 64 : index
        %get3A_331 = tpu.vector_load %arg9[%get3A_328, %get3A_329, %get3A_330] {strides = array<i32>} : memref<2x80x128xf32, #tpu.memory_space<vmem>>, vector<1x1x16xf32>,
        %get3A_332 = vector.shape_cast %get3A_331 : vector<1x1x16xf32> to vector<16xf32>
        %add3A_333 = arith.addf %get3A_327, %get3A_332 : vector<16xf32>
        %swap3A_334 = arith.index_cast %select_n3A_56 : i32 to index
        %swap3A_335 = arith.index_cast %add3A_254 : i32 to index
        %swap3A_336 = arith.constant 64 : index
        %swap3A_337 = tpu.vector_load %arg8[%swap3A_334, %swap3A_335, %swap3A_336] {strides = array<i32>} : memref<2x80x128xf32, #tpu.memory_space<vmem>>, vector<1x1x16xf32>,
        %swap3A_338 = vector.shape_cast %swap3A_337 : vector<1x1x16xf32> to vector<16xf32>
        %swap3A_339 = vector.shape_cast %add3A_333 : vector<16xf32> to vector<1x1x16xf32>
        tpu.vector_store %arg8[%swap3A_334, %swap3A_335, %swap3A_336], %swap3A_339 {strides = array<i32>} : memref<2x80x128xf32, #tpu.memory_space<vmem>>, vector<1x1x16xf32>,
        %get3A_340 = arith.index_cast %select_n3A_56 : i32 to index
        %get3A_341 = arith.index_cast %add3A_254 : i32 to index
        %get3A_342 = arith.constant 80 : index
        %get3A_343 = tpu.vector_load %arg8[%get3A_340, %get3A_341, %get3A_342] {strides = array<i32>} : memref<2x80x128xf32, #tpu.memory_space<vmem>>, vector<1x1x16xf32>,
        %get3A_344 = vector.shape_cast %get3A_343 : vector<1x1x16xf32> to vector<16xf32>
        %get3A_345 = arith.index_cast %select_n3A_56 : i32 to index
        %get3A_346 = arith.index_cast %add3A_254 : i32 to index
        %get3A_347 = arith.constant 80 : index
        %get3A_348 = tpu.vector_load %arg9[%get3A_345, %get3A_346, %get3A_347] {strides = array<i32>} : memref<2x80x128xf32, #tpu.memory_space<vmem>>, vector<1x1x16xf32>,
        %get3A_349 = vector.shape_cast %get3A_348 : vector<1x1x16xf32> to vector<16xf32>
        %add3A_350 = arith.addf %get3A_344, %get3A_349 : vector<16xf32>
        %swap3A_351 = arith.index_cast %select_n3A_56 : i32 to index
        %swap3A_352 = arith.index_cast %add3A_254 : i32 to index
        %swap3A_353 = arith.constant 80 : index
        %swap3A_354 = tpu.vector_load %arg8[%swap3A_351, %swap3A_352, %swap3A_353] {strides = array<i32>} : memref<2x80x128xf32, #tpu.memory_space<vmem>>, vector<1x1x16xf32>,
        %swap3A_355 = vector.shape_cast %swap3A_354 : vector<1x1x16xf32> to vector<16xf32>
        %swap3A_356 = vector.shape_cast %add3A_350 : vector<16xf32> to vector<1x1x16xf32>
        tpu.vector_store %arg8[%swap3A_351, %swap3A_352, %swap3A_353], %swap3A_356 {strides = array<i32>} : memref<2x80x128xf32, #tpu.memory_space<vmem>>, vector<1x1x16xf32>,
        %get3A_357 = arith.index_cast %select_n3A_56 : i32 to index
        %get3A_358 = arith.index_cast %add3A_254 : i32 to index
        %get3A_359 = arith.constant 96 : index
        %get3A_360 = tpu.vector_load %arg8[%get3A_357, %get3A_358, %get3A_359] {strides = array<i32>} : memref<2x80x128xf32, #tpu.memory_space<vmem>>, vector<1x1x16xf32>,
        %get3A_361 = vector.shape_cast %get3A_360 : vector<1x1x16xf32> to vector<16xf32>
        %get3A_362 = arith.index_cast %select_n3A_56 : i32 to index
        %get3A_363 = arith.index_cast %add3A_254 : i32 to index
        %get3A_364 = arith.constant 96 : index
        %get3A_365 = tpu.vector_load %arg9[%get3A_362, %get3A_363, %get3A_364] {strides = array<i32>} : memref<2x80x128xf32, #tpu.memory_space<vmem>>, vector<1x1x16xf32>,
        %get3A_366 = vector.shape_cast %get3A_365 : vector<1x1x16xf32> to vector<16xf32>
        %add3A_367 = arith.addf %get3A_361, %get3A_366 : vector<16xf32>
        %swap3A_368 = arith.index_cast %select_n3A_56 : i32 to index
        %swap3A_369 = arith.index_cast %add3A_254 : i32 to index
        %swap3A_370 = arith.constant 96 : index
        %swap3A_371 = tpu.vector_load %arg8[%swap3A_368, %swap3A_369, %swap3A_370] {strides = array<i32>} : memref<2x80x128xf32, #tpu.memory_space<vmem>>, vector<1x1x16xf32>,
        %swap3A_372 = vector.shape_cast %swap3A_371 : vector<1x1x16xf32> to vector<16xf32>
        %swap3A_373 = vector.shape_cast %add3A_367 : vector<16xf32> to vector<1x1x16xf32>
        tpu.vector_store %arg8[%swap3A_368, %swap3A_369, %swap3A_370], %swap3A_373 {strides = array<i32>} : memref<2x80x128xf32, #tpu.memory_space<vmem>>, vector<1x1x16xf32>,
        %get3A_374 = arith.index_cast %select_n3A_56 : i32 to index
        %get3A_375 = arith.index_cast %add3A_254 : i32 to index
        %get3A_376 = arith.constant 112 : index
        %get3A_377 = tpu.vector_load %arg8[%get3A_374, %get3A_375, %get3A_376] {strides = array<i32>} : memref<2x80x128xf32, #tpu.memory_space<vmem>>, vector<1x1x16xf32>,
        %get3A_378 = vector.shape_cast %get3A_377 : vector<1x1x16xf32> to vector<16xf32>
        %get3A_379 = arith.index_cast %select_n3A_56 : i32 to index
        %get3A_380 = arith.index_cast %add3A_254 : i32 to index
        %get3A_381 = arith.constant 112 : index
        %get3A_382 = tpu.vector_load %arg9[%get3A_379, %get3A_380, %get3A_381] {strides = array<i32>} : memref<2x80x128xf32, #tpu.memory_space<vmem>>, vector<1x1x16xf32>,
        %get3A_383 = vector.shape_cast %get3A_382 : vector<1x1x16xf32> to vector<16xf32>
        %add3A_384 = arith.addf %get3A_378, %get3A_383 : vector<16xf32>
        %swap3A_385 = arith.index_cast %select_n3A_56 : i32 to index
        %swap3A_386 = arith.index_cast %add3A_254 : i32 to index
        %swap3A_387 = arith.constant 112 : index
        %swap3A_388 = tpu.vector_load %arg8[%swap3A_385, %swap3A_386, %swap3A_387] {strides = array<i32>} : memref<2x80x128xf32, #tpu.memory_space<vmem>>, vector<1x1x16xf32>,
        %swap3A_389 = vector.shape_cast %swap3A_388 : vector<1x1x16xf32> to vector<16xf32>
        %swap3A_390 = vector.shape_cast %add3A_384 : vector<16xf32> to vector<1x1x16xf32>
        tpu.vector_store %arg8[%swap3A_385, %swap3A_386, %swap3A_387], %swap3A_390 {strides = array<i32>} : memref<2x80x128xf32, #tpu.memory_space<vmem>>, vector<1x1x16xf32>,
        %scan3A_391 = arith.constant 2 : i32
        %scan3A_392 = arith.addi %scan3A_110, %scan3A_391 : i32
        %mul3A_393 = arith.constant 1 : i32
        %mul3A_394 = arith.muli %scan3A_392, %mul3A_393 : i32
        %add3A_395 = arith.constant 0 : i32
        %add3A_396 = arith.addi %add3A_395, %mul3A_394 : i32
        %get3A_397 = arith.index_cast %select_n3A_56 : i32 to index
        %get3A_398 = arith.index_cast %add3A_396 : i32 to index
        %get3A_399 = arith.constant 0 : index
        %get3A_400 = tpu.vector_load %arg8[%get3A_397, %get3A_398, %get3A_399] {strides = array<i32>} : memref<2x80x128xf32, #tpu.memory_space<vmem>>, vector<1x1x16xf32>,
        %get3A_401 = vector.shape_cast %get3A_400 : vector<1x1x16xf32> to vector<16xf32>
        %get3A_402 = arith.index_cast %select_n3A_56 : i32 to index
        %get3A_403 = arith.index_cast %add3A_396 : i32 to index
        %get3A_404 = arith.constant 0 : index
        %get3A_405 = tpu.vector_load %arg9[%get3A_402, %get3A_403, %get3A_404] {strides = array<i32>} : memref<2x80x128xf32, #tpu.memory_space<vmem>>, vector<1x1x16xf32>,
        %get3A_406 = vector.shape_cast %get3A_405 : vector<1x1x16xf32> to vector<16xf32>
        %add3A_407 = arith.addf %get3A_401, %get3A_406 : vector<16xf32>
        %swap3A_408 = arith.index_cast %select_n3A_56 : i32 to index
        %swap3A_409 = arith.index_cast %add3A_396 : i32 to index
        %swap3A_410 = arith.constant 0 : index
        %swap3A_411 = tpu.vector_load %arg8[%swap3A_408, %swap3A_409, %swap3A_410] {strides = array<i32>} : memref<2x80x128xf32, #tpu.memory_space<vmem>>, vector<1x1x16xf32>,
        %swap3A_412 = vector.shape_cast %swap3A_411 : vector<1x1x16xf32> to vector<16xf32>
        %swap3A_413 = vector.shape_cast %add3A_407 : vector<16xf32> to vector<1x1x16xf32>
        tpu.vector_store %arg8[%swap3A_408, %swap3A_409, %swap3A_410], %swap3A_413 {strides = array<i32>} : memref<2x80x128xf32, #tpu.memory_space<vmem>>, vector<1x1x16xf32>,
        %get3A_414 = arith.index_cast %select_n3A_56 : i32 to index
        %get3A_415 = arith.index_cast %add3A_396 : i32 to index
        %get3A_416 = arith.constant 16 : index
        %get3A_417 = tpu.vector_load %arg8[%get3A_414, %get3A_415, %get3A_416] {strides = array<i32>} : memref<2x80x128xf32, #tpu.memory_space<vmem>>, vector<1x1x16xf32>,
        %get3A_418 = vector.shape_cast %get3A_417 : vector<1x1x16xf32> to vector<16xf32>
        %get3A_419 = arith.index_cast %select_n3A_56 : i32 to index
        %get3A_420 = arith.index_cast %add3A_396 : i32 to index
        %get3A_421 = arith.constant 16 : index
        %get3A_422 = tpu.vector_load %arg9[%get3A_419, %get3A_420, %get3A_421] {strides = array<i32>} : memref<2x80x128xf32, #tpu.memory_space<vmem>>, vector<1x1x16xf32>,
        %get3A_423 = vector.shape_cast %get3A_422 : vector<1x1x16xf32> to vector<16xf32>
        %add3A_424 = arith.addf %get3A_418, %get3A_423 : vector<16xf32>
        %swap3A_425 = arith.index_cast %select_n3A_56 : i32 to index
        %swap3A_426 = arith.index_cast %add3A_396 : i32 to index
        %swap3A_427 = arith.constant 16 : index
        %swap3A_428 = tpu.vector_load %arg8[%swap3A_425, %swap3A_426, %swap3A_427] {strides = array<i32>} : memref<2x80x128xf32, #tpu.memory_space<vmem>>, vector<1x1x16xf32>,
        %swap3A_429 = vector.shape_cast %swap3A_428 : vector<1x1x16xf32> to vector<16xf32>
        %swap3A_430 = vector.shape_cast %add3A_424 : vector<16xf32> to vector<1x1x16xf32>
        tpu.vector_store %arg8[%swap3A_425, %swap3A_426, %swap3A_427], %swap3A_430 {strides = array<i32>} : memref<2x80x128xf32, #tpu.memory_space<vmem>>, vector<1x1x16xf32>,
        %get3A_431 = arith.index_cast %select_n3A_56 : i32 to index
        %get3A_432 = arith.index_cast %add3A_396 : i32 to index
        %get3A_433 = arith.constant 32 : index
        %get3A_434 = tpu.vector_load %arg8[%get3A_431, %get3A_432, %get3A_433] {strides = array<i32>} : memref<2x80x128xf32, #tpu.memory_space<vmem>>, vector<1x1x16xf32>,
        %get3A_435 = vector.shape_cast %get3A_434 : vector<1x1x16xf32> to vector<16xf32>
        %get3A_436 = arith.index_cast %select_n3A_56 : i32 to index
        %get3A_437 = arith.index_cast %add3A_396 : i32 to index
        %get3A_438 = arith.constant 32 : index
        %get3A_439 = tpu.vector_load %arg9[%get3A_436, %get3A_437, %get3A_438] {strides = array<i32>} : memref<2x80x128xf32, #tpu.memory_space<vmem>>, vector<1x1x16xf32>,
        %get3A_440 = vector.shape_cast %get3A_439 : vector<1x1x16xf32> to vector<16xf32>
        %add3A_441 = arith.addf %get3A_435, %get3A_440 : vector<16xf32>
        %swap3A_442 = arith.index_cast %select_n3A_56 : i32 to index
        %swap3A_443 = arith.index_cast %add3A_396 : i32 to index
        %swap3A_444 = arith.constant 32 : index
        %swap3A_445 = tpu.vector_load %arg8[%swap3A_442, %swap3A_443, %swap3A_444] {strides = array<i32>} : memref<2x80x128xf32, #tpu.memory_space<vmem>>, vector<1x1x16xf32>,
        %swap3A_446 = vector.shape_cast %swap3A_445 : vector<1x1x16xf32> to vector<16xf32>
        %swap3A_447 = vector.shape_cast %add3A_441 : vector<16xf32> to vector<1x1x16xf32>
        tpu.vector_store %arg8[%swap3A_442, %swap3A_443, %swap3A_444], %swap3A_447 {strides = array<i32>} : memref<2x80x128xf32, #tpu.memory_space<vmem>>, vector<1x1x16xf32>,
        %get3A_448 = arith.index_cast %select_n3A_56 : i32 to index
        %get3A_449 = arith.index_cast %add3A_396 : i32 to index
        %get3A_450 = arith.constant 48 : index
        %get3A_451 = tpu.vector_load %arg8[%get3A_448, %get3A_449, %get3A_450] {strides = array<i32>} : memref<2x80x128xf32, #tpu.memory_space<vmem>>, vector<1x1x16xf32>,
        %get3A_452 = vector.shape_cast %get3A_451 : vector<1x1x16xf32> to vector<16xf32>
        %get3A_453 = arith.index_cast %select_n3A_56 : i32 to index
        %get3A_454 = arith.index_cast %add3A_396 : i32 to index
        %get3A_455 = arith.constant 48 : index
        %get3A_456 = tpu.vector_load %arg9[%get3A_453, %get3A_454, %get3A_455] {strides = array<i32>} : memref<2x80x128xf32, #tpu.memory_space<vmem>>, vector<1x1x16xf32>,
        %get3A_457 = vector.shape_cast %get3A_456 : vector<1x1x16xf32> to vector<16xf32>
        %add3A_458 = arith.addf %get3A_452, %get3A_457 : vector<16xf32>
        %swap3A_459 = arith.index_cast %select_n3A_56 : i32 to index
        %swap3A_460 = arith.index_cast %add3A_396 : i32 to index
        %swap3A_461 = arith.constant 48 : index
        %swap3A_462 = tpu.vector_load %arg8[%swap3A_459, %swap3A_460, %swap3A_461] {strides = array<i32>} : memref<2x80x128xf32, #tpu.memory_space<vmem>>, vector<1x1x16xf32>,
        %swap3A_463 = vector.shape_cast %swap3A_462 : vector<1x1x16xf32> to vector<16xf32>
        %swap3A_464 = vector.shape_cast %add3A_458 : vector<16xf32> to vector<1x1x16xf32>
        tpu.vector_store %arg8[%swap3A_459, %swap3A_460, %swap3A_461], %swap3A_464 {strides = array<i32>} : memref<2x80x128xf32, #tpu.memory_space<vmem>>, vector<1x1x16xf32>,
        %get3A_465 = arith.index_cast %select_n3A_56 : i32 to index
        %get3A_466 = arith.index_cast %add3A_396 : i32 to index
        %get3A_467 = arith.constant 64 : index
        %get3A_468 = tpu.vector_load %arg8[%get3A_465, %get3A_466, %get3A_467] {strides = array<i32>} : memref<2x80x128xf32, #tpu.memory_space<vmem>>, vector<1x1x16xf32>,
        %get3A_469 = vector.shape_cast %get3A_468 : vector<1x1x16xf32> to vector<16xf32>
        %get3A_470 = arith.index_cast %select_n3A_56 : i32 to index
        %get3A_471 = arith.index_cast %add3A_396 : i32 to index
        %get3A_472 = arith.constant 64 : index
        %get3A_473 = tpu.vector_load %arg9[%get3A_470, %get3A_471, %get3A_472] {strides = array<i32>} : memref<2x80x128xf32, #tpu.memory_space<vmem>>, vector<1x1x16xf32>,
        %get3A_474 = vector.shape_cast %get3A_473 : vector<1x1x16xf32> to vector<16xf32>
        %add3A_475 = arith.addf %get3A_469, %get3A_474 : vector<16xf32>
        %swap3A_476 = arith.index_cast %select_n3A_56 : i32 to index
        %swap3A_477 = arith.index_cast %add3A_396 : i32 to index
        %swap3A_478 = arith.constant 64 : index
        %swap3A_479 = tpu.vector_load %arg8[%swap3A_476, %swap3A_477, %swap3A_478] {strides = array<i32>} : memref<2x80x128xf32, #tpu.memory_space<vmem>>, vector<1x1x16xf32>,
        %swap3A_480 = vector.shape_cast %swap3A_479 : vector<1x1x16xf32> to vector<16xf32>
        %swap3A_481 = vector.shape_cast %add3A_475 : vector<16xf32> to vector<1x1x16xf32>
        tpu.vector_store %arg8[%swap3A_476, %swap3A_477, %swap3A_478], %swap3A_481 {strides = array<i32>} : memref<2x80x128xf32, #tpu.memory_space<vmem>>, vector<1x1x16xf32>,
        %get3A_482 = arith.index_cast %select_n3A_56 : i32 to index
        %get3A_483 = arith.index_cast %add3A_396 : i32 to index
        %get3A_484 = arith.constant 80 : index
        %get3A_485 = tpu.vector_load %arg8[%get3A_482, %get3A_483, %get3A_484] {strides = array<i32>} : memref<2x80x128xf32, #tpu.memory_space<vmem>>, vector<1x1x16xf32>,
        %get3A_486 = vector.shape_cast %get3A_485 : vector<1x1x16xf32> to vector<16xf32>
        %get3A_487 = arith.index_cast %select_n3A_56 : i32 to index
        %get3A_488 = arith.index_cast %add3A_396 : i32 to index
        %get3A_489 = arith.constant 80 : index
        %get3A_490 = tpu.vector_load %arg9[%get3A_487, %get3A_488, %get3A_489] {strides = array<i32>} : memref<2x80x128xf32, #tpu.memory_space<vmem>>, vector<1x1x16xf32>,
        %get3A_491 = vector.shape_cast %get3A_490 : vector<1x1x16xf32> to vector<16xf32>
        %add3A_492 = arith.addf %get3A_486, %get3A_491 : vector<16xf32>
        %swap3A_493 = arith.index_cast %select_n3A_56 : i32 to index
        %swap3A_494 = arith.index_cast %add3A_396 : i32 to index
        %swap3A_495 = arith.constant 80 : index
        %swap3A_496 = tpu.vector_load %arg8[%swap3A_493, %swap3A_494, %swap3A_495] {strides = array<i32>} : memref<2x80x128xf32, #tpu.memory_space<vmem>>, vector<1x1x16xf32>,
        %swap3A_497 = vector.shape_cast %swap3A_496 : vector<1x1x16xf32> to vector<16xf32>
        %swap3A_498 = vector.shape_cast %add3A_492 : vector<16xf32> to vector<1x1x16xf32>
        tpu.vector_store %arg8[%swap3A_493, %swap3A_494, %swap3A_495], %swap3A_498 {strides = array<i32>} : memref<2x80x128xf32, #tpu.memory_space<vmem>>, vector<1x1x16xf32>,
        %get3A_499 = arith.index_cast %select_n3A_56 : i32 to index
        %get3A_500 = arith.index_cast %add3A_396 : i32 to index
        %get3A_501 = arith.constant 96 : index
        %get3A_502 = tpu.vector_load %arg8[%get3A_499, %get3A_500, %get3A_501] {strides = array<i32>} : memref<2x80x128xf32, #tpu.memory_space<vmem>>, vector<1x1x16xf32>,
        %get3A_503 = vector.shape_cast %get3A_502 : vector<1x1x16xf32> to vector<16xf32>
        %get3A_504 = arith.index_cast %select_n3A_56 : i32 to index
        %get3A_505 = arith.index_cast %add3A_396 : i32 to index
        %get3A_506 = arith.constant 96 : index
        %get3A_507 = tpu.vector_load %arg9[%get3A_504, %get3A_505, %get3A_506] {strides = array<i32>} : memref<2x80x128xf32, #tpu.memory_space<vmem>>, vector<1x1x16xf32>,
        %get3A_508 = vector.shape_cast %get3A_507 : vector<1x1x16xf32> to vector<16xf32>
        %add3A_509 = arith.addf %get3A_503, %get3A_508 : vector<16xf32>
        %swap3A_510 = arith.index_cast %select_n3A_56 : i32 to index
        %swap3A_511 = arith.index_cast %add3A_396 : i32 to index
        %swap3A_512 = arith.constant 96 : index
        %swap3A_513 = tpu.vector_load %arg8[%swap3A_510, %swap3A_511, %swap3A_512] {strides = array<i32>} : memref<2x80x128xf32, #tpu.memory_space<vmem>>, vector<1x1x16xf32>,
        %swap3A_514 = vector.shape_cast %swap3A_513 : vector<1x1x16xf32> to vector<16xf32>
        %swap3A_515 = vector.shape_cast %add3A_509 : vector<16xf32> to vector<1x1x16xf32>
        tpu.vector_store %arg8[%swap3A_510, %swap3A_511, %swap3A_512], %swap3A_515 {strides = array<i32>} : memref<2x80x128xf32, #tpu.memory_space<vmem>>, vector<1x1x16xf32>,
        %get3A_516 = arith.index_cast %select_n3A_56 : i32 to index
        %get3A_517 = arith.index_cast %add3A_396 : i32 to index
        %get3A_518 = arith.constant 112 : index
        %get3A_519 = tpu.vector_load %arg8[%get3A_516, %get3A_517, %get3A_518] {strides = array<i32>} : memref<2x80x128xf32, #tpu.memory_space<vmem>>, vector<1x1x16xf32>,
        %get3A_520 = vector.shape_cast %get3A_519 : vector<1x1x16xf32> to vector<16xf32>
        %get3A_521 = arith.index_cast %select_n3A_56 : i32 to index
        %get3A_522 = arith.index_cast %add3A_396 : i32 to index
        %get3A_523 = arith.constant 112 : index
        %get3A_524 = tpu.vector_load %arg9[%get3A_521, %get3A_522, %get3A_523] {strides = array<i32>} : memref<2x80x128xf32, #tpu.memory_space<vmem>>, vector<1x1x16xf32>,
        %get3A_525 = vector.shape_cast %get3A_524 : vector<1x1x16xf32> to vector<16xf32>
        %add3A_526 = arith.addf %get3A_520, %get3A_525 : vector<16xf32>
        %swap3A_527 = arith.index_cast %select_n3A_56 : i32 to index
        %swap3A_528 = arith.index_cast %add3A_396 : i32 to index
        %swap3A_529 = arith.constant 112 : index
        %swap3A_530 = tpu.vector_load %arg8[%swap3A_527, %swap3A_528, %swap3A_529] {strides = array<i32>} : memref<2x80x128xf32, #tpu.memory_space<vmem>>, vector<1x1x16xf32>,
        %swap3A_531 = vector.shape_cast %swap3A_530 : vector<1x1x16xf32> to vector<16xf32>
        %swap3A_532 = vector.shape_cast %add3A_526 : vector<16xf32> to vector<1x1x16xf32>
        tpu.vector_store %arg8[%swap3A_527, %swap3A_528, %swap3A_529], %swap3A_532 {strides = array<i32>} : memref<2x80x128xf32, #tpu.memory_space<vmem>>, vector<1x1x16xf32>,
        %scan3A_533 = arith.constant 3 : i32
        %scan3A_534 = arith.addi %scan3A_110, %scan3A_533 : i32
        %mul3A_535 = arith.constant 1 : i32
        %mul3A_536 = arith.muli %scan3A_534, %mul3A_535 : i32
        %add3A_537 = arith.constant 0 : i32
        %add3A_538 = arith.addi %add3A_537, %mul3A_536 : i32
        %get3A_539 = arith.index_cast %select_n3A_56 : i32 to index
        %get3A_540 = arith.index_cast %add3A_538 : i32 to index
        %get3A_541 = arith.constant 0 : index
        %get3A_542 = tpu.vector_load %arg8[%get3A_539, %get3A_540, %get3A_541] {strides = array<i32>} : memref<2x80x128xf32, #tpu.memory_space<vmem>>, vector<1x1x16xf32>,
        %get3A_543 = vector.shape_cast %get3A_542 : vector<1x1x16xf32> to vector<16xf32>
        %get3A_544 = arith.index_cast %select_n3A_56 : i32 to index
        %get3A_545 = arith.index_cast %add3A_538 : i32 to index
        %get3A_546 = arith.constant 0 : index
        %get3A_547 = tpu.vector_load %arg9[%get3A_544, %get3A_545, %get3A_546] {strides = array<i32>} : memref<2x80x128xf32, #tpu.memory_space<vmem>>, vector<1x1x16xf32>,
        %get3A_548 = vector.shape_cast %get3A_547 : vector<1x1x16xf32> to vector<16xf32>
        %add3A_549 = arith.addf %get3A_543, %get3A_548 : vector<16xf32>
        %swap3A_550 = arith.index_cast %select_n3A_56 : i32 to index
        %swap3A_551 = arith.index_cast %add3A_538 : i32 to index
        %swap3A_552 = arith.constant 0 : index
        %swap3A_553 = tpu.vector_load %arg8[%swap3A_550, %swap3A_551, %swap3A_552] {strides = array<i32>} : memref<2x80x128xf32, #tpu.memory_space<vmem>>, vector<1x1x16xf32>,
        %swap3A_554 = vector.shape_cast %swap3A_553 : vector<1x1x16xf32> to vector<16xf32>
        %swap3A_555 = vector.shape_cast %add3A_549 : vector<16xf32> to vector<1x1x16xf32>
        tpu.vector_store %arg8[%swap3A_550, %swap3A_551, %swap3A_552], %swap3A_555 {strides = array<i32>} : memref<2x80x128xf32, #tpu.memory_space<vmem>>, vector<1x1x16xf32>,
        %get3A_556 = arith.index_cast %select_n3A_56 : i32 to index
        %get3A_557 = arith.index_cast %add3A_538 : i32 to index
        %get3A_558 = arith.constant 16 : index
        %get3A_559 = tpu.vector_load %arg8[%get3A_556, %get3A_557, %get3A_558] {strides = array<i32>} : memref<2x80x128xf32, #tpu.memory_space<vmem>>, vector<1x1x16xf32>,
        %get3A_560 = vector.shape_cast %get3A_559 : vector<1x1x16xf32> to vector<16xf32>
        %get3A_561 = arith.index_cast %select_n3A_56 : i32 to index
        %get3A_562 = arith.index_cast %add3A_538 : i32 to index
        %get3A_563 = arith.constant 16 : index
        %get3A_564 = tpu.vector_load %arg9[%get3A_561, %get3A_562, %get3A_563] {strides = array<i32>} : memref<2x80x128xf32, #tpu.memory_space<vmem>>, vector<1x1x16xf32>,
        %get3A_565 = vector.shape_cast %get3A_564 : vector<1x1x16xf32> to vector<16xf32>
        %add3A_566 = arith.addf %get3A_560, %get3A_565 : vector<16xf32>
        %swap3A_567 = arith.index_cast %select_n3A_56 : i32 to index
        %swap3A_568 = arith.index_cast %add3A_538 : i32 to index
        %swap3A_569 = arith.constant 16 : index
        %swap3A_570 = tpu.vector_load %arg8[%swap3A_567, %swap3A_568, %swap3A_569] {strides = array<i32>} : memref<2x80x128xf32, #tpu.memory_space<vmem>>, vector<1x1x16xf32>,
        %swap3A_571 = vector.shape_cast %swap3A_570 : vector<1x1x16xf32> to vector<16xf32>
        %swap3A_572 = vector.shape_cast %add3A_566 : vector<16xf32> to vector<1x1x16xf32>
        tpu.vector_store %arg8[%swap3A_567, %swap3A_568, %swap3A_569], %swap3A_572 {strides = array<i32>} : memref<2x80x128xf32, #tpu.memory_space<vmem>>, vector<1x1x16xf32>,
        %get3A_573 = arith.index_cast %select_n3A_56 : i32 to index
        %get3A_574 = arith.index_cast %add3A_538 : i32 to index
        %get3A_575 = arith.constant 32 : index
        %get3A_576 = tpu.vector_load %arg8[%get3A_573, %get3A_574, %get3A_575] {strides = array<i32>} : memref<2x80x128xf32, #tpu.memory_space<vmem>>, vector<1x1x16xf32>,
        %get3A_577 = vector.shape_cast %get3A_576 : vector<1x1x16xf32> to vector<16xf32>
        %get3A_578 = arith.index_cast %select_n3A_56 : i32 to index
        %get3A_579 = arith.index_cast %add3A_538 : i32 to index
        %get3A_580 = arith.constant 32 : index
        %get3A_581 = tpu.vector_load %arg9[%get3A_578, %get3A_579, %get3A_580] {strides = array<i32>} : memref<2x80x128xf32, #tpu.memory_space<vmem>>, vector<1x1x16xf32>,
        %get3A_582 = vector.shape_cast %get3A_581 : vector<1x1x16xf32> to vector<16xf32>
        %add3A_583 = arith.addf %get3A_577, %get3A_582 : vector<16xf32>
        %swap3A_584 = arith.index_cast %select_n3A_56 : i32 to index
        %swap3A_585 = arith.index_cast %add3A_538 : i32 to index
        %swap3A_586 = arith.constant 32 : index
        %swap3A_587 = tpu.vector_load %arg8[%swap3A_584, %swap3A_585, %swap3A_586] {strides = array<i32>} : memref<2x80x128xf32, #tpu.memory_space<vmem>>, vector<1x1x16xf32>,
        %swap3A_588 = vector.shape_cast %swap3A_587 : vector<1x1x16xf32> to vector<16xf32>
        %swap3A_589 = vector.shape_cast %add3A_583 : vector<16xf32> to vector<1x1x16xf32>
        tpu.vector_store %arg8[%swap3A_584, %swap3A_585, %swap3A_586], %swap3A_589 {strides = array<i32>} : memref<2x80x128xf32, #tpu.memory_space<vmem>>, vector<1x1x16xf32>,
        %get3A_590 = arith.index_cast %select_n3A_56 : i32 to index
        %get3A_591 = arith.index_cast %add3A_538 : i32 to index
        %get3A_592 = arith.constant 48 : index
        %get3A_593 = tpu.vector_load %arg8[%get3A_590, %get3A_591, %get3A_592] {strides = array<i32>} : memref<2x80x128xf32, #tpu.memory_space<vmem>>, vector<1x1x16xf32>,
        %get3A_594 = vector.shape_cast %get3A_593 : vector<1x1x16xf32> to vector<16xf32>
        %get3A_595 = arith.index_cast %select_n3A_56 : i32 to index
        %get3A_596 = arith.index_cast %add3A_538 : i32 to index
        %get3A_597 = arith.constant 48 : index
        %get3A_598 = tpu.vector_load %arg9[%get3A_595, %get3A_596, %get3A_597] {strides = array<i32>} : memref<2x80x128xf32, #tpu.memory_space<vmem>>, vector<1x1x16xf32>,
        %get3A_599 = vector.shape_cast %get3A_598 : vector<1x1x16xf32> to vector<16xf32>
        %add3A_600 = arith.addf %get3A_594, %get3A_599 : vector<16xf32>
        %swap3A_601 = arith.index_cast %select_n3A_56 : i32 to index
        %swap3A_602 = arith.index_cast %add3A_538 : i32 to index
        %swap3A_603 = arith.constant 48 : index
        %swap3A_604 = tpu.vector_load %arg8[%swap3A_601, %swap3A_602, %swap3A_603] {strides = array<i32>} : memref<2x80x128xf32, #tpu.memory_space<vmem>>, vector<1x1x16xf32>,
        %swap3A_605 = vector.shape_cast %swap3A_604 : vector<1x1x16xf32> to vector<16xf32>
        %swap3A_606 = vector.shape_cast %add3A_600 : vector<16xf32> to vector<1x1x16xf32>
        tpu.vector_store %arg8[%swap3A_601, %swap3A_602, %swap3A_603], %swap3A_606 {strides = array<i32>} : memref<2x80x128xf32, #tpu.memory_space<vmem>>, vector<1x1x16xf32>,
        %get3A_607 = arith.index_cast %select_n3A_56 : i32 to index
        %get3A_608 = arith.index_cast %add3A_538 : i32 to index
        %get3A_609 = arith.constant 64 : index
        %get3A_610 = tpu.vector_load %arg8[%get3A_607, %get3A_608, %get3A_609] {strides = array<i32>} : memref<2x80x128xf32, #tpu.memory_space<vmem>>, vector<1x1x16xf32>,
        %get3A_611 = vector.shape_cast %get3A_610 : vector<1x1x16xf32> to vector<16xf32>
        %get3A_612 = arith.index_cast %select_n3A_56 : i32 to index
        %get3A_613 = arith.index_cast %add3A_538 : i32 to index
        %get3A_614 = arith.constant 64 : index
        %get3A_615 = tpu.vector_load %arg9[%get3A_612, %get3A_613, %get3A_614] {strides = array<i32>} : memref<2x80x128xf32, #tpu.memory_space<vmem>>, vector<1x1x16xf32>,
        %get3A_616 = vector.shape_cast %get3A_615 : vector<1x1x16xf32> to vector<16xf32>
        %add3A_617 = arith.addf %get3A_611, %get3A_616 : vector<16xf32>
        %swap3A_618 = arith.index_cast %select_n3A_56 : i32 to index
        %swap3A_619 = arith.index_cast %add3A_538 : i32 to index
        %swap3A_620 = arith.constant 64 : index
        %swap3A_621 = tpu.vector_load %arg8[%swap3A_618, %swap3A_619, %swap3A_620] {strides = array<i32>} : memref<2x80x128xf32, #tpu.memory_space<vmem>>, vector<1x1x16xf32>,
        %swap3A_622 = vector.shape_cast %swap3A_621 : vector<1x1x16xf32> to vector<16xf32>
        %swap3A_623 = vector.shape_cast %add3A_617 : vector<16xf32> to vector<1x1x16xf32>
        tpu.vector_store %arg8[%swap3A_618, %swap3A_619, %swap3A_620], %swap3A_623 {strides = array<i32>} : memref<2x80x128xf32, #tpu.memory_space<vmem>>, vector<1x1x16xf32>,
        %get3A_624 = arith.index_cast %select_n3A_56 : i32 to index
        %get3A_625 = arith.index_cast %add3A_538 : i32 to index
        %get3A_626 = arith.constant 80 : index
        %get3A_627 = tpu.vector_load %arg8[%get3A_624, %get3A_625, %get3A_626] {strides = array<i32>} : memref<2x80x128xf32, #tpu.memory_space<vmem>>, vector<1x1x16xf32>,
        %get3A_628 = vector.shape_cast %get3A_627 : vector<1x1x16xf32> to vector<16xf32>
        %get3A_629 = arith.index_cast %select_n3A_56 : i32 to index
        %get3A_630 = arith.index_cast %add3A_538 : i32 to index
        %get3A_631 = arith.constant 80 : index
        %get3A_632 = tpu.vector_load %arg9[%get3A_629, %get3A_630, %get3A_631] {strides = array<i32>} : memref<2x80x128xf32, #tpu.memory_space<vmem>>, vector<1x1x16xf32>,
        %get3A_633 = vector.shape_cast %get3A_632 : vector<1x1x16xf32> to vector<16xf32>
        %add3A_634 = arith.addf %get3A_628, %get3A_633 : vector<16xf32>
        %swap3A_635 = arith.index_cast %select_n3A_56 : i32 to index
        %swap3A_636 = arith.index_cast %add3A_538 : i32 to index
        %swap3A_637 = arith.constant 80 : index
        %swap3A_638 = tpu.vector_load %arg8[%swap3A_635, %swap3A_636, %swap3A_637] {strides = array<i32>} : memref<2x80x128xf32, #tpu.memory_space<vmem>>, vector<1x1x16xf32>,
        %swap3A_639 = vector.shape_cast %swap3A_638 : vector<1x1x16xf32> to vector<16xf32>
        %swap3A_640 = vector.shape_cast %add3A_634 : vector<16xf32> to vector<1x1x16xf32>
        tpu.vector_store %arg8[%swap3A_635, %swap3A_636, %swap3A_637], %swap3A_640 {strides = array<i32>} : memref<2x80x128xf32, #tpu.memory_space<vmem>>, vector<1x1x16xf32>,
        %get3A_641 = arith.index_cast %select_n3A_56 : i32 to index
        %get3A_642 = arith.index_cast %add3A_538 : i32 to index
        %get3A_643 = arith.constant 96 : index
        %get3A_644 = tpu.vector_load %arg8[%get3A_641, %get3A_642, %get3A_643] {strides = array<i32>} : memref<2x80x128xf32, #tpu.memory_space<vmem>>, vector<1x1x16xf32>,
        %get3A_645 = vector.shape_cast %get3A_644 : vector<1x1x16xf32> to vector<16xf32>
        %get3A_646 = arith.index_cast %select_n3A_56 : i32 to index
        %get3A_647 = arith.index_cast %add3A_538 : i32 to index
        %get3A_648 = arith.constant 96 : index
        %get3A_649 = tpu.vector_load %arg9[%get3A_646, %get3A_647, %get3A_648] {strides = array<i32>} : memref<2x80x128xf32, #tpu.memory_space<vmem>>, vector<1x1x16xf32>,
        %get3A_650 = vector.shape_cast %get3A_649 : vector<1x1x16xf32> to vector<16xf32>
        %add3A_651 = arith.addf %get3A_645, %get3A_650 : vector<16xf32>
        %swap3A_652 = arith.index_cast %select_n3A_56 : i32 to index
        %swap3A_653 = arith.index_cast %add3A_538 : i32 to index
        %swap3A_654 = arith.constant 96 : index
        %swap3A_655 = tpu.vector_load %arg8[%swap3A_652, %swap3A_653, %swap3A_654] {strides = array<i32>} : memref<2x80x128xf32, #tpu.memory_space<vmem>>, vector<1x1x16xf32>,
        %swap3A_656 = vector.shape_cast %swap3A_655 : vector<1x1x16xf32> to vector<16xf32>
        %swap3A_657 = vector.shape_cast %add3A_651 : vector<16xf32> to vector<1x1x16xf32>
        tpu.vector_store %arg8[%swap3A_652, %swap3A_653, %swap3A_654], %swap3A_657 {strides = array<i32>} : memref<2x80x128xf32, #tpu.memory_space<vmem>>, vector<1x1x16xf32>,
        %get3A_658 = arith.index_cast %select_n3A_56 : i32 to index
        %get3A_659 = arith.index_cast %add3A_538 : i32 to index
        %get3A_660 = arith.constant 112 : index
        %get3A_661 = tpu.vector_load %arg8[%get3A_658, %get3A_659, %get3A_660] {strides = array<i32>} : memref<2x80x128xf32, #tpu.memory_space<vmem>>, vector<1x1x16xf32>,
        %get3A_662 = vector.shape_cast %get3A_661 : vector<1x1x16xf32> to vector<16xf32>
        %get3A_663 = arith.index_cast %select_n3A_56 : i32 to index
        %get3A_664 = arith.index_cast %add3A_538 : i32 to index
        %get3A_665 = arith.constant 112 : index
        %get3A_666 = tpu.vector_load %arg9[%get3A_663, %get3A_664, %get3A_665] {strides = array<i32>} : memref<2x80x128xf32, #tpu.memory_space<vmem>>, vector<1x1x16xf32>,
        %get3A_667 = vector.shape_cast %get3A_666 : vector<1x1x16xf32> to vector<16xf32>
        %add3A_668 = arith.addf %get3A_662, %get3A_667 : vector<16xf32>
        %swap3A_669 = arith.index_cast %select_n3A_56 : i32 to index
        %swap3A_670 = arith.index_cast %add3A_538 : i32 to index
        %swap3A_671 = arith.constant 112 : index
        %swap3A_672 = tpu.vector_load %arg8[%swap3A_669, %swap3A_670, %swap3A_671] {strides = array<i32>} : memref<2x80x128xf32, #tpu.memory_space<vmem>>, vector<1x1x16xf32>,
        %swap3A_673 = vector.shape_cast %swap3A_672 : vector<1x1x16xf32> to vector<16xf32>
        %swap3A_674 = vector.shape_cast %add3A_668 : vector<16xf32> to vector<1x1x16xf32>
        tpu.vector_store %arg8[%swap3A_669, %swap3A_670, %swap3A_671], %swap3A_674 {strides = array<i32>} : memref<2x80x128xf32, #tpu.memory_space<vmem>>, vector<1x1x16xf32>,
      }
      %scan3A_93 = arith.constant 80 : i32
      %mul3A_94 = arith.constant 80 : i32
      %mul3A_95 = arith.muli %scan3A_46, %mul3A_94 : i32
      %add3A_96 = arith.addi %mul3A_4, %mul3A_95 : i32
      %dma_start3A_97 = arith.constant 0 : i32
      %dma_start3A_98 = arith.constant 0 : i32
      %dma_start3A_99 = tpu.memref_slice %arg8[%select_n3A_56, %dma_start3A_97, %dma_start3A_98] : memref<2x80x128xf32, #tpu.memory_space<vmem>> -> memref<1x80x128xf32, #tpu.memory_space<vmem>>
      %dma_start3A_100 = tpu.memref_squeeze %dma_start3A_99 : memref<1x80x128xf32, #tpu.memory_space<vmem>> -> memref<80x128xf32, #tpu.memory_space<vmem>>
      %dma_start3A_101 = arith.constant 0 : i32
      %dma_start3A_102 = tpu.memref_slice %arg5[%add3A_96, %dma_start3A_101] : memref<320000x128xf32, #tpu.memory_space<hbm>> -> memref<80x128xf32, #tpu.memory_space<hbm>>
      %dma_start3A_103 = arith.constant 0 : i32
      %dma_start3A_104 = tpu.memref_slice %arg5[%add3A_96, %dma_start3A_103] : memref<320000x128xf32, #tpu.memory_space<hbm>> -> memref<80x128xf32, #tpu.memory_space<hbm>>
      %dma_start3A_105 = arith.constant 0 : i32
      %dma_start3A_106 = arith.constant 0 : i32
      %dma_start3A_107 = tpu.memref_slice %arg8[%select_n3A_56, %dma_start3A_105, %dma_start3A_106] : memref<2x80x128xf32, #tpu.memory_space<vmem>> -> memref<1x80x128xf32, #tpu.memory_space<vmem>>
      %dma_start3A_108 = tpu.memref_squeeze %dma_start3A_107 : memref<1x80x128xf32, #tpu.memory_space<vmem>> -> memref<80x128xf32, #tpu.memory_space<vmem>>
      tpu.enqueue_dma source(%dma_start3A_108 : memref<80x128xf32, #tpu.memory_space<vmem>>) target(%dma_start3A_104 : memref<80x128xf32, #tpu.memory_space<hbm>>) target_semaphore(%arg12 : memref<!tpu.dma_semaphore, #tpu.memory_space<semaphore_mem>>)
      %scan3A_109 = arith.constant 0 : i32
      scf.yield %scan3A_109 : i32
    }
    %scan3A_33 = arith.constant 125 : i32
    %dma_wait3A = arith.constant 0 : i32
    %dma_wait3A_34 = arith.constant 0 : i32
    %dma_wait3A_35 = arith.constant 0 : i32
    %dma_wait3A_36 = tpu.memref_slice %arg8[%dma_wait3A, %dma_wait3A_34, %dma_wait3A_35] : memref<2x80x128xf32, #tpu.memory_space<vmem>> -> memref<1x80x128xf32, #tpu.memory_space<vmem>>
    %dma_wait3A_37 = tpu.memref_squeeze %dma_wait3A_36 : memref<1x80x128xf32, #tpu.memory_space<vmem>> -> memref<80x128xf32, #tpu.memory_space<vmem>>
    %dma_wait3A_38 = arith.constant 0 : i32
    %dma_wait3A_39 = tpu.memref_slice %arg5[%mul3A_4, %dma_wait3A_38] : memref<320000x128xf32, #tpu.memory_space<hbm>> -> memref<80x128xf32, #tpu.memory_space<hbm>>
    %dma_wait3A_40 = arith.constant 0 : i32
    %dma_wait3A_41 = tpu.memref_slice %arg5[%mul3A_4, %dma_wait3A_40] : memref<320000x128xf32, #tpu.memory_space<hbm>> -> memref<80x128xf32, #tpu.memory_space<hbm>>
    %dma_wait3A_42 = arith.constant 0 : i32
    %dma_wait3A_43 = arith.constant 0 : i32
    %dma_wait3A_44 = tpu.memref_slice %arg8[%dma_wait3A, %dma_wait3A_42, %dma_wait3A_43] : memref<2x80x128xf32, #tpu.memory_space<vmem>> -> memref<1x80x128xf32, #tpu.memory_space<vmem>>
    %dma_wait3A_45 = tpu.memref_squeeze %dma_wait3A_44 : memref<1x80x128xf32, #tpu.memory_space<vmem>> -> memref<80x128xf32, #tpu.memory_space<vmem>>
    tpu.wait_dma2 semaphore(%arg12 : memref<!tpu.dma_semaphore, #tpu.memory_space<semaphore_mem>>) src(%dma_wait3A_45 : memref<80x128xf32, #tpu.memory_space<vmem>>) dst(%dma_wait3A_41 : memref<80x128xf32, #tpu.memory_space<hbm>>)
    return
  }
}

module attributes {stable_mosaic.version = 14 : i64} {
  func.func @_enc_node_body(%arg0: i32, %arg1: memref<2000x128xf32, #tpu.memory_space<vmem>>, %arg2: memref<128x128xf32, #tpu.memory_space<vmem>>, %arg3: memref<1x128xf32, #tpu.memory_space<vmem>>, %arg4: memref<128x128xf32, #tpu.memory_space<vmem>>, %arg5: memref<1x128xf32, #tpu.memory_space<vmem>>, %arg6: memref<128x128xf32, #tpu.memory_space<vmem>>, %arg7: memref<1x128xf32, #tpu.memory_space<vmem>>, %arg8: memref<1x128xf32, #tpu.memory_space<vmem>>, %arg9: memref<1x128xf32, #tpu.memory_space<vmem>>, %arg10: memref<128x128xf32, #tpu.memory_space<vmem>>, %arg11: memref<128x128xf32, #tpu.memory_space<vmem>>, %arg12: memref<2000x128xf32, #tpu.memory_space<vmem>>, %arg13: memref<2x2000x128xf32, #tpu.memory_space<vmem>>) attributes {dimension_semantics = [#tpu.dimension_semantics<arbitrary>], iteration_bounds = array<i64: 5>, scalar_prefetch = 0 : i64, scratch_operands = 0 : i64, tpu.core_type = #tpu.core_type<tc>, window_params = [{transform_indices = @transform_0, window_bounds = array<i64: 2000, 128>}, {pipeline_mode = #tpu.pipeline_mode<synchronous>, transform_indices = @transform_1, window_bounds = array<i64: 128, 128>}, {pipeline_mode = #tpu.pipeline_mode<synchronous>, transform_indices = @transform_2, window_bounds = array<i64: 1, 128>}, {pipeline_mode = #tpu.pipeline_mode<synchronous>, transform_indices = @transform_3, window_bounds = array<i64: 128, 128>}, {pipeline_mode = #tpu.pipeline_mode<synchronous>, transform_indices = @transform_4, window_bounds = array<i64: 1, 128>}, {pipeline_mode = #tpu.pipeline_mode<synchronous>, transform_indices = @transform_5, window_bounds = array<i64: 128, 128>}, {pipeline_mode = #tpu.pipeline_mode<synchronous>, transform_indices = @transform_6, window_bounds = array<i64: 1, 128>}, {pipeline_mode = #tpu.pipeline_mode<synchronous>, transform_indices = @transform_7, window_bounds = array<i64: 1, 128>}, {pipeline_mode = #tpu.pipeline_mode<synchronous>, transform_indices = @transform_8, window_bounds = array<i64: 1, 128>}, {pipeline_mode = #tpu.pipeline_mode<synchronous>, transform_indices = @transform_9, window_bounds = array<i64: 128, 128>}, {pipeline_mode = #tpu.pipeline_mode<synchronous>, transform_indices = @transform_10, window_bounds = array<i64: 128, 128>}, {transform_indices = @transform_11, window_bounds = array<i64: 2000, 128>}, {transform_indices = @transform_12, window_bounds = array<i64: 2, 2000, 128>}]} {
    %get3A = arith.constant 0 : index
    %get3A_0 = arith.constant 0 : index
    %get3A_1 = vector.load %arg1[%get3A, %get3A_0] : memref<2000x128xf32, #tpu.memory_space<vmem>>, vector<2000x128xf32>
    %get3A_2 = arith.constant 0 : index
    %get3A_3 = arith.constant 0 : index
    %get3A_4 = vector.load %arg2[%get3A_2, %get3A_3] : memref<128x128xf32, #tpu.memory_space<vmem>>, vector<128x128xf32>
    %dot_general3A = arith.constant dense<0.000000e+00> : vector<2000x128xf32>
    %dot_general3A_5 = tpu.matmul %get3A_1, %get3A_4, %dot_general3A {dimension_numbers = #tpu.dot_dimension_numbers<[1], [0], [0], [1], [0, 0, 1, 1], [], []>, transpose_lhs_hint = false} : vector<2000x128xf32>, vector<128x128xf32>, vector<2000x128xf32> -> vector<2000x128xf32>
    %get3A_6 = arith.constant 0 : index
    %get3A_7 = arith.constant 0 : index
    %get3A_8 = vector.load %arg3[%get3A_6, %get3A_7] : memref<1x128xf32, #tpu.memory_space<vmem>>, vector<1x128xf32>
    %add3A = vector.broadcast %get3A_8 : vector<1x128xf32> to vector<2000x128xf32>
    %add3A_9 = arith.addf %dot_general3A_5, %add3A : vector<2000x128xf32>
    %max3A = arith.constant 0.000000e+00 : f32
    %max3A_10 = vector.broadcast %max3A : f32 to vector<2000x128xf32>
    %max3A_11 = arith.maximumf %add3A_9, %max3A_10 : vector<2000x128xf32>
    %get3A_12 = arith.constant 0 : index
    %get3A_13 = arith.constant 0 : index
    %get3A_14 = vector.load %arg4[%get3A_12, %get3A_13] : memref<128x128xf32, #tpu.memory_space<vmem>>, vector<128x128xf32>
    %dot_general3A_15 = arith.constant dense<0.000000e+00> : vector<2000x128xf32>
    %dot_general3A_16 = tpu.matmul %max3A_11, %get3A_14, %dot_general3A_15 {dimension_numbers = #tpu.dot_dimension_numbers<[1], [0], [0], [1], [0, 0, 1, 1], [], []>, transpose_lhs_hint = false} : vector<2000x128xf32>, vector<128x128xf32>, vector<2000x128xf32> -> vector<2000x128xf32>
    %get3A_17 = arith.constant 0 : index
    %get3A_18 = arith.constant 0 : index
    %get3A_19 = vector.load %arg5[%get3A_17, %get3A_18] : memref<1x128xf32, #tpu.memory_space<vmem>>, vector<1x128xf32>
    %add3A_20 = vector.broadcast %get3A_19 : vector<1x128xf32> to vector<2000x128xf32>
    %add3A_21 = arith.addf %dot_general3A_16, %add3A_20 : vector<2000x128xf32>
    %max3A_22 = arith.constant 0.000000e+00 : f32
    %max3A_23 = vector.broadcast %max3A_22 : f32 to vector<2000x128xf32>
    %max3A_24 = arith.maximumf %add3A_21, %max3A_23 : vector<2000x128xf32>
    %get3A_25 = arith.constant 0 : index
    %get3A_26 = arith.constant 0 : index
    %get3A_27 = vector.load %arg6[%get3A_25, %get3A_26] : memref<128x128xf32, #tpu.memory_space<vmem>>, vector<128x128xf32>
    %dot_general3A_28 = arith.constant dense<0.000000e+00> : vector<2000x128xf32>
    %dot_general3A_29 = tpu.matmul %max3A_24, %get3A_27, %dot_general3A_28 {dimension_numbers = #tpu.dot_dimension_numbers<[1], [0], [0], [1], [0, 0, 1, 1], [], []>, transpose_lhs_hint = false} : vector<2000x128xf32>, vector<128x128xf32>, vector<2000x128xf32> -> vector<2000x128xf32>
    %get3A_30 = arith.constant 0 : index
    %get3A_31 = arith.constant 0 : index
    %get3A_32 = vector.load %arg7[%get3A_30, %get3A_31] : memref<1x128xf32, #tpu.memory_space<vmem>>, vector<1x128xf32>
    %add3A_33 = vector.broadcast %get3A_32 : vector<1x128xf32> to vector<2000x128xf32>
    %add3A_34 = arith.addf %dot_general3A_29, %add3A_33 : vector<2000x128xf32>
    %get3A_35 = arith.constant 0 : index
    %get3A_36 = arith.constant 0 : index
    %get3A_37 = vector.load %arg8[%get3A_35, %get3A_36] : memref<1x128xf32, #tpu.memory_space<vmem>>, vector<1x128xf32>
    %get3A_38 = arith.constant 0 : index
    %get3A_39 = arith.constant 0 : index
    %get3A_40 = vector.load %arg9[%get3A_38, %get3A_39] : memref<1x128xf32, #tpu.memory_space<vmem>>, vector<1x128xf32>
    %reduce_sum3A = arith.constant dense<0.000000e+00> : vector<2000xf32>
    %reduce_sum3A_41 = vector.multi_reduction <add>, %add3A_34, %reduce_sum3A [1] : vector<2000x128xf32> to vector<2000xf32>
    %broadcast_in_dim3A = vector.shape_cast %reduce_sum3A_41 : vector<2000xf32> to vector<2000x1xf32>
    %div3A = arith.constant 1.280000e+02 : f32
    %div3A_42 = vector.broadcast %div3A : f32 to vector<2000x1xf32>
    %div3A_43 = arith.divf %broadcast_in_dim3A, %div3A_42 : vector<2000x1xf32>
    %sub3A = vector.broadcast %div3A_43 : vector<2000x1xf32> to vector<2000x128xf32>
    %sub3A_44 = arith.subf %add3A_34, %sub3A : vector<2000x128xf32>
    %mul3A = arith.mulf %sub3A_44, %sub3A_44 : vector<2000x128xf32>
    %reduce_sum3A_45 = arith.constant dense<0.000000e+00> : vector<2000xf32>
    %reduce_sum3A_46 = vector.multi_reduction <add>, %mul3A, %reduce_sum3A_45 [1] : vector<2000x128xf32> to vector<2000xf32>
    %broadcast_in_dim3A_47 = vector.shape_cast %reduce_sum3A_46 : vector<2000xf32> to vector<2000x1xf32>
    %div3A_48 = arith.constant 1.280000e+02 : f32
    %div3A_49 = vector.broadcast %div3A_48 : f32 to vector<2000x1xf32>
    %div3A_50 = arith.divf %broadcast_in_dim3A_47, %div3A_49 : vector<2000x1xf32>
    %add3A_51 = arith.constant 9.99999974E-6 : f32
    %add3A_52 = vector.broadcast %add3A_51 : f32 to vector<2000x1xf32>
    %add3A_53 = arith.addf %div3A_50, %add3A_52 : vector<2000x1xf32>
    %sqrt3A = math.sqrt %add3A_53 : vector<2000x1xf32>
    %div3A_54 = vector.broadcast %sqrt3A : vector<2000x1xf32> to vector<2000x128xf32>
    %div3A_55 = arith.divf %sub3A_44, %div3A_54 : vector<2000x128xf32>
    %mul3A_56 = vector.broadcast %get3A_37 : vector<1x128xf32> to vector<2000x128xf32>
    %mul3A_57 = arith.mulf %div3A_55, %mul3A_56 : vector<2000x128xf32>
    %add3A_58 = vector.broadcast %get3A_40 : vector<1x128xf32> to vector<2000x128xf32>
    %add3A_59 = arith.addf %mul3A_57, %add3A_58 : vector<2000x128xf32>
    %swap3A = arith.constant 0 : index
    %swap3A_60 = arith.constant 0 : index
    %swap3A_61 = vector.load %arg12[%swap3A, %swap3A_60] : memref<2000x128xf32, #tpu.memory_space<vmem>>, vector<2000x128xf32>
    tpu.vector_store %arg12[%swap3A, %swap3A_60], %add3A_59 {strides = array<i32>} : memref<2000x128xf32, #tpu.memory_space<vmem>>, vector<2000x128xf32>,
    %get3A_62 = arith.constant 0 : index
    %get3A_63 = arith.constant 0 : index
    %get3A_64 = vector.load %arg10[%get3A_62, %get3A_63] : memref<128x128xf32, #tpu.memory_space<vmem>>, vector<128x128xf32>
    %dot_general3A_65 = arith.constant dense<0.000000e+00> : vector<2000x128xf32>
    %dot_general3A_66 = tpu.matmul %add3A_59, %get3A_64, %dot_general3A_65 {dimension_numbers = #tpu.dot_dimension_numbers<[1], [0], [0], [1], [0, 0, 1, 1], [], []>, transpose_lhs_hint = false} : vector<2000x128xf32>, vector<128x128xf32>, vector<2000x128xf32> -> vector<2000x128xf32>
    %swap3A_67 = arith.constant 0 : index
    %swap3A_68 = arith.constant 0 : index
    %swap3A_69 = arith.constant 0 : index
    %swap3A_70 = vector.load %arg13[%swap3A_67, %swap3A_68, %swap3A_69] : memref<2x2000x128xf32, #tpu.memory_space<vmem>>, vector<1x2000x128xf32>
    %swap3A_71 = vector.shape_cast %swap3A_70 : vector<1x2000x128xf32> to vector<2000x128xf32>
    %swap3A_72 = vector.shape_cast %dot_general3A_66 : vector<2000x128xf32> to vector<1x2000x128xf32>
    tpu.vector_store %arg13[%swap3A_67, %swap3A_68, %swap3A_69], %swap3A_72 {strides = array<i32>} : memref<2x2000x128xf32, #tpu.memory_space<vmem>>, vector<1x2000x128xf32>,
    %get3A_73 = arith.constant 0 : index
    %get3A_74 = arith.constant 0 : index
    %get3A_75 = vector.load %arg11[%get3A_73, %get3A_74] : memref<128x128xf32, #tpu.memory_space<vmem>>, vector<128x128xf32>
    %dot_general3A_76 = arith.constant dense<0.000000e+00> : vector<2000x128xf32>
    %dot_general3A_77 = tpu.matmul %add3A_59, %get3A_75, %dot_general3A_76 {dimension_numbers = #tpu.dot_dimension_numbers<[1], [0], [0], [1], [0, 0, 1, 1], [], []>, transpose_lhs_hint = false} : vector<2000x128xf32>, vector<128x128xf32>, vector<2000x128xf32> -> vector<2000x128xf32>
    %swap3A_78 = arith.constant 1 : index
    %swap3A_79 = arith.constant 0 : index
    %swap3A_80 = arith.constant 0 : index
    %swap3A_81 = vector.load %arg13[%swap3A_78, %swap3A_79, %swap3A_80] : memref<2x2000x128xf32, #tpu.memory_space<vmem>>, vector<1x2000x128xf32>
    %swap3A_82 = vector.shape_cast %swap3A_81 : vector<1x2000x128xf32> to vector<2000x128xf32>
    %swap3A_83 = vector.shape_cast %dot_general3A_77 : vector<2000x128xf32> to vector<1x2000x128xf32>
    tpu.vector_store %arg13[%swap3A_78, %swap3A_79, %swap3A_80], %swap3A_83 {strides = array<i32>} : memref<2x2000x128xf32, #tpu.memory_space<vmem>>, vector<1x2000x128xf32>,
    return
  }
  func.func @transform_0(%arg0: i32) -> (i32, i32) {
    %c0_i32 = arith.constant 0 : i32
    %c0_i32_0 = arith.constant 0 : i32
    return %arg0, %c0_i32 : i32, i32
  }
  func.func @transform_1(%arg0: i32) -> (i32, i32) {
    %c0_i32 = arith.constant 0 : i32
    %c0_i32_0 = arith.constant 0 : i32
    %c0_i32_1 = arith.constant 0 : i32
    return %c0_i32, %c0_i32_0 : i32, i32
  }
  func.func @transform_2(%arg0: i32) -> (i32, i32) {
    %c0_i32 = arith.constant 0 : i32
    %c0_i32_0 = arith.constant 0 : i32
    %c0_i32_1 = arith.constant 0 : i32
    return %c0_i32, %c0_i32_0 : i32, i32
  }
  func.func @transform_3(%arg0: i32) -> (i32, i32) {
    %c0_i32 = arith.constant 0 : i32
    %c0_i32_0 = arith.constant 0 : i32
    %c0_i32_1 = arith.constant 0 : i32
    return %c0_i32, %c0_i32_0 : i32, i32
  }
  func.func @transform_4(%arg0: i32) -> (i32, i32) {
    %c0_i32 = arith.constant 0 : i32
    %c0_i32_0 = arith.constant 0 : i32
    %c0_i32_1 = arith.constant 0 : i32
    return %c0_i32, %c0_i32_0 : i32, i32
  }
  func.func @transform_5(%arg0: i32) -> (i32, i32) {
    %c0_i32 = arith.constant 0 : i32
    %c0_i32_0 = arith.constant 0 : i32
    %c0_i32_1 = arith.constant 0 : i32
    return %c0_i32, %c0_i32_0 : i32, i32
  }
  func.func @transform_6(%arg0: i32) -> (i32, i32) {
    %c0_i32 = arith.constant 0 : i32
    %c0_i32_0 = arith.constant 0 : i32
    %c0_i32_1 = arith.constant 0 : i32
    return %c0_i32, %c0_i32_0 : i32, i32
  }
  func.func @transform_7(%arg0: i32) -> (i32, i32) {
    %c0_i32 = arith.constant 0 : i32
    %c0_i32_0 = arith.constant 0 : i32
    %c0_i32_1 = arith.constant 0 : i32
    return %c0_i32, %c0_i32_0 : i32, i32
  }
  func.func @transform_8(%arg0: i32) -> (i32, i32) {
    %c0_i32 = arith.constant 0 : i32
    %c0_i32_0 = arith.constant 0 : i32
    %c0_i32_1 = arith.constant 0 : i32
    return %c0_i32, %c0_i32_0 : i32, i32
  }
  func.func @transform_9(%arg0: i32) -> (i32, i32) {
    %c0_i32 = arith.constant 0 : i32
    %c0_i32_0 = arith.constant 0 : i32
    %c0_i32_1 = arith.constant 0 : i32
    return %c0_i32, %c0_i32_0 : i32, i32
  }
  func.func @transform_10(%arg0: i32) -> (i32, i32) {
    %c0_i32 = arith.constant 0 : i32
    %c0_i32_0 = arith.constant 0 : i32
    %c0_i32_1 = arith.constant 0 : i32
    return %c0_i32, %c0_i32_0 : i32, i32
  }
  func.func @transform_11(%arg0: i32) -> (i32, i32) {
    %c0_i32 = arith.constant 0 : i32
    %c0_i32_0 = arith.constant 0 : i32
    return %arg0, %c0_i32 : i32, i32
  }
  func.func @transform_12(%arg0: i32) -> (i32, i32, i32) {
    %c0_i32 = arith.constant 0 : i32
    %c0_i32_0 = arith.constant 0 : i32
    %c0_i32_1 = arith.constant 0 : i32
    return %c0_i32, %arg0, %c0_i32_0 : i32, i32, i32
  }
}

module attributes {stable_mosaic.version = 14 : i64} {
  func.func @_enc_edge_body(%arg0: i32, %arg1: memref<2000x1xf32, #tpu.memory_space<vmem>>, %arg2: memref<2000x1xf32, #tpu.memory_space<vmem>>, %arg3: memref<1x128xf32, #tpu.memory_space<vmem>>, %arg4: memref<1x128xf32, #tpu.memory_space<vmem>>, %arg5: memref<1x128xf32, #tpu.memory_space<vmem>>, %arg6: memref<1x128xf32, #tpu.memory_space<vmem>>, %arg7: memref<128x128xf32, #tpu.memory_space<vmem>>, %arg8: memref<1x128xf32, #tpu.memory_space<vmem>>, %arg9: memref<128x128xf32, #tpu.memory_space<vmem>>, %arg10: memref<1x128xf32, #tpu.memory_space<vmem>>, %arg11: memref<1x128xf32, #tpu.memory_space<vmem>>, %arg12: memref<1x128xf32, #tpu.memory_space<vmem>>, %arg13: memref<2000x128xf32, #tpu.memory_space<vmem>>) attributes {dimension_semantics = [#tpu.dimension_semantics<arbitrary>], iteration_bounds = array<i64: 160>, scalar_prefetch = 0 : i64, scratch_operands = 0 : i64, tpu.core_type = #tpu.core_type<tc>, window_params = [{transform_indices = @transform_0, window_bounds = array<i64: 2000, 1>}, {transform_indices = @transform_1, window_bounds = array<i64: 2000, 1>}, {pipeline_mode = #tpu.pipeline_mode<synchronous>, transform_indices = @transform_2, window_bounds = array<i64: 1, 128>}, {pipeline_mode = #tpu.pipeline_mode<synchronous>, transform_indices = @transform_3, window_bounds = array<i64: 1, 128>}, {pipeline_mode = #tpu.pipeline_mode<synchronous>, transform_indices = @transform_4, window_bounds = array<i64: 1, 128>}, {pipeline_mode = #tpu.pipeline_mode<synchronous>, transform_indices = @transform_5, window_bounds = array<i64: 1, 128>}, {pipeline_mode = #tpu.pipeline_mode<synchronous>, transform_indices = @transform_6, window_bounds = array<i64: 128, 128>}, {pipeline_mode = #tpu.pipeline_mode<synchronous>, transform_indices = @transform_7, window_bounds = array<i64: 1, 128>}, {pipeline_mode = #tpu.pipeline_mode<synchronous>, transform_indices = @transform_8, window_bounds = array<i64: 128, 128>}, {pipeline_mode = #tpu.pipeline_mode<synchronous>, transform_indices = @transform_9, window_bounds = array<i64: 1, 128>}, {pipeline_mode = #tpu.pipeline_mode<synchronous>, transform_indices = @transform_10, window_bounds = array<i64: 1, 128>}, {pipeline_mode = #tpu.pipeline_mode<synchronous>, transform_indices = @transform_11, window_bounds = array<i64: 1, 128>}, {transform_indices = @transform_12, window_bounds = array<i64: 2000, 128>}]} {
    %get3A = arith.constant 0 : index
    %get3A_0 = arith.constant 0 : index
    %get3A_1 = vector.load %arg1[%get3A, %get3A_0] : memref<2000x1xf32, #tpu.memory_space<vmem>>, vector<2000x1xf32>
    %get3A_2 = arith.constant 0 : index
    %get3A_3 = arith.constant 0 : index
    %get3A_4 = vector.load %arg2[%get3A_2, %get3A_3] : memref<2000x1xf32, #tpu.memory_space<vmem>>, vector<2000x1xf32>
    %mul3A = arith.mulf %get3A_1, %get3A_1 : vector<2000x1xf32>
    %mul3A_5 = arith.mulf %get3A_4, %get3A_4 : vector<2000x1xf32>
    %add3A = arith.addf %mul3A, %mul3A_5 : vector<2000x1xf32>
    %sqrt3A = math.sqrt %add3A : vector<2000x1xf32>
    %convert_element_type3A = arith.truncf %get3A_1 : vector<2000x1xf32> to vector<2000x1xbf16>
    %convert_element_type3A_6 = arith.extf %convert_element_type3A : vector<2000x1xbf16> to vector<2000x1xf32>
    %get3A_7 = arith.constant 0 : index
    %get3A_8 = arith.constant 0 : index
    %get3A_9 = vector.load %arg3[%get3A_7, %get3A_8] : memref<1x128xf32, #tpu.memory_space<vmem>>, vector<1x128xf32>
    %convert_element_type3A_10 = arith.truncf %get3A_9 : vector<1x128xf32> to vector<1x128xbf16>
    %convert_element_type3A_11 = arith.extf %convert_element_type3A_10 : vector<1x128xbf16> to vector<1x128xf32>
    %mul3A_12 = vector.broadcast %convert_element_type3A_6 : vector<2000x1xf32> to vector<2000x128xf32>
    %mul3A_13 = vector.broadcast %convert_element_type3A_11 : vector<1x128xf32> to vector<2000x128xf32>
    %mul3A_14 = arith.mulf %mul3A_12, %mul3A_13 : vector<2000x128xf32>
    %convert_element_type3A_15 = arith.truncf %get3A_4 : vector<2000x1xf32> to vector<2000x1xbf16>
    %convert_element_type3A_16 = arith.extf %convert_element_type3A_15 : vector<2000x1xbf16> to vector<2000x1xf32>
    %get3A_17 = arith.constant 0 : index
    %get3A_18 = arith.constant 0 : index
    %get3A_19 = vector.load %arg4[%get3A_17, %get3A_18] : memref<1x128xf32, #tpu.memory_space<vmem>>, vector<1x128xf32>
    %convert_element_type3A_20 = arith.truncf %get3A_19 : vector<1x128xf32> to vector<1x128xbf16>
    %convert_element_type3A_21 = arith.extf %convert_element_type3A_20 : vector<1x128xbf16> to vector<1x128xf32>
    %mul3A_22 = vector.broadcast %convert_element_type3A_16 : vector<2000x1xf32> to vector<2000x128xf32>
    %mul3A_23 = vector.broadcast %convert_element_type3A_21 : vector<1x128xf32> to vector<2000x128xf32>
    %mul3A_24 = arith.mulf %mul3A_22, %mul3A_23 : vector<2000x128xf32>
    %add3A_25 = arith.addf %mul3A_14, %mul3A_24 : vector<2000x128xf32>
    %convert_element_type3A_26 = arith.truncf %sqrt3A : vector<2000x1xf32> to vector<2000x1xbf16>
    %convert_element_type3A_27 = arith.extf %convert_element_type3A_26 : vector<2000x1xbf16> to vector<2000x1xf32>
    %get3A_28 = arith.constant 0 : index
    %get3A_29 = arith.constant 0 : index
    %get3A_30 = vector.load %arg5[%get3A_28, %get3A_29] : memref<1x128xf32, #tpu.memory_space<vmem>>, vector<1x128xf32>
    %convert_element_type3A_31 = arith.truncf %get3A_30 : vector<1x128xf32> to vector<1x128xbf16>
    %convert_element_type3A_32 = arith.extf %convert_element_type3A_31 : vector<1x128xbf16> to vector<1x128xf32>
    %mul3A_33 = vector.broadcast %convert_element_type3A_27 : vector<2000x1xf32> to vector<2000x128xf32>
    %mul3A_34 = vector.broadcast %convert_element_type3A_32 : vector<1x128xf32> to vector<2000x128xf32>
    %mul3A_35 = arith.mulf %mul3A_33, %mul3A_34 : vector<2000x128xf32>
    %add3A_36 = arith.addf %add3A_25, %mul3A_35 : vector<2000x128xf32>
    %get3A_37 = arith.constant 0 : index
    %get3A_38 = arith.constant 0 : index
    %get3A_39 = vector.load %arg6[%get3A_37, %get3A_38] : memref<1x128xf32, #tpu.memory_space<vmem>>, vector<1x128xf32>
    %add3A_40 = vector.broadcast %get3A_39 : vector<1x128xf32> to vector<2000x128xf32>
    %add3A_41 = arith.addf %add3A_36, %add3A_40 : vector<2000x128xf32>
    %max3A = arith.constant 0.000000e+00 : f32
    %max3A_42 = vector.broadcast %max3A : f32 to vector<2000x128xf32>
    %max3A_43 = arith.maximumf %add3A_41, %max3A_42 : vector<2000x128xf32>
    %get3A_44 = arith.constant 0 : index
    %get3A_45 = arith.constant 0 : index
    %get3A_46 = vector.load %arg7[%get3A_44, %get3A_45] : memref<128x128xf32, #tpu.memory_space<vmem>>, vector<128x128xf32>
    %dot_general3A = arith.constant dense<0.000000e+00> : vector<2000x128xf32>
    %dot_general3A_47 = tpu.matmul %max3A_43, %get3A_46, %dot_general3A {dimension_numbers = #tpu.dot_dimension_numbers<[1], [0], [0], [1], [0, 0, 1, 1], [], []>, transpose_lhs_hint = false} : vector<2000x128xf32>, vector<128x128xf32>, vector<2000x128xf32> -> vector<2000x128xf32>
    %get3A_48 = arith.constant 0 : index
    %get3A_49 = arith.constant 0 : index
    %get3A_50 = vector.load %arg8[%get3A_48, %get3A_49] : memref<1x128xf32, #tpu.memory_space<vmem>>, vector<1x128xf32>
    %add3A_51 = vector.broadcast %get3A_50 : vector<1x128xf32> to vector<2000x128xf32>
    %add3A_52 = arith.addf %dot_general3A_47, %add3A_51 : vector<2000x128xf32>
    %max3A_53 = arith.constant 0.000000e+00 : f32
    %max3A_54 = vector.broadcast %max3A_53 : f32 to vector<2000x128xf32>
    %max3A_55 = arith.maximumf %add3A_52, %max3A_54 : vector<2000x128xf32>
    %get3A_56 = arith.constant 0 : index
    %get3A_57 = arith.constant 0 : index
    %get3A_58 = vector.load %arg9[%get3A_56, %get3A_57] : memref<128x128xf32, #tpu.memory_space<vmem>>, vector<128x128xf32>
    %dot_general3A_59 = arith.constant dense<0.000000e+00> : vector<2000x128xf32>
    %dot_general3A_60 = tpu.matmul %max3A_55, %get3A_58, %dot_general3A_59 {dimension_numbers = #tpu.dot_dimension_numbers<[1], [0], [0], [1], [0, 0, 1, 1], [], []>, transpose_lhs_hint = false} : vector<2000x128xf32>, vector<128x128xf32>, vector<2000x128xf32> -> vector<2000x128xf32>
    %get3A_61 = arith.constant 0 : index
    %get3A_62 = arith.constant 0 : index
    %get3A_63 = vector.load %arg10[%get3A_61, %get3A_62] : memref<1x128xf32, #tpu.memory_space<vmem>>, vector<1x128xf32>
    %add3A_64 = vector.broadcast %get3A_63 : vector<1x128xf32> to vector<2000x128xf32>
    %add3A_65 = arith.addf %dot_general3A_60, %add3A_64 : vector<2000x128xf32>
    %get3A_66 = arith.constant 0 : index
    %get3A_67 = arith.constant 0 : index
    %get3A_68 = vector.load %arg11[%get3A_66, %get3A_67] : memref<1x128xf32, #tpu.memory_space<vmem>>, vector<1x128xf32>
    %get3A_69 = arith.constant 0 : index
    %get3A_70 = arith.constant 0 : index
    %get3A_71 = vector.load %arg12[%get3A_69, %get3A_70] : memref<1x128xf32, #tpu.memory_space<vmem>>, vector<1x128xf32>
    %reduce_sum3A = arith.constant dense<0.000000e+00> : vector<2000xf32>
    %reduce_sum3A_72 = vector.multi_reduction <add>, %add3A_65, %reduce_sum3A [1] : vector<2000x128xf32> to vector<2000xf32>
    %broadcast_in_dim3A = vector.shape_cast %reduce_sum3A_72 : vector<2000xf32> to vector<2000x1xf32>
    %div3A = arith.constant 1.280000e+02 : f32
    %div3A_73 = vector.broadcast %div3A : f32 to vector<2000x1xf32>
    %div3A_74 = arith.divf %broadcast_in_dim3A, %div3A_73 : vector<2000x1xf32>
    %sub3A = vector.broadcast %div3A_74 : vector<2000x1xf32> to vector<2000x128xf32>
    %sub3A_75 = arith.subf %add3A_65, %sub3A : vector<2000x128xf32>
    %mul3A_76 = arith.mulf %sub3A_75, %sub3A_75 : vector<2000x128xf32>
    %reduce_sum3A_77 = arith.constant dense<0.000000e+00> : vector<2000xf32>
    %reduce_sum3A_78 = vector.multi_reduction <add>, %mul3A_76, %reduce_sum3A_77 [1] : vector<2000x128xf32> to vector<2000xf32>
    %broadcast_in_dim3A_79 = vector.shape_cast %reduce_sum3A_78 : vector<2000xf32> to vector<2000x1xf32>
    %div3A_80 = arith.constant 1.280000e+02 : f32
    %div3A_81 = vector.broadcast %div3A_80 : f32 to vector<2000x1xf32>
    %div3A_82 = arith.divf %broadcast_in_dim3A_79, %div3A_81 : vector<2000x1xf32>
    %add3A_83 = arith.constant 9.99999974E-6 : f32
    %add3A_84 = vector.broadcast %add3A_83 : f32 to vector<2000x1xf32>
    %add3A_85 = arith.addf %div3A_82, %add3A_84 : vector<2000x1xf32>
    %sqrt3A_86 = math.sqrt %add3A_85 : vector<2000x1xf32>
    %div3A_87 = vector.broadcast %sqrt3A_86 : vector<2000x1xf32> to vector<2000x128xf32>
    %div3A_88 = arith.divf %sub3A_75, %div3A_87 : vector<2000x128xf32>
    %mul3A_89 = vector.broadcast %get3A_68 : vector<1x128xf32> to vector<2000x128xf32>
    %mul3A_90 = arith.mulf %div3A_88, %mul3A_89 : vector<2000x128xf32>
    %add3A_91 = vector.broadcast %get3A_71 : vector<1x128xf32> to vector<2000x128xf32>
    %add3A_92 = arith.addf %mul3A_90, %add3A_91 : vector<2000x128xf32>
    %swap3A = arith.constant 0 : index
    %swap3A_93 = arith.constant 0 : index
    %swap3A_94 = vector.load %arg13[%swap3A, %swap3A_93] : memref<2000x128xf32, #tpu.memory_space<vmem>>, vector<2000x128xf32>
    tpu.vector_store %arg13[%swap3A, %swap3A_93], %add3A_92 {strides = array<i32>} : memref<2000x128xf32, #tpu.memory_space<vmem>>, vector<2000x128xf32>,
    return
  }
  func.func @transform_0(%arg0: i32) -> (i32, i32) {
    %c0_i32 = arith.constant 0 : i32
    %c0_i32_0 = arith.constant 0 : i32
    return %arg0, %c0_i32 : i32, i32
  }
  func.func @transform_1(%arg0: i32) -> (i32, i32) {
    %c0_i32 = arith.constant 0 : i32
    %c0_i32_0 = arith.constant 0 : i32
    return %arg0, %c0_i32 : i32, i32
  }
  func.func @transform_2(%arg0: i32) -> (i32, i32) {
    %c0_i32 = arith.constant 0 : i32
    %c0_i32_0 = arith.constant 0 : i32
    %c0_i32_1 = arith.constant 0 : i32
    return %c0_i32, %c0_i32_0 : i32, i32
  }
  func.func @transform_3(%arg0: i32) -> (i32, i32) {
    %c0_i32 = arith.constant 0 : i32
    %c0_i32_0 = arith.constant 0 : i32
    %c0_i32_1 = arith.constant 0 : i32
    return %c0_i32, %c0_i32_0 : i32, i32
  }
  func.func @transform_4(%arg0: i32) -> (i32, i32) {
    %c0_i32 = arith.constant 0 : i32
    %c0_i32_0 = arith.constant 0 : i32
    %c0_i32_1 = arith.constant 0 : i32
    return %c0_i32, %c0_i32_0 : i32, i32
  }
  func.func @transform_5(%arg0: i32) -> (i32, i32) {
    %c0_i32 = arith.constant 0 : i32
    %c0_i32_0 = arith.constant 0 : i32
    %c0_i32_1 = arith.constant 0 : i32
    return %c0_i32, %c0_i32_0 : i32, i32
  }
  func.func @transform_6(%arg0: i32) -> (i32, i32) {
    %c0_i32 = arith.constant 0 : i32
    %c0_i32_0 = arith.constant 0 : i32
    %c0_i32_1 = arith.constant 0 : i32
    return %c0_i32, %c0_i32_0 : i32, i32
  }
  func.func @transform_7(%arg0: i32) -> (i32, i32) {
    %c0_i32 = arith.constant 0 : i32
    %c0_i32_0 = arith.constant 0 : i32
    %c0_i32_1 = arith.constant 0 : i32
    return %c0_i32, %c0_i32_0 : i32, i32
  }
  func.func @transform_8(%arg0: i32) -> (i32, i32) {
    %c0_i32 = arith.constant 0 : i32
    %c0_i32_0 = arith.constant 0 : i32
    %c0_i32_1 = arith.constant 0 : i32
    return %c0_i32, %c0_i32_0 : i32, i32
  }
  func.func @transform_9(%arg0: i32) -> (i32, i32) {
    %c0_i32 = arith.constant 0 : i32
    %c0_i32_0 = arith.constant 0 : i32
    %c0_i32_1 = arith.constant 0 : i32
    return %c0_i32, %c0_i32_0 : i32, i32
  }
  func.func @transform_10(%arg0: i32) -> (i32, i32) {
    %c0_i32 = arith.constant 0 : i32
    %c0_i32_0 = arith.constant 0 : i32
    %c0_i32_1 = arith.constant 0 : i32
    return %c0_i32, %c0_i32_0 : i32, i32
  }
  func.func @transform_11(%arg0: i32) -> (i32, i32) {
    %c0_i32 = arith.constant 0 : i32
    %c0_i32_0 = arith.constant 0 : i32
    %c0_i32_1 = arith.constant 0 : i32
    return %c0_i32, %c0_i32_0 : i32, i32
  }
  func.func @transform_12(%arg0: i32) -> (i32, i32) {
    %c0_i32 = arith.constant 0 : i32
    %c0_i32_0 = arith.constant 0 : i32
    return %arg0, %c0_i32 : i32, i32
  }
}

module attributes {stable_mosaic.version = 14 : i64} {
  func.func @_edge_mlp_body(%arg0: i32, %arg1: memref<2000x128xf32, #tpu.memory_space<vmem>>, %arg2: memref<2000x128xf32, #tpu.memory_space<vmem>>, %arg3: memref<128x128xf32, #tpu.memory_space<vmem>>, %arg4: memref<1x128xf32, #tpu.memory_space<vmem>>, %arg5: memref<128x128xf32, #tpu.memory_space<vmem>>, %arg6: memref<1x128xf32, #tpu.memory_space<vmem>>, %arg7: memref<128x128xf32, #tpu.memory_space<vmem>>, %arg8: memref<1x128xf32, #tpu.memory_space<vmem>>, %arg9: memref<1x128xf32, #tpu.memory_space<vmem>>, %arg10: memref<1x128xf32, #tpu.memory_space<vmem>>, %arg11: memref<2000x128xf32, #tpu.memory_space<vmem>>) attributes {dimension_semantics = [#tpu.dimension_semantics<arbitrary>], iteration_bounds = array<i64: 160>, scalar_prefetch = 0 : i64, scratch_operands = 0 : i64, tpu.core_type = #tpu.core_type<tc>, window_params = [{transform_indices = @transform_0, window_bounds = array<i64: 2000, 128>}, {transform_indices = @transform_1, window_bounds = array<i64: 2000, 128>}, {pipeline_mode = #tpu.pipeline_mode<synchronous>, transform_indices = @transform_2, window_bounds = array<i64: 128, 128>}, {pipeline_mode = #tpu.pipeline_mode<synchronous>, transform_indices = @transform_3, window_bounds = array<i64: 1, 128>}, {pipeline_mode = #tpu.pipeline_mode<synchronous>, transform_indices = @transform_4, window_bounds = array<i64: 128, 128>}, {pipeline_mode = #tpu.pipeline_mode<synchronous>, transform_indices = @transform_5, window_bounds = array<i64: 1, 128>}, {pipeline_mode = #tpu.pipeline_mode<synchronous>, transform_indices = @transform_6, window_bounds = array<i64: 128, 128>}, {pipeline_mode = #tpu.pipeline_mode<synchronous>, transform_indices = @transform_7, window_bounds = array<i64: 1, 128>}, {pipeline_mode = #tpu.pipeline_mode<synchronous>, transform_indices = @transform_8, window_bounds = array<i64: 1, 128>}, {pipeline_mode = #tpu.pipeline_mode<synchronous>, transform_indices = @transform_9, window_bounds = array<i64: 1, 128>}, {transform_indices = @transform_10, window_bounds = array<i64: 2000, 128>}]} {
    %get3A = arith.constant 0 : index
    %get3A_0 = arith.constant 0 : index
    %get3A_1 = vector.load %arg1[%get3A, %get3A_0] : memref<2000x128xf32, #tpu.memory_space<vmem>>, vector<2000x128xf32>
    %get3A_2 = arith.constant 0 : index
    %get3A_3 = arith.constant 0 : index
    %get3A_4 = vector.load %arg3[%get3A_2, %get3A_3] : memref<128x128xf32, #tpu.memory_space<vmem>>, vector<128x128xf32>
    %dot_general3A = arith.constant dense<0.000000e+00> : vector<2000x128xf32>
    %dot_general3A_5 = tpu.matmul %get3A_1, %get3A_4, %dot_general3A {dimension_numbers = #tpu.dot_dimension_numbers<[1], [0], [0], [1], [0, 0, 1, 1], [], []>, transpose_lhs_hint = false} : vector<2000x128xf32>, vector<128x128xf32>, vector<2000x128xf32> -> vector<2000x128xf32>
    %get3A_6 = arith.constant 0 : index
    %get3A_7 = arith.constant 0 : index
    %get3A_8 = vector.load %arg2[%get3A_6, %get3A_7] : memref<2000x128xf32, #tpu.memory_space<vmem>>, vector<2000x128xf32>
    %add3A = arith.addf %dot_general3A_5, %get3A_8 : vector<2000x128xf32>
    %get3A_9 = arith.constant 0 : index
    %get3A_10 = arith.constant 0 : index
    %get3A_11 = vector.load %arg4[%get3A_9, %get3A_10] : memref<1x128xf32, #tpu.memory_space<vmem>>, vector<1x128xf32>
    %add3A_12 = vector.broadcast %get3A_11 : vector<1x128xf32> to vector<2000x128xf32>
    %add3A_13 = arith.addf %add3A, %add3A_12 : vector<2000x128xf32>
    %max3A = arith.constant 0.000000e+00 : f32
    %max3A_14 = vector.broadcast %max3A : f32 to vector<2000x128xf32>
    %max3A_15 = arith.maximumf %add3A_13, %max3A_14 : vector<2000x128xf32>
    %get3A_16 = arith.constant 0 : index
    %get3A_17 = arith.constant 0 : index
    %get3A_18 = vector.load %arg5[%get3A_16, %get3A_17] : memref<128x128xf32, #tpu.memory_space<vmem>>, vector<128x128xf32>
    %dot_general3A_19 = arith.constant dense<0.000000e+00> : vector<2000x128xf32>
    %dot_general3A_20 = tpu.matmul %max3A_15, %get3A_18, %dot_general3A_19 {dimension_numbers = #tpu.dot_dimension_numbers<[1], [0], [0], [1], [0, 0, 1, 1], [], []>, transpose_lhs_hint = false} : vector<2000x128xf32>, vector<128x128xf32>, vector<2000x128xf32> -> vector<2000x128xf32>
    %get3A_21 = arith.constant 0 : index
    %get3A_22 = arith.constant 0 : index
    %get3A_23 = vector.load %arg6[%get3A_21, %get3A_22] : memref<1x128xf32, #tpu.memory_space<vmem>>, vector<1x128xf32>
    %add3A_24 = vector.broadcast %get3A_23 : vector<1x128xf32> to vector<2000x128xf32>
    %add3A_25 = arith.addf %dot_general3A_20, %add3A_24 : vector<2000x128xf32>
    %max3A_26 = arith.constant 0.000000e+00 : f32
    %max3A_27 = vector.broadcast %max3A_26 : f32 to vector<2000x128xf32>
    %max3A_28 = arith.maximumf %add3A_25, %max3A_27 : vector<2000x128xf32>
    %get3A_29 = arith.constant 0 : index
    %get3A_30 = arith.constant 0 : index
    %get3A_31 = vector.load %arg7[%get3A_29, %get3A_30] : memref<128x128xf32, #tpu.memory_space<vmem>>, vector<128x128xf32>
    %dot_general3A_32 = arith.constant dense<0.000000e+00> : vector<2000x128xf32>
    %dot_general3A_33 = tpu.matmul %max3A_28, %get3A_31, %dot_general3A_32 {dimension_numbers = #tpu.dot_dimension_numbers<[1], [0], [0], [1], [0, 0, 1, 1], [], []>, transpose_lhs_hint = false} : vector<2000x128xf32>, vector<128x128xf32>, vector<2000x128xf32> -> vector<2000x128xf32>
    %get3A_34 = arith.constant 0 : index
    %get3A_35 = arith.constant 0 : index
    %get3A_36 = vector.load %arg8[%get3A_34, %get3A_35] : memref<1x128xf32, #tpu.memory_space<vmem>>, vector<1x128xf32>
    %add3A_37 = vector.broadcast %get3A_36 : vector<1x128xf32> to vector<2000x128xf32>
    %add3A_38 = arith.addf %dot_general3A_33, %add3A_37 : vector<2000x128xf32>
    %get3A_39 = arith.constant 0 : index
    %get3A_40 = arith.constant 0 : index
    %get3A_41 = vector.load %arg9[%get3A_39, %get3A_40] : memref<1x128xf32, #tpu.memory_space<vmem>>, vector<1x128xf32>
    %get3A_42 = arith.constant 0 : index
    %get3A_43 = arith.constant 0 : index
    %get3A_44 = vector.load %arg10[%get3A_42, %get3A_43] : memref<1x128xf32, #tpu.memory_space<vmem>>, vector<1x128xf32>
    %reduce_sum3A = arith.constant dense<0.000000e+00> : vector<2000xf32>
    %reduce_sum3A_45 = vector.multi_reduction <add>, %add3A_38, %reduce_sum3A [1] : vector<2000x128xf32> to vector<2000xf32>
    %broadcast_in_dim3A = vector.shape_cast %reduce_sum3A_45 : vector<2000xf32> to vector<2000x1xf32>
    %div3A = arith.constant 1.280000e+02 : f32
    %div3A_46 = vector.broadcast %div3A : f32 to vector<2000x1xf32>
    %div3A_47 = arith.divf %broadcast_in_dim3A, %div3A_46 : vector<2000x1xf32>
    %sub3A = vector.broadcast %div3A_47 : vector<2000x1xf32> to vector<2000x128xf32>
    %sub3A_48 = arith.subf %add3A_38, %sub3A : vector<2000x128xf32>
    %mul3A = arith.mulf %sub3A_48, %sub3A_48 : vector<2000x128xf32>
    %reduce_sum3A_49 = arith.constant dense<0.000000e+00> : vector<2000xf32>
    %reduce_sum3A_50 = vector.multi_reduction <add>, %mul3A, %reduce_sum3A_49 [1] : vector<2000x128xf32> to vector<2000xf32>
    %broadcast_in_dim3A_51 = vector.shape_cast %reduce_sum3A_50 : vector<2000xf32> to vector<2000x1xf32>
    %div3A_52 = arith.constant 1.280000e+02 : f32
    %div3A_53 = vector.broadcast %div3A_52 : f32 to vector<2000x1xf32>
    %div3A_54 = arith.divf %broadcast_in_dim3A_51, %div3A_53 : vector<2000x1xf32>
    %add3A_55 = arith.constant 9.99999974E-6 : f32
    %add3A_56 = vector.broadcast %add3A_55 : f32 to vector<2000x1xf32>
    %add3A_57 = arith.addf %div3A_54, %add3A_56 : vector<2000x1xf32>
    %sqrt3A = math.sqrt %add3A_57 : vector<2000x1xf32>
    %div3A_58 = vector.broadcast %sqrt3A : vector<2000x1xf32> to vector<2000x128xf32>
    %div3A_59 = arith.divf %sub3A_48, %div3A_58 : vector<2000x128xf32>
    %mul3A_60 = vector.broadcast %get3A_41 : vector<1x128xf32> to vector<2000x128xf32>
    %mul3A_61 = arith.mulf %div3A_59, %mul3A_60 : vector<2000x128xf32>
    %add3A_62 = vector.broadcast %get3A_44 : vector<1x128xf32> to vector<2000x128xf32>
    %add3A_63 = arith.addf %mul3A_61, %add3A_62 : vector<2000x128xf32>
    %add3A_64 = arith.addf %get3A_1, %add3A_63 : vector<2000x128xf32>
    %swap3A = arith.constant 0 : index
    %swap3A_65 = arith.constant 0 : index
    %swap3A_66 = vector.load %arg11[%swap3A, %swap3A_65] : memref<2000x128xf32, #tpu.memory_space<vmem>>, vector<2000x128xf32>
    tpu.vector_store %arg11[%swap3A, %swap3A_65], %add3A_64 {strides = array<i32>} : memref<2000x128xf32, #tpu.memory_space<vmem>>, vector<2000x128xf32>,
    return
  }
  func.func @transform_0(%arg0: i32) -> (i32, i32) {
    %c0_i32 = arith.constant 0 : i32
    %c0_i32_0 = arith.constant 0 : i32
    return %arg0, %c0_i32 : i32, i32
  }
  func.func @transform_1(%arg0: i32) -> (i32, i32) {
    %c0_i32 = arith.constant 0 : i32
    %c0_i32_0 = arith.constant 0 : i32
    return %arg0, %c0_i32 : i32, i32
  }
  func.func @transform_2(%arg0: i32) -> (i32, i32) {
    %c0_i32 = arith.constant 0 : i32
    %c0_i32_0 = arith.constant 0 : i32
    %c0_i32_1 = arith.constant 0 : i32
    return %c0_i32, %c0_i32_0 : i32, i32
  }
  func.func @transform_3(%arg0: i32) -> (i32, i32) {
    %c0_i32 = arith.constant 0 : i32
    %c0_i32_0 = arith.constant 0 : i32
    %c0_i32_1 = arith.constant 0 : i32
    return %c0_i32, %c0_i32_0 : i32, i32
  }
  func.func @transform_4(%arg0: i32) -> (i32, i32) {
    %c0_i32 = arith.constant 0 : i32
    %c0_i32_0 = arith.constant 0 : i32
    %c0_i32_1 = arith.constant 0 : i32
    return %c0_i32, %c0_i32_0 : i32, i32
  }
  func.func @transform_5(%arg0: i32) -> (i32, i32) {
    %c0_i32 = arith.constant 0 : i32
    %c0_i32_0 = arith.constant 0 : i32
    %c0_i32_1 = arith.constant 0 : i32
    return %c0_i32, %c0_i32_0 : i32, i32
  }
  func.func @transform_6(%arg0: i32) -> (i32, i32) {
    %c0_i32 = arith.constant 0 : i32
    %c0_i32_0 = arith.constant 0 : i32
    %c0_i32_1 = arith.constant 0 : i32
    return %c0_i32, %c0_i32_0 : i32, i32
  }
  func.func @transform_7(%arg0: i32) -> (i32, i32) {
    %c0_i32 = arith.constant 0 : i32
    %c0_i32_0 = arith.constant 0 : i32
    %c0_i32_1 = arith.constant 0 : i32
    return %c0_i32, %c0_i32_0 : i32, i32
  }
  func.func @transform_8(%arg0: i32) -> (i32, i32) {
    %c0_i32 = arith.constant 0 : i32
    %c0_i32_0 = arith.constant 0 : i32
    %c0_i32_1 = arith.constant 0 : i32
    return %c0_i32, %c0_i32_0 : i32, i32
  }
  func.func @transform_9(%arg0: i32) -> (i32, i32) {
    %c0_i32 = arith.constant 0 : i32
    %c0_i32_0 = arith.constant 0 : i32
    %c0_i32_1 = arith.constant 0 : i32
    return %c0_i32, %c0_i32_0 : i32, i32
  }
  func.func @transform_10(%arg0: i32) -> (i32, i32) {
    %c0_i32 = arith.constant 0 : i32
    %c0_i32_0 = arith.constant 0 : i32
    return %arg0, %c0_i32 : i32, i32
  }
}

module attributes {stable_mosaic.version = 14 : i64} {
  func.func @_node_mlp_body(%arg0: i32, %arg1: memref<2000x128xf32, #tpu.memory_space<vmem>>, %arg2: memref<2x2000x128xf32, #tpu.memory_space<vmem>>, %arg3: memref<128x128xf32, #tpu.memory_space<vmem>>, %arg4: memref<128x128xf32, #tpu.memory_space<vmem>>, %arg5: memref<1x128xf32, #tpu.memory_space<vmem>>, %arg6: memref<128x128xf32, #tpu.memory_space<vmem>>, %arg7: memref<1x128xf32, #tpu.memory_space<vmem>>, %arg8: memref<128x128xf32, #tpu.memory_space<vmem>>, %arg9: memref<1x128xf32, #tpu.memory_space<vmem>>, %arg10: memref<1x128xf32, #tpu.memory_space<vmem>>, %arg11: memref<1x128xf32, #tpu.memory_space<vmem>>, %arg12: memref<128x128xf32, #tpu.memory_space<vmem>>, %arg13: memref<128x128xf32, #tpu.memory_space<vmem>>, %arg14: memref<2000x128xf32, #tpu.memory_space<vmem>>, %arg15: memref<2x2000x128xf32, #tpu.memory_space<vmem>>) attributes {dimension_semantics = [#tpu.dimension_semantics<arbitrary>], iteration_bounds = array<i64: 5>, scalar_prefetch = 0 : i64, scratch_operands = 0 : i64, tpu.core_type = #tpu.core_type<tc>, window_params = [{transform_indices = @transform_0, window_bounds = array<i64: 2000, 128>}, {transform_indices = @transform_1, window_bounds = array<i64: 2, 2000, 128>}, {pipeline_mode = #tpu.pipeline_mode<synchronous>, transform_indices = @transform_2, window_bounds = array<i64: 128, 128>}, {pipeline_mode = #tpu.pipeline_mode<synchronous>, transform_indices = @transform_3, window_bounds = array<i64: 128, 128>}, {pipeline_mode = #tpu.pipeline_mode<synchronous>, transform_indices = @transform_4, window_bounds = array<i64: 1, 128>}, {pipeline_mode = #tpu.pipeline_mode<synchronous>, transform_indices = @transform_5, window_bounds = array<i64: 128, 128>}, {pipeline_mode = #tpu.pipeline_mode<synchronous>, transform_indices = @transform_6, window_bounds = array<i64: 1, 128>}, {pipeline_mode = #tpu.pipeline_mode<synchronous>, transform_indices = @transform_7, window_bounds = array<i64: 128, 128>}, {pipeline_mode = #tpu.pipeline_mode<synchronous>, transform_indices = @transform_8, window_bounds = array<i64: 1, 128>}, {pipeline_mode = #tpu.pipeline_mode<synchronous>, transform_indices = @transform_9, window_bounds = array<i64: 1, 128>}, {pipeline_mode = #tpu.pipeline_mode<synchronous>, transform_indices = @transform_10, window_bounds = array<i64: 1, 128>}, {pipeline_mode = #tpu.pipeline_mode<synchronous>, transform_indices = @transform_11, window_bounds = array<i64: 128, 128>}, {pipeline_mode = #tpu.pipeline_mode<synchronous>, transform_indices = @transform_12, window_bounds = array<i64: 128, 128>}, {transform_indices = @transform_13, window_bounds = array<i64: 2000, 128>}, {transform_indices = @transform_14, window_bounds = array<i64: 2, 2000, 128>}]} {
    %get3A = arith.constant 0 : index
    %get3A_0 = arith.constant 0 : index
    %get3A_1 = vector.load %arg1[%get3A, %get3A_0] : memref<2000x128xf32, #tpu.memory_space<vmem>>, vector<2000x128xf32>
    %get3A_2 = arith.constant 0 : index
    %get3A_3 = arith.constant 0 : index
    %get3A_4 = arith.constant 0 : index
    %get3A_5 = vector.load %arg2[%get3A_2, %get3A_3, %get3A_4] : memref<2x2000x128xf32, #tpu.memory_space<vmem>>, vector<1x2000x128xf32>
    %get3A_6 = vector.shape_cast %get3A_5 : vector<1x2000x128xf32> to vector<2000x128xf32>
    %get3A_7 = arith.constant 1 : index
    %get3A_8 = arith.constant 0 : index
    %get3A_9 = arith.constant 0 : index
    %get3A_10 = vector.load %arg2[%get3A_7, %get3A_8, %get3A_9] : memref<2x2000x128xf32, #tpu.memory_space<vmem>>, vector<1x2000x128xf32>
    %get3A_11 = vector.shape_cast %get3A_10 : vector<1x2000x128xf32> to vector<2000x128xf32>
    %add3A = arith.addf %get3A_6, %get3A_11 : vector<2000x128xf32>
    %get3A_12 = arith.constant 0 : index
    %get3A_13 = arith.constant 0 : index
    %get3A_14 = vector.load %arg3[%get3A_12, %get3A_13] : memref<128x128xf32, #tpu.memory_space<vmem>>, vector<128x128xf32>
    %dot_general3A = arith.constant dense<0.000000e+00> : vector<2000x128xf32>
    %dot_general3A_15 = tpu.matmul %get3A_1, %get3A_14, %dot_general3A {dimension_numbers = #tpu.dot_dimension_numbers<[1], [0], [0], [1], [0, 0, 1, 1], [], []>, transpose_lhs_hint = false} : vector<2000x128xf32>, vector<128x128xf32>, vector<2000x128xf32> -> vector<2000x128xf32>
    %get3A_16 = arith.constant 0 : index
    %get3A_17 = arith.constant 0 : index
    %get3A_18 = vector.load %arg4[%get3A_16, %get3A_17] : memref<128x128xf32, #tpu.memory_space<vmem>>, vector<128x128xf32>
    %dot_general3A_19 = arith.constant dense<0.000000e+00> : vector<2000x128xf32>
    %dot_general3A_20 = tpu.matmul %add3A, %get3A_18, %dot_general3A_19 {dimension_numbers = #tpu.dot_dimension_numbers<[1], [0], [0], [1], [0, 0, 1, 1], [], []>, transpose_lhs_hint = false} : vector<2000x128xf32>, vector<128x128xf32>, vector<2000x128xf32> -> vector<2000x128xf32>
    %add3A_21 = arith.addf %dot_general3A_15, %dot_general3A_20 : vector<2000x128xf32>
    %get3A_22 = arith.constant 0 : index
    %get3A_23 = arith.constant 0 : index
    %get3A_24 = vector.load %arg5[%get3A_22, %get3A_23] : memref<1x128xf32, #tpu.memory_space<vmem>>, vector<1x128xf32>
    %add3A_25 = vector.broadcast %get3A_24 : vector<1x128xf32> to vector<2000x128xf32>
    %add3A_26 = arith.addf %add3A_21, %add3A_25 : vector<2000x128xf32>
    %max3A = arith.constant 0.000000e+00 : f32
    %max3A_27 = vector.broadcast %max3A : f32 to vector<2000x128xf32>
    %max3A_28 = arith.maximumf %add3A_26, %max3A_27 : vector<2000x128xf32>
    %get3A_29 = arith.constant 0 : index
    %get3A_30 = arith.constant 0 : index
    %get3A_31 = vector.load %arg6[%get3A_29, %get3A_30] : memref<128x128xf32, #tpu.memory_space<vmem>>, vector<128x128xf32>
    %dot_general3A_32 = arith.constant dense<0.000000e+00> : vector<2000x128xf32>
    %dot_general3A_33 = tpu.matmul %max3A_28, %get3A_31, %dot_general3A_32 {dimension_numbers = #tpu.dot_dimension_numbers<[1], [0], [0], [1], [0, 0, 1, 1], [], []>, transpose_lhs_hint = false} : vector<2000x128xf32>, vector<128x128xf32>, vector<2000x128xf32> -> vector<2000x128xf32>
    %get3A_34 = arith.constant 0 : index
    %get3A_35 = arith.constant 0 : index
    %get3A_36 = vector.load %arg7[%get3A_34, %get3A_35] : memref<1x128xf32, #tpu.memory_space<vmem>>, vector<1x128xf32>
    %add3A_37 = vector.broadcast %get3A_36 : vector<1x128xf32> to vector<2000x128xf32>
    %add3A_38 = arith.addf %dot_general3A_33, %add3A_37 : vector<2000x128xf32>
    %max3A_39 = arith.constant 0.000000e+00 : f32
    %max3A_40 = vector.broadcast %max3A_39 : f32 to vector<2000x128xf32>
    %max3A_41 = arith.maximumf %add3A_38, %max3A_40 : vector<2000x128xf32>
    %get3A_42 = arith.constant 0 : index
    %get3A_43 = arith.constant 0 : index
    %get3A_44 = vector.load %arg8[%get3A_42, %get3A_43] : memref<128x128xf32, #tpu.memory_space<vmem>>, vector<128x128xf32>
    %dot_general3A_45 = arith.constant dense<0.000000e+00> : vector<2000x128xf32>
    %dot_general3A_46 = tpu.matmul %max3A_41, %get3A_44, %dot_general3A_45 {dimension_numbers = #tpu.dot_dimension_numbers<[1], [0], [0], [1], [0, 0, 1, 1], [], []>, transpose_lhs_hint = false} : vector<2000x128xf32>, vector<128x128xf32>, vector<2000x128xf32> -> vector<2000x128xf32>
    %get3A_47 = arith.constant 0 : index
    %get3A_48 = arith.constant 0 : index
    %get3A_49 = vector.load %arg9[%get3A_47, %get3A_48] : memref<1x128xf32, #tpu.memory_space<vmem>>, vector<1x128xf32>
    %add3A_50 = vector.broadcast %get3A_49 : vector<1x128xf32> to vector<2000x128xf32>
    %add3A_51 = arith.addf %dot_general3A_46, %add3A_50 : vector<2000x128xf32>
    %get3A_52 = arith.constant 0 : index
    %get3A_53 = arith.constant 0 : index
    %get3A_54 = vector.load %arg10[%get3A_52, %get3A_53] : memref<1x128xf32, #tpu.memory_space<vmem>>, vector<1x128xf32>
    %get3A_55 = arith.constant 0 : index
    %get3A_56 = arith.constant 0 : index
    %get3A_57 = vector.load %arg11[%get3A_55, %get3A_56] : memref<1x128xf32, #tpu.memory_space<vmem>>, vector<1x128xf32>
    %reduce_sum3A = arith.constant dense<0.000000e+00> : vector<2000xf32>
    %reduce_sum3A_58 = vector.multi_reduction <add>, %add3A_51, %reduce_sum3A [1] : vector<2000x128xf32> to vector<2000xf32>
    %broadcast_in_dim3A = vector.shape_cast %reduce_sum3A_58 : vector<2000xf32> to vector<2000x1xf32>
    %div3A = arith.constant 1.280000e+02 : f32
    %div3A_59 = vector.broadcast %div3A : f32 to vector<2000x1xf32>
    %div3A_60 = arith.divf %broadcast_in_dim3A, %div3A_59 : vector<2000x1xf32>
    %sub3A = vector.broadcast %div3A_60 : vector<2000x1xf32> to vector<2000x128xf32>
    %sub3A_61 = arith.subf %add3A_51, %sub3A : vector<2000x128xf32>
    %mul3A = arith.mulf %sub3A_61, %sub3A_61 : vector<2000x128xf32>
    %reduce_sum3A_62 = arith.constant dense<0.000000e+00> : vector<2000xf32>
    %reduce_sum3A_63 = vector.multi_reduction <add>, %mul3A, %reduce_sum3A_62 [1] : vector<2000x128xf32> to vector<2000xf32>
    %broadcast_in_dim3A_64 = vector.shape_cast %reduce_sum3A_63 : vector<2000xf32> to vector<2000x1xf32>
    %div3A_65 = arith.constant 1.280000e+02 : f32
    %div3A_66 = vector.broadcast %div3A_65 : f32 to vector<2000x1xf32>
    %div3A_67 = arith.divf %broadcast_in_dim3A_64, %div3A_66 : vector<2000x1xf32>
    %add3A_68 = arith.constant 9.99999974E-6 : f32
    %add3A_69 = vector.broadcast %add3A_68 : f32 to vector<2000x1xf32>
    %add3A_70 = arith.addf %div3A_67, %add3A_69 : vector<2000x1xf32>
    %sqrt3A = math.sqrt %add3A_70 : vector<2000x1xf32>
    %div3A_71 = vector.broadcast %sqrt3A : vector<2000x1xf32> to vector<2000x128xf32>
    %div3A_72 = arith.divf %sub3A_61, %div3A_71 : vector<2000x128xf32>
    %mul3A_73 = vector.broadcast %get3A_54 : vector<1x128xf32> to vector<2000x128xf32>
    %mul3A_74 = arith.mulf %div3A_72, %mul3A_73 : vector<2000x128xf32>
    %add3A_75 = vector.broadcast %get3A_57 : vector<1x128xf32> to vector<2000x128xf32>
    %add3A_76 = arith.addf %mul3A_74, %add3A_75 : vector<2000x128xf32>
    %add3A_77 = arith.addf %get3A_1, %add3A_76 : vector<2000x128xf32>
    %swap3A = arith.constant 0 : index
    %swap3A_78 = arith.constant 0 : index
    %swap3A_79 = vector.load %arg14[%swap3A, %swap3A_78] : memref<2000x128xf32, #tpu.memory_space<vmem>>, vector<2000x128xf32>
    tpu.vector_store %arg14[%swap3A, %swap3A_78], %add3A_77 {strides = array<i32>} : memref<2000x128xf32, #tpu.memory_space<vmem>>, vector<2000x128xf32>,
    %get3A_80 = arith.constant 0 : index
    %get3A_81 = arith.constant 0 : index
    %get3A_82 = vector.load %arg12[%get3A_80, %get3A_81] : memref<128x128xf32, #tpu.memory_space<vmem>>, vector<128x128xf32>
    %dot_general3A_83 = arith.constant dense<0.000000e+00> : vector<2000x128xf32>
    %dot_general3A_84 = tpu.matmul %add3A_77, %get3A_82, %dot_general3A_83 {dimension_numbers = #tpu.dot_dimension_numbers<[1], [0], [0], [1], [0, 0, 1, 1], [], []>, transpose_lhs_hint = false} : vector<2000x128xf32>, vector<128x128xf32>, vector<2000x128xf32> -> vector<2000x128xf32>
    %swap3A_85 = arith.constant 0 : index
    %swap3A_86 = arith.constant 0 : index
    %swap3A_87 = arith.constant 0 : index
    %swap3A_88 = vector.load %arg15[%swap3A_85, %swap3A_86, %swap3A_87] : memref<2x2000x128xf32, #tpu.memory_space<vmem>>, vector<1x2000x128xf32>
    %swap3A_89 = vector.shape_cast %swap3A_88 : vector<1x2000x128xf32> to vector<2000x128xf32>
    %swap3A_90 = vector.shape_cast %dot_general3A_84 : vector<2000x128xf32> to vector<1x2000x128xf32>
    tpu.vector_store %arg15[%swap3A_85, %swap3A_86, %swap3A_87], %swap3A_90 {strides = array<i32>} : memref<2x2000x128xf32, #tpu.memory_space<vmem>>, vector<1x2000x128xf32>,
    %get3A_91 = arith.constant 0 : index
    %get3A_92 = arith.constant 0 : index
    %get3A_93 = vector.load %arg13[%get3A_91, %get3A_92] : memref<128x128xf32, #tpu.memory_space<vmem>>, vector<128x128xf32>
    %dot_general3A_94 = arith.constant dense<0.000000e+00> : vector<2000x128xf32>
    %dot_general3A_95 = tpu.matmul %add3A_77, %get3A_93, %dot_general3A_94 {dimension_numbers = #tpu.dot_dimension_numbers<[1], [0], [0], [1], [0, 0, 1, 1], [], []>, transpose_lhs_hint = false} : vector<2000x128xf32>, vector<128x128xf32>, vector<2000x128xf32> -> vector<2000x128xf32>
    %swap3A_96 = arith.constant 1 : index
    %swap3A_97 = arith.constant 0 : index
    %swap3A_98 = arith.constant 0 : index
    %swap3A_99 = vector.load %arg15[%swap3A_96, %swap3A_97, %swap3A_98] : memref<2x2000x128xf32, #tpu.memory_space<vmem>>, vector<1x2000x128xf32>
    %swap3A_100 = vector.shape_cast %swap3A_99 : vector<1x2000x128xf32> to vector<2000x128xf32>
    %swap3A_101 = vector.shape_cast %dot_general3A_95 : vector<2000x128xf32> to vector<1x2000x128xf32>
    tpu.vector_store %arg15[%swap3A_96, %swap3A_97, %swap3A_98], %swap3A_101 {strides = array<i32>} : memref<2x2000x128xf32, #tpu.memory_space<vmem>>, vector<1x2000x128xf32>,
    return
  }
  func.func @transform_0(%arg0: i32) -> (i32, i32) {
    %c0_i32 = arith.constant 0 : i32
    %c0_i32_0 = arith.constant 0 : i32
    return %arg0, %c0_i32 : i32, i32
  }
  func.func @transform_1(%arg0: i32) -> (i32, i32, i32) {
    %c0_i32 = arith.constant 0 : i32
    %c0_i32_0 = arith.constant 0 : i32
    %c0_i32_1 = arith.constant 0 : i32
    return %c0_i32, %arg0, %c0_i32_0 : i32, i32, i32
  }
  func.func @transform_2(%arg0: i32) -> (i32, i32) {
    %c0_i32 = arith.constant 0 : i32
    %c0_i32_0 = arith.constant 0 : i32
    %c0_i32_1 = arith.constant 0 : i32
    return %c0_i32, %c0_i32_0 : i32, i32
  }
  func.func @transform_3(%arg0: i32) -> (i32, i32) {
    %c0_i32 = arith.constant 0 : i32
    %c0_i32_0 = arith.constant 0 : i32
    %c0_i32_1 = arith.constant 0 : i32
    return %c0_i32, %c0_i32_0 : i32, i32
  }
  func.func @transform_4(%arg0: i32) -> (i32, i32) {
    %c0_i32 = arith.constant 0 : i32
    %c0_i32_0 = arith.constant 0 : i32
    %c0_i32_1 = arith.constant 0 : i32
    return %c0_i32, %c0_i32_0 : i32, i32
  }
  func.func @transform_5(%arg0: i32) -> (i32, i32) {
    %c0_i32 = arith.constant 0 : i32
    %c0_i32_0 = arith.constant 0 : i32
    %c0_i32_1 = arith.constant 0 : i32
    return %c0_i32, %c0_i32_0 : i32, i32
  }
  func.func @transform_6(%arg0: i32) -> (i32, i32) {
    %c0_i32 = arith.constant 0 : i32
    %c0_i32_0 = arith.constant 0 : i32
    %c0_i32_1 = arith.constant 0 : i32
    return %c0_i32, %c0_i32_0 : i32, i32
  }
  func.func @transform_7(%arg0: i32) -> (i32, i32) {
    %c0_i32 = arith.constant 0 : i32
    %c0_i32_0 = arith.constant 0 : i32
    %c0_i32_1 = arith.constant 0 : i32
    return %c0_i32, %c0_i32_0 : i32, i32
  }
  func.func @transform_8(%arg0: i32) -> (i32, i32) {
    %c0_i32 = arith.constant 0 : i32
    %c0_i32_0 = arith.constant 0 : i32
    %c0_i32_1 = arith.constant 0 : i32
    return %c0_i32, %c0_i32_0 : i32, i32
  }
  func.func @transform_9(%arg0: i32) -> (i32, i32) {
    %c0_i32 = arith.constant 0 : i32
    %c0_i32_0 = arith.constant 0 : i32
    %c0_i32_1 = arith.constant 0 : i32
    return %c0_i32, %c0_i32_0 : i32, i32
  }
  func.func @transform_10(%arg0: i32) -> (i32, i32) {
    %c0_i32 = arith.constant 0 : i32
    %c0_i32_0 = arith.constant 0 : i32
    %c0_i32_1 = arith.constant 0 : i32
    return %c0_i32, %c0_i32_0 : i32, i32
  }
  func.func @transform_11(%arg0: i32) -> (i32, i32) {
    %c0_i32 = arith.constant 0 : i32
    %c0_i32_0 = arith.constant 0 : i32
    %c0_i32_1 = arith.constant 0 : i32
    return %c0_i32, %c0_i32_0 : i32, i32
  }
  func.func @transform_12(%arg0: i32) -> (i32, i32) {
    %c0_i32 = arith.constant 0 : i32
    %c0_i32_0 = arith.constant 0 : i32
    %c0_i32_1 = arith.constant 0 : i32
    return %c0_i32, %c0_i32_0 : i32, i32
  }
  func.func @transform_13(%arg0: i32) -> (i32, i32) {
    %c0_i32 = arith.constant 0 : i32
    %c0_i32_0 = arith.constant 0 : i32
    return %arg0, %c0_i32 : i32, i32
  }
  func.func @transform_14(%arg0: i32) -> (i32, i32, i32) {
    %c0_i32 = arith.constant 0 : i32
    %c0_i32_0 = arith.constant 0 : i32
    %c0_i32_1 = arith.constant 0 : i32
    return %c0_i32, %arg0, %c0_i32_0 : i32, i32, i32
  }
}

module attributes {stable_mosaic.version = 14 : i64} {
  func.func @_dec_body(%arg0: i32, %arg1: memref<2000x128xf32, #tpu.memory_space<vmem>>, %arg2: memref<1x128xf32, #tpu.memory_space<vmem>>, %arg3: memref<128x128xf32, #tpu.memory_space<vmem>>, %arg4: memref<1x128xf32, #tpu.memory_space<vmem>>, %arg5: memref<128x128xf32, #tpu.memory_space<vmem>>, %arg6: memref<1x128xf32, #tpu.memory_space<vmem>>, %arg7: memref<2000x128xf32, #tpu.memory_space<vmem>>) attributes {dimension_semantics = [#tpu.dimension_semantics<arbitrary>], iteration_bounds = array<i64: 5>, scalar_prefetch = 0 : i64, scratch_operands = 0 : i64, tpu.core_type = #tpu.core_type<tc>, window_params = [{transform_indices = @transform_0, window_bounds = array<i64: 2000, 128>}, {pipeline_mode = #tpu.pipeline_mode<synchronous>, transform_indices = @transform_1, window_bounds = array<i64: 1, 128>}, {pipeline_mode = #tpu.pipeline_mode<synchronous>, transform_indices = @transform_2, window_bounds = array<i64: 128, 128>}, {pipeline_mode = #tpu.pipeline_mode<synchronous>, transform_indices = @transform_3, window_bounds = array<i64: 1, 128>}, {pipeline_mode = #tpu.pipeline_mode<synchronous>, transform_indices = @transform_4, window_bounds = array<i64: 128, 128>}, {pipeline_mode = #tpu.pipeline_mode<synchronous>, transform_indices = @transform_5, window_bounds = array<i64: 1, 128>}, {transform_indices = @transform_6, window_bounds = array<i64: 2000, 128>}]} {
    %get3A = arith.constant 0 : index
    %get3A_0 = arith.constant 0 : index
    %get3A_1 = vector.load %arg1[%get3A, %get3A_0] : memref<2000x128xf32, #tpu.memory_space<vmem>>, vector<2000x128xf32>
    %get3A_2 = arith.constant 0 : index
    %get3A_3 = arith.constant 0 : index
    %get3A_4 = vector.load %arg2[%get3A_2, %get3A_3] : memref<1x128xf32, #tpu.memory_space<vmem>>, vector<1x128xf32>
    %add3A = vector.broadcast %get3A_4 : vector<1x128xf32> to vector<2000x128xf32>
    %add3A_5 = arith.addf %get3A_1, %add3A : vector<2000x128xf32>
    %max3A = arith.constant 0.000000e+00 : f32
    %max3A_6 = vector.broadcast %max3A : f32 to vector<2000x128xf32>
    %max3A_7 = arith.maximumf %add3A_5, %max3A_6 : vector<2000x128xf32>
    %get3A_8 = arith.constant 0 : index
    %get3A_9 = arith.constant 0 : index
    %get3A_10 = vector.load %arg3[%get3A_8, %get3A_9] : memref<128x128xf32, #tpu.memory_space<vmem>>, vector<128x128xf32>
    %dot_general3A = arith.constant dense<0.000000e+00> : vector<2000x128xf32>
    %dot_general3A_11 = tpu.matmul %max3A_7, %get3A_10, %dot_general3A {dimension_numbers = #tpu.dot_dimension_numbers<[1], [0], [0], [1], [0, 0, 1, 1], [], []>, transpose_lhs_hint = false} : vector<2000x128xf32>, vector<128x128xf32>, vector<2000x128xf32> -> vector<2000x128xf32>
    %get3A_12 = arith.constant 0 : index
    %get3A_13 = arith.constant 0 : index
    %get3A_14 = vector.load %arg4[%get3A_12, %get3A_13] : memref<1x128xf32, #tpu.memory_space<vmem>>, vector<1x128xf32>
    %add3A_15 = vector.broadcast %get3A_14 : vector<1x128xf32> to vector<2000x128xf32>
    %add3A_16 = arith.addf %dot_general3A_11, %add3A_15 : vector<2000x128xf32>
    %max3A_17 = arith.constant 0.000000e+00 : f32
    %max3A_18 = vector.broadcast %max3A_17 : f32 to vector<2000x128xf32>
    %max3A_19 = arith.maximumf %add3A_16, %max3A_18 : vector<2000x128xf32>
    %get3A_20 = arith.constant 0 : index
    %get3A_21 = arith.constant 0 : index
    %get3A_22 = vector.load %arg5[%get3A_20, %get3A_21] : memref<128x128xf32, #tpu.memory_space<vmem>>, vector<128x128xf32>
    %dot_general3A_23 = arith.constant dense<0.000000e+00> : vector<2000x128xf32>
    %dot_general3A_24 = tpu.matmul %max3A_19, %get3A_22, %dot_general3A_23 {dimension_numbers = #tpu.dot_dimension_numbers<[1], [0], [0], [1], [0, 0, 1, 1], [], []>, transpose_lhs_hint = false} : vector<2000x128xf32>, vector<128x128xf32>, vector<2000x128xf32> -> vector<2000x128xf32>
    %get3A_25 = arith.constant 0 : index
    %get3A_26 = arith.constant 0 : index
    %get3A_27 = vector.load %arg6[%get3A_25, %get3A_26] : memref<1x128xf32, #tpu.memory_space<vmem>>, vector<1x128xf32>
    %add3A_28 = vector.broadcast %get3A_27 : vector<1x128xf32> to vector<2000x128xf32>
    %add3A_29 = arith.addf %dot_general3A_24, %add3A_28 : vector<2000x128xf32>
    %swap3A = arith.constant 0 : index
    %swap3A_30 = arith.constant 0 : index
    %swap3A_31 = vector.load %arg7[%swap3A, %swap3A_30] : memref<2000x128xf32, #tpu.memory_space<vmem>>, vector<2000x128xf32>
    tpu.vector_store %arg7[%swap3A, %swap3A_30], %add3A_29 {strides = array<i32>} : memref<2000x128xf32, #tpu.memory_space<vmem>>, vector<2000x128xf32>,
    return
  }
  func.func @transform_0(%arg0: i32) -> (i32, i32) {
    %c0_i32 = arith.constant 0 : i32
    %c0_i32_0 = arith.constant 0 : i32
    return %arg0, %c0_i32 : i32, i32
  }
  func.func @transform_1(%arg0: i32) -> (i32, i32) {
    %c0_i32 = arith.constant 0 : i32
    %c0_i32_0 = arith.constant 0 : i32
    %c0_i32_1 = arith.constant 0 : i32
    return %c0_i32, %c0_i32_0 : i32, i32
  }
  func.func @transform_2(%arg0: i32) -> (i32, i32) {
    %c0_i32 = arith.constant 0 : i32
    %c0_i32_0 = arith.constant 0 : i32
    %c0_i32_1 = arith.constant 0 : i32
    return %c0_i32, %c0_i32_0 : i32, i32
  }
  func.func @transform_3(%arg0: i32) -> (i32, i32) {
    %c0_i32 = arith.constant 0 : i32
    %c0_i32_0 = arith.constant 0 : i32
    %c0_i32_1 = arith.constant 0 : i32
    return %c0_i32, %c0_i32_0 : i32, i32
  }
  func.func @transform_4(%arg0: i32) -> (i32, i32) {
    %c0_i32 = arith.constant 0 : i32
    %c0_i32_0 = arith.constant 0 : i32
    %c0_i32_1 = arith.constant 0 : i32
    return %c0_i32, %c0_i32_0 : i32, i32
  }
  func.func @transform_5(%arg0: i32) -> (i32, i32) {
    %c0_i32 = arith.constant 0 : i32
    %c0_i32_0 = arith.constant 0 : i32
    %c0_i32_1 = arith.constant 0 : i32
    return %c0_i32, %c0_i32_0 : i32, i32
  }
  func.func @transform_6(%arg0: i32) -> (i32, i32) {
    %c0_i32 = arith.constant 0 : i32
    %c0_i32_0 = arith.constant 0 : i32
    return %arg0, %c0_i32 : i32, i32
  }
}

</mosaic_0001>

<sc_bundles>
// kernel: closed_call.37.cloned.1.call-start
scs
__scs_entry_jumppad:
0x0: {  	(pc) =	sbr.rel $0x88, $3  }
0x1: {  	(tag) =	ssettag $0x0;
	lr =	simm.s32 $0x1  }
0x2: {  	[smem:$0x3E90] =	sst lr;
	_ =	strace $0xD0000000  }
0x3: {  	_ = 	snop  }
0x4: {  	_ = 	snop  }
0x5: {  	_ = 	snop  }
0x6: {  	_ = 	snop  }
0x7: {  	_ = 	snop  }
__scs_overlays_trampoline_lowered:
0x8: {  	[smem:$0x3E9F] =	sst s0  }
0x9: {  	[smem:$0x3EA0] =	sst s1  }
0xa: {  	[smem:$0x3EA1] =	sst s2  }
0xb: {  	[smem:$0x3EA2] =	sst s3  }
0xc: {  	[smem:$0x3EA3] =	sst s4  }
0xd: {  	[smem:$0x3EA4] =	sst s5  }
0xe: {  	[smem:$0x3EA5] =	sst s6  }
0xf: {  	[smem:$0x3EA6] =	sst s7  }
0x10: {  	[smem:$0x3EA7] =	sst s8  }
0x11: {  	[smem:$0x3EA8] =	sst s9;
	s0 =	simm.s32 @!p0 $0x0  }
0x12: {  	s1 =	sld [smem:$0x3E8E];
	s0 =	simm.s32 @p0 $0x1  }
0x13: {  	[smem:$0x3EA9] =	sst s0;
	s0 =	simm.s32 @!p1 $0x0  }
0x14: {  	s2 =	sld [smem:$0x3E8D];
	s0 =	simm.s32 @p1 $0x1  }
0x15: {  	[smem:$0x3EAA] =	sst s0;
	s0 =	simm.s32 @!p2 $0x0  }
0x16: {  	s3 =	sld [smem:$0x3FDB];
	s0 =	simm.s32 @p2 $0x1  }
0x17: {  	s4 =	simm.s32 $0x1BF5;
	[smem:$0x3EAC] =	sst s0  }
0x18: {  	s0 =	sld [smem:$0x3E8F];
	_ =	swait.ge [sflag:s4], $0x0  }
0x19: {  	s7 =	sld [smem:$0x3E90]  }
0x1a: {  	s8 =	sadd.s32 $0xFFFFE003, lr  }
0x1b: {  	s9 =	sadd.s32 $0xFFFFFEF7, lr;
	s5 =	simm.s32 $0xFFFFFFFF;
	p2 =	slt.u32 s8, $0xFFFFF086  }
0x1c: {  	p1 =	slt.u32 s9, $0xF7A;
	s5 =	simm.s32 @!p2 $0x0  }
0x1d: {  	s5 =	simm.s32 @p1 $0x1;
	p0 =	seq.s32 s7, s2  }
0x1e: {  	s7 =	smul.u32 @!p0 $0xF7A, s2;
	p2 =	seq.s32 @!p0 s5, $0x0  }
0x1f: {  	s9 =	smul.u32 $0xF7A, s1;
	s8 =	simm.s32 @!p0 $0x1BF5;
	p2 =	por !p2, p0  }
0x20: {  	[sflag:s8] =	ssyncset.s32 @!p0 $0xFFFFF086;
	s6 =	sadd.s32 @!p0 s3, s7;
	s7 =	simm.s32 @!p0 $0x108  }
0x21: {  	s3 =	sadd.s32 s3, s9;
	s6 =	sadd.s32 @!p0 $0x88, s6;
	s7 =	simm.s32 @p2 $0x1082  }
0x22: {  	[simem:s7], [sflag:s8] =	dma.local @!p0 [hbm:s6], $0xF7A  }
0x23: {  	s9 =	sor.u32 $0xD0000000, s2;
	s6 =	simm.s32 $0x108;
	_ =	swait.ge @!p0 [sflag:s8], $0x0  }
0x24: {  	s3 =	sadd.s32 $0x88, s3;
	s6 =	simm.s32 @!p1 $0x1082;
	[sflag:s4] =	ssyncset.s32 $0xFFFFF086  }
0x25: {  	[simem:s6], [sflag:s4] =	dma.local [hbm:s3], $0xF7A  }
0x26: {  	[smem:$0x3E90] =	sst s1;
	(tag) =	ssettag s2;
	_ =	strace s9  }
0x27: {  	s1 =	sld [smem:$0x3EA0]  }
0x28: {  	s2 =	sld [smem:$0x3EA1]  }
0x29: {  	s4 =	sld [smem:$0x3EA3]  }
0x2a: {  	p0 =	seq.s32 s5, $0x0;
	s5 =	sld [smem:$0x3EA4]  }
0x2b: {  	s6 =	sld [smem:$0x3EA5]  }
0x2c: {  	s7 =	sld [smem:$0x3EA6]  }
0x2d: {  	s3 =	simm.s32 $0x108;
	s8 =	sld [smem:$0x3EA7]  }
0x2e: {  	s3 =	simm.s32 @!p0 $0x1082;
	s9 =	sld [smem:$0x3EA8]  }
0x2f: {  	lr =	sadd.s32 s0, s3;
	s0 =	sld [smem:$0x3E9F]  }
0x30: {  	s3 =	sld [smem:$0x3EA2]  }
0x31: {  	[smem:$0x3EAB] =	sst s10  }
0x32: {  	s10 =	sld [smem:$0x3EA9];
	_ =	sdelay $0x3  }
0x33: {  	p0 =	seq.s32 s10, $0x1;
	s10 =	sld [smem:$0x3EAB];
	_ =	sdelay $0x3  }
0x34: {  	[smem:$0x3EAB] =	sst s10  }
0x35: {  	s10 =	sld [smem:$0x3EAA];
	_ =	sdelay $0x3  }
0x36: {  	p1 =	seq.s32 s10, $0x1;
	s10 =	sld [smem:$0x3EAB];
	_ =	sdelay $0x3  }
0x37: {  	[smem:$0x3EAB] =	sst s10  }
0x38: {  	s10 =	sld [smem:$0x3EAC]  }
0x39: {  	_ = 	snop;
	(pc) =	sbr.ind lr, $3  }
0x3a: {  	_ = 	snop  }
0x3b: {  	_ = 	snop  }
0x3c: {  	p2 =	seq.s32 s10, $0x1;
	s10 =	sld [smem:$0x3EAB]  }
0x3d: {  	_ =	shalt  }
0x3e: {  	_ =	shalt  }
0x3f: {  	_ =	shalt  }
0x40: {  	_ =	shalt  }
0x41: {  	_ =	shalt  }
0x42: {  	_ =	shalt  }
0x43: {  	_ =	shalt  }
0x44: {  	_ =	shalt  }
0x45: {  	_ =	shalt  }
0x46: {  	_ =	shalt  }
0x47: {  	_ =	shalt  }
0x48: {  	_ =	shalt  }
0x49: {  	_ =	shalt  }
0x4a: {  	_ =	shalt  }
0x4b: {  	_ =	shalt  }
0x4c: {  	_ =	shalt  }
0x4d: {  	_ =	shalt  }
0x4e: {  	_ =	shalt  }
0x4f: {  	_ =	shalt  }
0x50: {  	_ =	shalt  }
0x51: {  	_ =	shalt  }
0x52: {  	_ =	shalt  }
0x53: {  	_ =	shalt  }
0x54: {  	_ =	shalt  }
0x55: {  	_ =	shalt  }
0x56: {  	_ =	shalt  }
0x57: {  	_ =	shalt  }
0x58: {  	_ =	shalt  }
0x59: {  	_ =	shalt  }
0x5a: {  	_ =	shalt  }
0x5b: {  	_ =	shalt  }
0x5c: {  	_ =	shalt  }
0x5d: {  	_ =	shalt  }
0x5e: {  	_ =	shalt  }
0x5f: {  	_ =	shalt  }
0x60: {  	_ =	shalt  }
0x61: {  	_ =	shalt  }
0x62: {  	_ =	shalt  }
0x63: {  	_ =	shalt  }
0x64: {  	_ =	shalt  }
0x65: {  	_ =	shalt  }
0x66: {  	_ =	shalt  }
0x67: {  	_ =	shalt  }
0x68: {  	_ =	shalt  }
0x69: {  	_ =	shalt  }
0x6a: {  	_ =	shalt  }
0x6b: {  	_ =	shalt  }
0x6c: {  	_ =	shalt  }
0x6d: {  	_ =	shalt  }
0x6e: {  	_ =	shalt  }
0x6f: {  	_ =	shalt  }
0x70: {  	_ =	shalt  }
0x71: {  	_ =	shalt  }
0x72: {  	_ =	shalt  }
0x73: {  	_ =	shalt  }
0x74: {  	_ =	shalt  }
0x75: {  	_ =	shalt  }
0x76: {  	_ =	shalt  }
0x77: {  	_ =	shalt  }
0x78: {  	_ =	shalt  }
0x79: {  	_ =	shalt  }
0x7a: {  	_ =	shalt  }
0x7b: {  	_ =	shalt  }
0x7c: {  	_ =	shalt  }
0x7d: {  	_ =	shalt  }
0x7e: {  	_ =	shalt  }
0x7f: {  	_ =	shalt  }
0x80: {  	_ =	shalt  }
0x81: {  	_ =	shalt  }
0x82: {  	_ =	shalt  }
0x83: {  	_ =	shalt  }
0x84: {  	_ =	shalt  }
0x85: {  	_ =	shalt  }
0x86: {  	_ =	shalt  }
0x87: {  	_ =	shalt  }
.Lfunc_end0:
.L_simem_size_0:
called_computation_lowered:
.L_overlay_start_0:
0x88: {  	s2 =	sld [smem:$0x3FD9]  }
0x89: {  	s3 =	sld [smem:$0x3FFE];
	_ =	sdelay $0x1  }
0x8a: {  	s1 =	srdreg.scid  }
0x8b: {  	s0 =	sand.u32 $0x1, s1  }
0x8c: {  	s16 =	sshll.u32 s0, $0xA;
	s2 =	sadd.s32 s3, s2  }
0x8d: {  	s2 =	sadd.s32 s2, s16  }
0x8e: {  	[smem:$0x3EB7] =	sst s2  }
0x8f: {  	_ = 	snop  }
0x90: {  	(tm) =	ssettm $0x1  }
0x91: {  	s17 =	sld [smem:$0x3FFB];
	_ =	sdelay $0x3  }
0x92: {  	_ =	strace s17  }
0x93: {  	s2 =	sld [smem:$0x3FFC];
	_ =	sdelay $0x3  }
0x94: {  	_ =	strace s2  }
0x95: {  	s2 =	sld [smem:$0x3FFD];
	_ =	sdelay $0x3  }
0x96: {  	_ =	strace s2  }
0x97: {  	_ =	strace $0x8FFFFFFF  }
0x98: {  	s18 =	sld [smem:$0x3FDB];
	_ =	sdelay $0x1  }
0x99: {  	s19 =	simm.s32 $_scs_section_size  }
0x9a: {  	s4 =	simm.s32 $_size__tile_overlayer_lowered;
	s5 =	simm.s32 $_tile_overlayer_lowered  }
0x9b: {  	s22 =	simm.s32 $0x1BFF;
	s21 =	sshll.u32 s5, $0x1;
	s2 =	sadd.s32 s19, s18  }
0x9c: {  	s6 =	simm.s32 $0x0;
	s20 =	sshll.u32 s4, $0x1;
	s4 =	sadd.s32 s21, s2  }
0x9d: {  	[timem:s6], [sflag:s22] =	dma.local [hbm:s4], s20  }
0x9e: {  	_ =	swait.ge [sflag:s22], s20  }
0x9f: {  	s3 =	ssub.s32 $0x0, s20;
	[sflag:s22] =	ssyncset.done $0x0  }
0xa0: {  	[sflag:s22] =	ssyncadd.s32 s3;
	_ =	sdelay $0x1  }
0xa1: {  	s23 =	simm.s32 $0x1B8B  }
0xa2: {  	_ =	swait.ge [sflag:s23], $0x1  }
0xa3: {  	[sflag:s23] =	ssyncset.done $0x0  }
0xa4: {  	s25 =	simm.s32 $0x1B8E;
	s24 =	sld [smem:$0x3FFE];
	[sflag:s23] =	ssyncadd.s32 $0xFFFFFFFF  }
0xa5: {  	s26 =	simm.s32 $execute0_lowered;
	[smem:$0x3FD2] =	sst s25  }
0xa6: {  	s4 =	sshll.u32 s26, $0x1;
	_ =	strace $0x80000049;
	[dreg:$0x1] =	wrdreg $0xFFFFFFFF  }
0xa7: {  	s28 =	simm.s32 $_size_execute0_lowered;
	s2 =	sadd.s32 s2, s4;
	[dreg:$0x0] =	wrdreg $0x0  }
0xa8: {  	s4 =	sshll.u32 s28, $0x1;
	[dreg:$0x2] =	wrdreg s2  }
0xa9: {  	[dreg:$0x3] =	wrdreg s4  }
0xaa: {  	[dreg:$0x4] =	wrdreg $0xC0  }
0xab: {  	_ =	task [dreg:s6], $0x5FFFF  }
0xac: {  	[dreg:$0x1] =	wrdreg $0xFFFFFFFF  }
0xad: {  	[dreg:$0x0] =	wrdreg $0x60  }
0xae: {  	[dreg:$0x2] =	wrdreg s24  }
0xaf: {  	[dreg:$0x3] =	wrdreg $0x9  }
0xb0: {  	_ =	task.clear_ibuf [dreg:s6], $0x4FFFF;
	_ =	strace $0x90000049  }
0xb1: {  	s29 =	simm.s32 $0x9;
	_ =	strace $0x8000004B  }
0xb2: {  	_ =	swait.ge [sflag:s29], $0x1  }
0xb3: {  	[sflag:s29] =	ssyncadd.s32 $0xFFFFFFFF  }
0xb4: {  	_ =	strace $0x9000004B  }
0xb5: {  	_ =	sfence  }
0xb6: {  	s30 =	sld [smem:$0x0];
	_ =	sdelay $0x2  }
0xb7: {  	s31 =	sshll.u32 s1, $0xD;
	s1 =	sshrl.u32 s1, $0x2  }
0xb8: {  	s3 =	sand.u32 $0x4000, s31;
	s1 =	sadd.s32 s1, s30  }
0xb9: {  	s0 =	sor.u32 s3, s0;
	s1 =	sshll.u32 s1, $0x11  }
0xba: {  	s0 =	sor.u32 s1, s0  }
0xbb: {  	s0 =	sadd.s32 $0x8F2B, s0  }
0xbc: {  	[sflag:s0] =	ssyncadd.remote.s32 $0x1  }
0xbd: {  	_ =	sfence.sel $0xFFFF  }
0xbe: {  	[dreg:$0x0] =	wrdreg $0xFFFFFFFF;
	(pc) =	sbr.abs _section_cstart, $3  }
0xbf: {  	[dreg:$0x1] =	wrdreg $0xFFFFFFFF  }
0xc0: {  	_ =	task.clear_ibuf [dreg:s6], $0x2FFFF;
	_ =	strace $0x9FFFFFFF  }
0xc1: {  	(tm) =	ssettm $0x7FFFFFFF  }
tec
execute0_lowered:
.L_overlay_start_1:
0x0: {  	(tag) =	ssettag $0x1  }
0x1: {  	s4 =	rddreg [dreg:$0x0]  }
0x2: {  	s1 =	srdreg.scid;
	s0 =	rddreg [dreg:$0x1]  }
0x3: {  	s2 =	simm.s32 $0x0;
	s10 =	simm.s32 $0x4000;
	s11 =	simm.s32 $0x50  }
0x4: {  	s12 =	simm.s32 $0x8000;
	s13 =	simm.s32 $0xD000;
	s14 =	simm.s32 $0x1  }
0x5: {  	s15 =	simm.s32 $0x2;
	s16 =	simm.s32 $0x3;
	s3 =	sand.u32 $0x1, s1  }
0x6: {  	s17 =	simm.s32 $0x0;
	s1 =	stileid.u32;
	s5 =	sshll.u32 s3, $0x4  }
0x7: {  	[smem:$0x7FF] =	sst s2;
	s7 =	ssub.s32 $0x2, s3;
	s5 =	sor.u32 s1, s5  }
0x8: {  	_ =	strace $0x8000004A;
	s31 =	sshrl.u32 s7, $0x1;
	s6 =	sshll.u32 s5, $0xB  }
0x9: {  	s3 =	sadd.s32 $0x70600, s4;
	s9 =	ssub.s32 s7, s31;
	s8 =	sadd.s32 s6, s4  }
0xa: {  	s5 =	smul.u32 $0x2710, s5;
	s4 =	sadd.s32 $0x113400, s4;
	s6 =	sadd.s32 $0x39000, s8  }
0xb: {  	s7 =	sadd.s32 $0x103400, s8;
	s8 =	smax.u32 s9, $0x1;
	s9 =	simm.s32 $0x4  }
.LBB2_1:
0xc: {  	[tilespmem:s2], [sflag:$0x4] =	stream.linear.gather [hbm4b:s6+s2], $0x3E80, $0x38;
	[tilespmem:$0x12000] =	vst v63  }
0xd: {  	_ =	swait.ge [sflag:s9], $0x3E80  }
0xe: {  	[sflag:s9] =	ssyncset.done $0x0  }
0xf: {  	[sflag:s9] =	ssyncadd.s32 $0xFFFFC180  }
0x10: {  	[tilespmem:s10], [sflag:$0x4] =	stream.linear.gather [hbm4b:s7+s2], $0x3E80, $0x38;
	[tilespmem:$0x12000] =	vst v63  }
0x11: {  	_ =	swait.ge [sflag:s9], $0x3E80  }
0x12: {  	[sflag:s9] =	ssyncset.done $0x0  }
0x13: {  	[sflag:s9] =	ssyncadd.s32 $0xFFFFC180  }
0x14: {  	[tilespmem:s12], [sflag:$0x1] =	stream.indirect.gather [hbm4b:s3+s11], $0x80, s2, s11, $0xb8;
	[tilespmem:$0x12000] =	vst v63  }
0x15: {  	s18 =	simm.s32 $0x0  }
0x16: {  	[tilespmem:s13], [sflag:$0x2] =	stream.indirect.gather [hbm4b:s3+s11], $0x80, s10, s11, $0xb8;
	[tilespmem:$0x12000] =	vst v63  }
.LBB2_2:
0x17: {  	p0 =	seq.s32 s18, $0x0  }
0x18: {  	p1 =	seq.s32 @!p0 s18, $0x7C  }
0x19: {  	p1 =	por p0, !p1  }
.Ltmp0:
0x1a: {  	_ = 	snop;
	(pc) =	sbr.rel @!p1 .LBB2_4-.Ltmp0, $4  }
0x1b: {  	s19 =	simm.s32 @!p0 $0x3  }
0x1c: {  	_ =	swait.ge @!p0 [sflag:s19], $0x2800  }
0x1d: {  	[sflag:s19] =	ssyncset.done @!p0 $0x0  }
0x1e: {  	s22 =	sand.u32 $0x1, s18;
	[sflag:s19] =	ssyncadd.s32 @!p0 $0xFFFFD800;
	s19 =	simm.s32 @!p0 $0x7D  }
0x1f: {  	s20 =	sxor.u32 $0x1, s22  }
0x20: {  	s19 =	sadd.s32 @!p0 $0x1, s18;
	s20 =	smul.u32 $0x2800, s20  }
0x21: {  	s19 =	simm.s32 @p0 $0x1  }
0x22: {  	s23 =	sshll.u32 s19, $0x7;
	s21 =	sor.u32 $0x8000, s20  }
0x23: {  	[tilespmem:s21], [sflag:$0x1] =	stream.indirect.gather [hbm4b:s3+s11], $0x80, s23, s11, $0xb8;
	[tilespmem:$0x12000] =	vst v63  }
0x24: {  	s20 =	sadd.s32 $0xD000, s20;
	s31 =	sadd.s32 $0x4000, s23  }
0x25: {  	[tilespmem:s20], [sflag:$0x2] =	stream.indirect.gather [hbm4b:s3+s11], $0x80, s31, s11, $0xb8;
	[tilespmem:$0x12000] =	vst v63  }
.LBB2_4:
0x26: {  	_ =	swait.ge [sflag:s14], $0x2800  }
0x27: {  	[sflag:s14] =	ssyncset.done $0x0  }
0x28: {  	s20 =	smul.u32 $0xA000, s22;
	[sflag:s14] =	ssyncadd.s32 $0xFFFFD800  }
0x29: {  	_ =	swait.ge [sflag:s15], $0x2800  }
0x2a: {  	s21 =	sshrl.u32 s20, $0x2;
	[sflag:s15] =	ssyncset.done $0x0  }
0x2b: {  	s20 =	sor.u32 $0x8100, s21;
	[sflag:s15] =	ssyncadd.s32 $0xFFFFD800  }
0x2c: {  	s21 =	sadd.s32 $0xD100, s21;
	v0 =	vld [tilespmem:s20+$0xFFFFFF00]  }
0x2d: {  	v1 =	vld [tilespmem:s21+$0xFFFFFF00];
	_ =	sdelay $0x4  }
0x2e: {  	v0 =	vadd.f32 v1, v0;
	_ =	sdelay $0x1  }
0x2f: {  	[tilespmem:s20+$0xFFFFFF00] =	vst v0;
	v0 =	vld [tilespmem:s20+$0xFFFFFF10]  }
0x30: {  	v1 =	vld [tilespmem:s21+$0xFFFFFF10];
	_ =	sdelay $0x4  }
0x31: {  	v0 =	vadd.f32 v1, v0;
	_ =	sdelay $0x1  }
0x32: {  	[tilespmem:s20+$0xFFFFFF10] =	vst v0;
	v0 =	vld [tilespmem:s20+$0xFFFFFF20]  }
0x33: {  	v1 =	vld [tilespmem:s21+$0xFFFFFF20];
	_ =	sdelay $0x4  }
0x34: {  	v0 =	vadd.f32 v1, v0;
	_ =	sdelay $0x1  }
0x35: {  	[tilespmem:s20+$0xFFFFFF20] =	vst v0;
	v0 =	vld [tilespmem:s20+$0xFFFFFF30]  }
0x36: {  	v1 =	vld [tilespmem:s21+$0xFFFFFF30];
	_ =	sdelay $0x4  }
0x37: {  	v0 =	vadd.f32 v1, v0;
	_ =	sdelay $0x1  }
0x38: {  	[tilespmem:s20+$0xFFFFFF30] =	vst v0;
	v0 =	vld [tilespmem:s20+$0xFFFFFF40]  }
0x39: {  	v1 =	vld [tilespmem:s21+$0xFFFFFF40];
	_ =	sdelay $0x4  }
0x3a: {  	v0 =	vadd.f32 v1, v0;
	_ =	sdelay $0x1  }
0x3b: {  	[tilespmem:s20+$0xFFFFFF40] =	vst v0;
	v0 =	vld [tilespmem:s20+$0xFFFFFF50]  }
0x3c: {  	v1 =	vld [tilespmem:s21+$0xFFFFFF50];
	_ =	sdelay $0x4  }
0x3d: {  	v0 =	vadd.f32 v1, v0;
	_ =	sdelay $0x1  }
0x3e: {  	[tilespmem:s20+$0xFFFFFF50] =	vst v0;
	v0 =	vld [tilespmem:s20+$0xFFFFFF60]  }
0x3f: {  	v1 =	vld [tilespmem:s21+$0xFFFFFF60];
	_ =	sdelay $0x4  }
0x40: {  	v0 =	vadd.f32 v1, v0;
	_ =	sdelay $0x1  }
0x41: {  	[tilespmem:s20+$0xFFFFFF60] =	vst v0;
	v0 =	vld [tilespmem:s20+$0xFFFFFF70]  }
0x42: {  	v1 =	vld [tilespmem:s21+$0xFFFFFF70];
	_ =	sdelay $0x4  }
0x43: {  	v0 =	vadd.f32 v1, v0;
	_ =	sdelay $0x1  }
0x44: {  	[tilespmem:s20+$0xFFFFFF70] =	vst v0;
	v0 =	vld [tilespmem:s20+$0xFFFFFF80]  }
0x45: {  	v1 =	vld [tilespmem:s21+$0xFFFFFF80];
	_ =	sdelay $0x4  }
0x46: {  	v0 =	vadd.f32 v1, v0;
	_ =	sdelay $0x1  }
0x47: {  	[tilespmem:s20+$0xFFFFFF80] =	vst v0;
	v0 =	vld [tilespmem:s20+$0xFFFFFF90]  }
0x48: {  	v1 =	vld [tilespmem:s21+$0xFFFFFF90];
	_ =	sdelay $0x4  }
0x49: {  	v0 =	vadd.f32 v1, v0;
	_ =	sdelay $0x1  }
0x4a: {  	[tilespmem:s20+$0xFFFFFF90] =	vst v0;
	v0 =	vld [tilespmem:s20+$0xFFFFFFA0]  }
0x4b: {  	v1 =	vld [tilespmem:s21+$0xFFFFFFA0];
	_ =	sdelay $0x4  }
0x4c: {  	v0 =	vadd.f32 v1, v0;
	_ =	sdelay $0x1  }
0x4d: {  	[tilespmem:s20+$0xFFFFFFA0] =	vst v0;
	v0 =	vld [tilespmem:s20+$0xFFFFFFB0]  }
0x4e: {  	v1 =	vld [tilespmem:s21+$0xFFFFFFB0];
	_ =	sdelay $0x4  }
0x4f: {  	v0 =	vadd.f32 v1, v0;
	_ =	sdelay $0x1  }
0x50: {  	[tilespmem:s20+$0xFFFFFFB0] =	vst v0;
	v0 =	vld [tilespmem:s20+$0xFFFFFFC0]  }
0x51: {  	v1 =	vld [tilespmem:s21+$0xFFFFFFC0];
	_ =	sdelay $0x4  }
0x52: {  	v0 =	vadd.f32 v1, v0;
	_ =	sdelay $0x1  }
0x53: {  	[tilespmem:s20+$0xFFFFFFC0] =	vst v0;
	v0 =	vld [tilespmem:s20+$0xFFFFFFD0]  }
0x54: {  	v1 =	vld [tilespmem:s21+$0xFFFFFFD0];
	_ =	sdelay $0x4  }
0x55: {  	v0 =	vadd.f32 v1, v0;
	_ =	sdelay $0x1  }
0x56: {  	[tilespmem:s20+$0xFFFFFFD0] =	vst v0;
	v0 =	vld [tilespmem:s20+$0xFFFFFFE0]  }
0x57: {  	v1 =	vld [tilespmem:s21+$0xFFFFFFE0];
	_ =	sdelay $0x4  }
0x58: {  	v0 =	vadd.f32 v1, v0;
	_ =	sdelay $0x1  }
0x59: {  	[tilespmem:s20+$0xFFFFFFE0] =	vst v0;
	v0 =	vld [tilespmem:s20+$0xFFFFFFF0]  }
0x5a: {  	v1 =	vld [tilespmem:s21+$0xFFFFFFF0];
	_ =	sdelay $0x4  }
0x5b: {  	v0 =	vadd.f32 v1, v0;
	_ =	sdelay $0x1  }
0x5c: {  	[tilespmem:s20+$0xFFFFFFF0] =	vst v0;
	v0 =	vld [tilespmem:s20+$0x0]  }
0x5d: {  	v1 =	vld [tilespmem:s21+$0x0];
	_ =	sdelay $0x4  }
0x5e: {  	v0 =	vadd.f32 v1, v0;
	_ =	sdelay $0x1  }
0x5f: {  	[tilespmem:s20+$0x0] =	vst v0;
	v0 =	vld [tilespmem:s20+$0x10]  }
0x60: {  	v1 =	vld [tilespmem:s21+$0x10];
	_ =	sdelay $0x4  }
0x61: {  	v0 =	vadd.f32 v1, v0;
	_ =	sdelay $0x1  }
0x62: {  	[tilespmem:s20+$0x10] =	vst v0;
	v0 =	vld [tilespmem:s20+$0x20]  }
0x63: {  	v1 =	vld [tilespmem:s21+$0x20];
	_ =	sdelay $0x4  }
0x64: {  	v0 =	vadd.f32 v1, v0;
	_ =	sdelay $0x1  }
0x65: {  	[tilespmem:s20+$0x20] =	vst v0;
	v0 =	vld [tilespmem:s20+$0x30]  }
0x66: {  	v1 =	vld [tilespmem:s21+$0x30];
	_ =	sdelay $0x4  }
0x67: {  	v0 =	vadd.f32 v1, v0;
	_ =	sdelay $0x1  }
0x68: {  	[tilespmem:s20+$0x30] =	vst v0;
	v0 =	vld [tilespmem:s20+$0x40]  }
0x69: {  	v1 =	vld [tilespmem:s21+$0x40];
	_ =	sdelay $0x4  }
0x6a: {  	v0 =	vadd.f32 v1, v0;
	_ =	sdelay $0x1  }
0x6b: {  	[tilespmem:s20+$0x40] =	vst v0;
	v0 =	vld [tilespmem:s20+$0x50]  }
0x6c: {  	v1 =	vld [tilespmem:s21+$0x50];
	_ =	sdelay $0x4  }
0x6d: {  	v0 =	vadd.f32 v1, v0;
	_ =	sdelay $0x1  }
0x6e: {  	[tilespmem:s20+$0x50] =	vst v0;
	v0 =	vld [tilespmem:s20+$0x60]  }
0x6f: {  	v1 =	vld [tilespmem:s21+$0x60];
	_ =	sdelay $0x4  }
0x70: {  	v0 =	vadd.f32 v1, v0;
	_ =	sdelay $0x1  }
0x71: {  	[tilespmem:s20+$0x60] =	vst v0;
	v0 =	vld [tilespmem:s20+$0x70]  }
0x72: {  	v1 =	vld [tilespmem:s21+$0x70];
	_ =	sdelay $0x4  }
0x73: {  	v0 =	vadd.f32 v1, v0;
	_ =	sdelay $0x1  }
0x74: {  	[tilespmem:s20+$0x70] =	vst v0;
	v0 =	vld [tilespmem:s20+$0x80]  }
0x75: {  	v1 =	vld [tilespmem:s21+$0x80];
	_ =	sdelay $0x4  }
0x76: {  	v0 =	vadd.f32 v1, v0;
	_ =	sdelay $0x1  }
0x77: {  	[tilespmem:s20+$0x80] =	vst v0;
	v0 =	vld [tilespmem:s20+$0x90]  }
0x78: {  	v1 =	vld [tilespmem:s21+$0x90];
	_ =	sdelay $0x4  }
0x79: {  	v0 =	vadd.f32 v1, v0;
	_ =	sdelay $0x1  }
0x7a: {  	[tilespmem:s20+$0x90] =	vst v0;
	v0 =	vld [tilespmem:s20+$0xA0]  }
0x7b: {  	v1 =	vld [tilespmem:s21+$0xA0];
	_ =	sdelay $0x4  }
0x7c: {  	v0 =	vadd.f32 v1, v0;
	_ =	sdelay $0x1  }
0x7d: {  	[tilespmem:s20+$0xA0] =	vst v0;
	v0 =	vld [tilespmem:s20+$0xB0]  }
0x7e: {  	v1 =	vld [tilespmem:s21+$0xB0];
	_ =	sdelay $0x4  }
0x7f: {  	v0 =	vadd.f32 v1, v0;
	_ =	sdelay $0x1  }
0x80: {  	[tilespmem:s20+$0xB0] =	vst v0;
	v0 =	vld [tilespmem:s20+$0xC0]  }
0x81: {  	v1 =	vld [tilespmem:s21+$0xC0];
	_ =	sdelay $0x4  }
0x82: {  	v0 =	vadd.f32 v1, v0;
	_ =	sdelay $0x1  }
0x83: {  	[tilespmem:s20+$0xC0] =	vst v0;
	v0 =	vld [tilespmem:s20+$0xD0]  }
0x84: {  	v1 =	vld [tilespmem:s21+$0xD0];
	_ =	sdelay $0x4  }
0x85: {  	v0 =	vadd.f32 v1, v0;
	_ =	sdelay $0x1  }
0x86: {  	[tilespmem:s20+$0xD0] =	vst v0;
	v0 =	vld [tilespmem:s20+$0xE0]  }
0x87: {  	v1 =	vld [tilespmem:s21+$0xE0];
	_ =	sdelay $0x4  }
0x88: {  	v0 =	vadd.f32 v1, v0;
	_ =	sdelay $0x1  }
0x89: {  	[tilespmem:s20+$0xE0] =	vst v0;
	v0 =	vld [tilespmem:s20+$0xF0]  }
0x8a: {  	v1 =	vld [tilespmem:s21+$0xF0];
	_ =	sdelay $0x4  }
0x8b: {  	v0 =	vadd.f32 v1, v0  }
0x8c: {  	s22 =	smul.u32 $0x2800, s22;
	s23 =	simm.s32 $0x0;
	s24 =	sadd.s32 $0x200, s20  }
.LBB2_5:
0x8d: {  	v1 =	vld [tilespmem:s24+$0xFFFFFF00];
	[tilespmem:s20+$0xF0] =	vst v0;
	s21 =	sadd.s32 $0x200, s21;
	s20 =	smov.u32 s24  }
0x8e: {  	s23 =	sadd.s32 $0x4, s23;
	v0 =	vld [tilespmem:s21+$0xFFFFFF00]  }
0x8f: {  	p0 =	slt.u32 s23, $0x4C;
	_ =	sdelay $0x3  }
0x90: {  	v0 =	vadd.f32 v0, v1;
	_ =	sdelay $0x1  }
0x91: {  	[tilespmem:s24+$0xFFFFFF00] =	vst v0;
	v0 =	vld [tilespmem:s24+$0xFFFFFF10]  }
0x92: {  	v1 =	vld [tilespmem:s21+$0xFFFFFF10];
	_ =	sdelay $0x4  }
0x93: {  	v0 =	vadd.f32 v1, v0;
	_ =	sdelay $0x1  }
0x94: {  	[tilespmem:s24+$0xFFFFFF10] =	vst v0;
	v0 =	vld [tilespmem:s24+$0xFFFFFF20]  }
0x95: {  	v1 =	vld [tilespmem:s21+$0xFFFFFF20];
	_ =	sdelay $0x4  }
0x96: {  	v0 =	vadd.f32 v1, v0;
	_ =	sdelay $0x1  }
0x97: {  	[tilespmem:s24+$0xFFFFFF20] =	vst v0;
	v0 =	vld [tilespmem:s24+$0xFFFFFF30]  }
0x98: {  	v1 =	vld [tilespmem:s21+$0xFFFFFF30];
	_ =	sdelay $0x4  }
0x99: {  	v0 =	vadd.f32 v1, v0;
	_ =	sdelay $0x1  }
0x9a: {  	[tilespmem:s24+$0xFFFFFF30] =	vst v0;
	v0 =	vld [tilespmem:s24+$0xFFFFFF40]  }
0x9b: {  	v1 =	vld [tilespmem:s21+$0xFFFFFF40];
	_ =	sdelay $0x4  }
0x9c: {  	v0 =	vadd.f32 v1, v0;
	_ =	sdelay $0x1  }
0x9d: {  	[tilespmem:s24+$0xFFFFFF40] =	vst v0;
	v0 =	vld [tilespmem:s24+$0xFFFFFF50]  }
0x9e: {  	v1 =	vld [tilespmem:s21+$0xFFFFFF50];
	_ =	sdelay $0x4  }
0x9f: {  	v0 =	vadd.f32 v1, v0;
	_ =	sdelay $0x1  }
0xa0: {  	[tilespmem:s24+$0xFFFFFF50] =	vst v0;
	v0 =	vld [tilespmem:s24+$0xFFFFFF60]  }
0xa1: {  	v1 =	vld [tilespmem:s21+$0xFFFFFF60];
	_ =	sdelay $0x4  }
0xa2: {  	v0 =	vadd.f32 v1, v0;
	_ =	sdelay $0x1  }
0xa3: {  	[tilespmem:s24+$0xFFFFFF60] =	vst v0;
	v0 =	vld [tilespmem:s24+$0xFFFFFF70]  }
0xa4: {  	v1 =	vld [tilespmem:s21+$0xFFFFFF70];
	_ =	sdelay $0x4  }
0xa5: {  	v0 =	vadd.f32 v1, v0;
	_ =	sdelay $0x1  }
0xa6: {  	[tilespmem:s24+$0xFFFFFF70] =	vst v0;
	v0 =	vld [tilespmem:s24+$0xFFFFFF80]  }
0xa7: {  	v1 =	vld [tilespmem:s21+$0xFFFFFF80];
	_ =	sdelay $0x4  }
0xa8: {  	v0 =	vadd.f32 v1, v0;
	_ =	sdelay $0x1  }
0xa9: {  	[tilespmem:s24+$0xFFFFFF80] =	vst v0;
	v0 =	vld [tilespmem:s24+$0xFFFFFF90]  }
0xaa: {  	v1 =	vld [tilespmem:s21+$0xFFFFFF90];
	_ =	sdelay $0x4  }
0xab: {  	v0 =	vadd.f32 v1, v0;
	_ =	sdelay $0x1  }
0xac: {  	[tilespmem:s24+$0xFFFFFF90] =	vst v0;
	v0 =	vld [tilespmem:s24+$0xFFFFFFA0]  }
0xad: {  	v1 =	vld [tilespmem:s21+$0xFFFFFFA0];
	_ =	sdelay $0x4  }
0xae: {  	v0 =	vadd.f32 v1, v0;
	_ =	sdelay $0x1  }
0xaf: {  	[tilespmem:s24+$0xFFFFFFA0] =	vst v0;
	v0 =	vld [tilespmem:s24+$0xFFFFFFB0]  }
0xb0: {  	v1 =	vld [tilespmem:s21+$0xFFFFFFB0];
	_ =	sdelay $0x4  }
0xb1: {  	v0 =	vadd.f32 v1, v0;
	_ =	sdelay $0x1  }
0xb2: {  	[tilespmem:s24+$0xFFFFFFB0] =	vst v0;
	v0 =	vld [tilespmem:s24+$0xFFFFFFC0]  }
0xb3: {  	v1 =	vld [tilespmem:s21+$0xFFFFFFC0];
	_ =	sdelay $0x4  }
0xb4: {  	v0 =	vadd.f32 v1, v0;
	_ =	sdelay $0x1  }
0xb5: {  	[tilespmem:s24+$0xFFFFFFC0] =	vst v0;
	v0 =	vld [tilespmem:s24+$0xFFFFFFD0]  }
0xb6: {  	v1 =	vld [tilespmem:s21+$0xFFFFFFD0];
	_ =	sdelay $0x4  }
0xb7: {  	v0 =	vadd.f32 v1, v0;
	_ =	sdelay $0x1  }
0xb8: {  	[tilespmem:s24+$0xFFFFFFD0] =	vst v0;
	v0 =	vld [tilespmem:s24+$0xFFFFFFE0]  }
0xb9: {  	v1 =	vld [tilespmem:s21+$0xFFFFFFE0];
	_ =	sdelay $0x4  }
0xba: {  	v0 =	vadd.f32 v1, v0;
	_ =	sdelay $0x1  }
0xbb: {  	[tilespmem:s24+$0xFFFFFFE0] =	vst v0;
	v0 =	vld [tilespmem:s24+$0xFFFFFFF0]  }
0xbc: {  	v1 =	vld [tilespmem:s21+$0xFFFFFFF0];
	_ =	sdelay $0x4  }
0xbd: {  	v0 =	vadd.f32 v1, v0;
	_ =	sdelay $0x1  }
0xbe: {  	[tilespmem:s24+$0xFFFFFFF0] =	vst v0;
	v0 =	vld [tilespmem:s24+$0x0]  }
0xbf: {  	v1 =	vld [tilespmem:s21+$0x0];
	_ =	sdelay $0x4  }
0xc0: {  	v0 =	vadd.f32 v1, v0;
	_ =	sdelay $0x1  }
0xc1: {  	[tilespmem:s24+$0x0] =	vst v0;
	v0 =	vld [tilespmem:s24+$0x10]  }
0xc2: {  	v1 =	vld [tilespmem:s21+$0x10];
	_ =	sdelay $0x4  }
0xc3: {  	v0 =	vadd.f32 v1, v0;
	_ =	sdelay $0x1  }
0xc4: {  	[tilespmem:s24+$0x10] =	vst v0;
	v0 =	vld [tilespmem:s24+$0x20]  }
0xc5: {  	v1 =	vld [tilespmem:s21+$0x20];
	_ =	sdelay $0x4  }
0xc6: {  	v0 =	vadd.f32 v1, v0;
	_ =	sdelay $0x1  }
0xc7: {  	[tilespmem:s24+$0x20] =	vst v0;
	v0 =	vld [tilespmem:s24+$0x30]  }
0xc8: {  	v1 =	vld [tilespmem:s21+$0x30];
	_ =	sdelay $0x4  }
0xc9: {  	v0 =	vadd.f32 v1, v0;
	_ =	sdelay $0x1  }
0xca: {  	[tilespmem:s24+$0x30] =	vst v0;
	v0 =	vld [tilespmem:s24+$0x40]  }
0xcb: {  	v1 =	vld [tilespmem:s21+$0x40];
	_ =	sdelay $0x4  }
0xcc: {  	v0 =	vadd.f32 v1, v0;
	_ =	sdelay $0x1  }
0xcd: {  	[tilespmem:s24+$0x40] =	vst v0;
	v0 =	vld [tilespmem:s24+$0x50]  }
0xce: {  	v1 =	vld [tilespmem:s21+$0x50];
	_ =	sdelay $0x4  }
0xcf: {  	v0 =	vadd.f32 v1, v0;
	_ =	sdelay $0x1  }
0xd0: {  	[tilespmem:s24+$0x50] =	vst v0;
	v0 =	vld [tilespmem:s24+$0x60]  }
0xd1: {  	v1 =	vld [tilespmem:s21+$0x60];
	_ =	sdelay $0x4  }
0xd2: {  	v0 =	vadd.f32 v1, v0;
	_ =	sdelay $0x1  }
0xd3: {  	[tilespmem:s24+$0x60] =	vst v0;
	v0 =	vld [tilespmem:s24+$0x70]  }
0xd4: {  	v1 =	vld [tilespmem:s21+$0x70];
	_ =	sdelay $0x4  }
0xd5: {  	v0 =	vadd.f32 v1, v0;
	_ =	sdelay $0x1  }
0xd6: {  	[tilespmem:s24+$0x70] =	vst v0;
	v0 =	vld [tilespmem:s24+$0x80]  }
0xd7: {  	v1 =	vld [tilespmem:s21+$0x80];
	_ =	sdelay $0x4  }
0xd8: {  	v0 =	vadd.f32 v1, v0;
	_ =	sdelay $0x1  }
0xd9: {  	[tilespmem:s24+$0x80] =	vst v0;
	v0 =	vld [tilespmem:s24+$0x90]  }
0xda: {  	v1 =	vld [tilespmem:s21+$0x90];
	_ =	sdelay $0x4  }
0xdb: {  	v0 =	vadd.f32 v1, v0;
	_ =	sdelay $0x1  }
0xdc: {  	[tilespmem:s24+$0x90] =	vst v0;
	v0 =	vld [tilespmem:s24+$0xA0]  }
0xdd: {  	v1 =	vld [tilespmem:s21+$0xA0];
	_ =	sdelay $0x4  }
0xde: {  	v0 =	vadd.f32 v1, v0;
	_ =	sdelay $0x1  }
0xdf: {  	[tilespmem:s24+$0xA0] =	vst v0;
	v0 =	vld [tilespmem:s24+$0xB0]  }
0xe0: {  	v1 =	vld [tilespmem:s21+$0xB0];
	_ =	sdelay $0x4  }
0xe1: {  	v0 =	vadd.f32 v1, v0;
	_ =	sdelay $0x1  }
0xe2: {  	[tilespmem:s24+$0xB0] =	vst v0;
	v0 =	vld [tilespmem:s24+$0xC0]  }
0xe3: {  	v1 =	vld [tilespmem:s21+$0xC0];
	_ =	sdelay $0x4  }
0xe4: {  	v0 =	vadd.f32 v1, v0;
	_ =	sdelay $0x1  }
0xe5: {  	[tilespmem:s24+$0xC0] =	vst v0;
	v0 =	vld [tilespmem:s24+$0xD0]  }
0xe6: {  	v1 =	vld [tilespmem:s21+$0xD0];
	_ =	sdelay $0x4  }
0xe7: {  	v0 =	vadd.f32 v1, v0;
	_ =	sdelay $0x1  }
0xe8: {  	[tilespmem:s24+$0xD0] =	vst v0;
	v0 =	vld [tilespmem:s24+$0xE0]  }
0xe9: {  	v1 =	vld [tilespmem:s21+$0xE0];
	_ =	sdelay $0x4  }
0xea: {  	v0 =	vadd.f32 v1, v0;
	_ =	sdelay $0x1  }
0xeb: {  	[tilespmem:s24+$0xE0] =	vst v0;
	v0 =	vld [tilespmem:s24+$0xF0]  }
0xec: {  	v1 =	vld [tilespmem:s21+$0xF0];
	_ =	sdelay $0x1  }
.Ltmp1:
0xed: {  	(pc) =	sbr.rel @p0 .LBB2_5-.Ltmp1, $3  }
0xee: {  	_ =	sdelay $0x1  }
0xef: {  	v0 =	vadd.f32 v1, v0  }
0xf0: {  	s24 =	sadd.s32 $0x200, s24  }
0xf1: {  	s18 =	smul.u32 $0x50, s18  }
0xf2: {  	p0 =	slt.u32 s19, $0x7D  }
.Ltmp2:
0xf3: {  	s18 =	sadd.s32 s5, s18;
	(pc) =	sbr.rel @p0 .LBB2_2-.Ltmp2, $4  }
0xf4: {  	s18 =	sshll.u32 s18, $0x4  }
0xf5: {  	[tilespmem:s20+$0xF0] =	vst v0;
	s31 =	sor.u32 $0x8000, s22;
	s18 =	sadd.s32 s4, s18  }
0xf6: {  	[hbm4b:s18+s2] =	stream.linear.scatter [tilespmem:s31], [sflag:$0x3], $0x2800, $0x38;
	[tilespmem:$0x12000] =	vst v63  }
0xf7: {  	s18 =	smov.u32 s19  }
0xf8: {  	s17 =	sadd.s32 $0x1, s17  }
0xf9: {  	p0 =	sne.s32 s17, s8  }
.Ltmp3:
0xfa: {  	_ = 	snop;
	(pc) =	sbr.rel @p0 .LBB2_1-.Ltmp3, $4  }
0xfb: {  	_ = 	snop  }
0xfc: {  	_ =	swait.ge [sflag:s16], $0x2800  }
0xfd: {  	[sflag:s16] =	ssyncset.done $0x0  }
0xfe: {  	[sflag:s16] =	ssyncadd.s32 $0xFFFFD800  }
0xff: {  	_ =	sfence.sel $0x180000  }
0x100: {  	[bflag:$0x0] =	sbarrier.arrive $0xFFFF  }
0x101: {  	p0 =	sne.s32 s1, $0x0;
	_ =	strace $0x9000004A  }
0x102: {  	s0 =	sadd.s32 @!p0 $0x100000, s0;
	[bflag:$0x2] =	sbarrier.arrive $0xFFFF  }
0x103: {  	[sflag:s0] =	ssyncadd.tile.s32 @!p0 $0x1;
	_ =	shalt  }
.Lfunc_end2:
_tile_overlayer_lowered:
.L_overlay_start_2:
0x104: {  	(tag) =	ssettag $0x2  }
0x105: {  	s0 =	rddreg [dreg:$0x0];
	s2 =	stileid.u32  }
0x106: {  	s1 =	rddreg [dreg:$0x1];
	p0 =	sne.s32 s2, $0x0  }
0x107: {  	s3 =	rddreg [dreg:$0x2];
	[bflag:$0x3] =	sbarrier.arrive $0xFFFF;
	s2 =	simm.s32 @!p0 $0x1C04  }
0x108: {  	[timem:s3], [sflag:s2] =	dma.local @!p0 [hbm:s0], s1  }
0x109: {  	s0 =	simm.s32 @!p0 $0x4  }
0x10a: {  	_ =	swait.ge @!p0 [sflag:s0], s1  }
0x10b: {  	s1 =	ssub.s32 @!p0 $0x0, s1;
	[sflag:s0] =	ssyncset.done @!p0 $0x0  }
0x10c: {  	[sflag:s0] =	ssyncadd.s32 @!p0 s1  }
0x10d: {  	[bflag:$0x3] =	sbarrier.arrive $0xFFFF  }
0x10e: {  	_ =	shalt  }

// kernel: closed_call.40.cloned.1.call-start
scs
__scs_entry_jumppad:
0x0: {  	(pc) =	sbr.rel $0x88, $3  }
0x1: {  	(tag) =	ssettag $0x0;
	lr =	simm.s32 $0x1  }
0x2: {  	[smem:$0x3E90] =	sst lr;
	_ =	strace $0xD0000000  }
0x3: {  	_ = 	snop  }
0x4: {  	_ = 	snop  }
0x5: {  	_ = 	snop  }
0x6: {  	_ = 	snop  }
0x7: {  	_ = 	snop  }
__scs_overlays_trampoline_lowered:
0x8: {  	[smem:$0x3E9F] =	sst s0  }
0x9: {  	[smem:$0x3EA0] =	sst s1  }
0xa: {  	[smem:$0x3EA1] =	sst s2  }
0xb: {  	[smem:$0x3EA2] =	sst s3  }
0xc: {  	[smem:$0x3EA3] =	sst s4  }
0xd: {  	[smem:$0x3EA4] =	sst s5  }
0xe: {  	[smem:$0x3EA5] =	sst s6  }
0xf: {  	[smem:$0x3EA6] =	sst s7  }
0x10: {  	[smem:$0x3EA7] =	sst s8  }
0x11: {  	[smem:$0x3EA8] =	sst s9;
	s0 =	simm.s32 @!p0 $0x0  }
0x12: {  	s1 =	sld [smem:$0x3E8E];
	s0 =	simm.s32 @p0 $0x1  }
0x13: {  	[smem:$0x3EA9] =	sst s0;
	s0 =	simm.s32 @!p1 $0x0  }
0x14: {  	s2 =	sld [smem:$0x3E8D];
	s0 =	simm.s32 @p1 $0x1  }
0x15: {  	[smem:$0x3EAA] =	sst s0;
	s0 =	simm.s32 @!p2 $0x0  }
0x16: {  	s3 =	sld [smem:$0x3FDB];
	s0 =	simm.s32 @p2 $0x1  }
0x17: {  	s4 =	simm.s32 $0x1BF5;
	[smem:$0x3EAC] =	sst s0  }
0x18: {  	s0 =	sld [smem:$0x3E8F];
	_ =	swait.ge [sflag:s4], $0x0  }
0x19: {  	s7 =	sld [smem:$0x3E90]  }
0x1a: {  	s8 =	sadd.s32 $0xFFFFE003, lr  }
0x1b: {  	s9 =	sadd.s32 $0xFFFFFEF7, lr;
	s5 =	simm.s32 $0xFFFFFFFF;
	p2 =	slt.u32 s8, $0xFFFFF086  }
0x1c: {  	p1 =	slt.u32 s9, $0xF7A;
	s5 =	simm.s32 @!p2 $0x0  }
0x1d: {  	s5 =	simm.s32 @p1 $0x1;
	p0 =	seq.s32 s7, s2  }
0x1e: {  	s7 =	smul.u32 @!p0 $0xF7A, s2;
	p2 =	seq.s32 @!p0 s5, $0x0  }
0x1f: {  	s9 =	smul.u32 $0xF7A, s1;
	s8 =	simm.s32 @!p0 $0x1BF5;
	p2 =	por !p2, p0  }
0x20: {  	[sflag:s8] =	ssyncset.s32 @!p0 $0xFFFFF086;
	s6 =	sadd.s32 @!p0 s3, s7;
	s7 =	simm.s32 @!p0 $0x108  }
0x21: {  	s3 =	sadd.s32 s3, s9;
	s6 =	sadd.s32 @!p0 $0x88, s6;
	s7 =	simm.s32 @p2 $0x1082  }
0x22: {  	[simem:s7], [sflag:s8] =	dma.local @!p0 [hbm:s6], $0xF7A  }
0x23: {  	s9 =	sor.u32 $0xD0000000, s2;
	s6 =	simm.s32 $0x108;
	_ =	swait.ge @!p0 [sflag:s8], $0x0  }
0x24: {  	s3 =	sadd.s32 $0x88, s3;
	s6 =	simm.s32 @!p1 $0x1082;
	[sflag:s4] =	ssyncset.s32 $0xFFFFF086  }
0x25: {  	[simem:s6], [sflag:s4] =	dma.local [hbm:s3], $0xF7A  }
0x26: {  	[smem:$0x3E90] =	sst s1;
	(tag) =	ssettag s2;
	_ =	strace s9  }
0x27: {  	s1 =	sld [smem:$0x3EA0]  }
0x28: {  	s2 =	sld [smem:$0x3EA1]  }
0x29: {  	s4 =	sld [smem:$0x3EA3]  }
0x2a: {  	p0 =	seq.s32 s5, $0x0;
	s5 =	sld [smem:$0x3EA4]  }
0x2b: {  	s6 =	sld [smem:$0x3EA5]  }
0x2c: {  	s7 =	sld [smem:$0x3EA6]  }
0x2d: {  	s3 =	simm.s32 $0x108;
	s8 =	sld [smem:$0x3EA7]  }
0x2e: {  	s3 =	simm.s32 @!p0 $0x1082;
	s9 =	sld [smem:$0x3EA8]  }
0x2f: {  	lr =	sadd.s32 s0, s3;
	s0 =	sld [smem:$0x3E9F]  }
0x30: {  	s3 =	sld [smem:$0x3EA2]  }
0x31: {  	[smem:$0x3EAB] =	sst s10  }
0x32: {  	s10 =	sld [smem:$0x3EA9];
	_ =	sdelay $0x3  }
0x33: {  	p0 =	seq.s32 s10, $0x1;
	s10 =	sld [smem:$0x3EAB];
	_ =	sdelay $0x3  }
0x34: {  	[smem:$0x3EAB] =	sst s10  }
0x35: {  	s10 =	sld [smem:$0x3EAA];
	_ =	sdelay $0x3  }
0x36: {  	p1 =	seq.s32 s10, $0x1;
	s10 =	sld [smem:$0x3EAB];
	_ =	sdelay $0x3  }
0x37: {  	[smem:$0x3EAB] =	sst s10  }
0x38: {  	s10 =	sld [smem:$0x3EAC]  }
0x39: {  	_ = 	snop;
	(pc) =	sbr.ind lr, $3  }
0x3a: {  	_ = 	snop  }
0x3b: {  	_ = 	snop  }
0x3c: {  	p2 =	seq.s32 s10, $0x1;
	s10 =	sld [smem:$0x3EAB]  }
0x3d: {  	_ =	shalt  }
0x3e: {  	_ =	shalt  }
0x3f: {  	_ =	shalt  }
0x40: {  	_ =	shalt  }
0x41: {  	_ =	shalt  }
0x42: {  	_ =	shalt  }
0x43: {  	_ =	shalt  }
0x44: {  	_ =	shalt  }
0x45: {  	_ =	shalt  }
0x46: {  	_ =	shalt  }
0x47: {  	_ =	shalt  }
0x48: {  	_ =	shalt  }
0x49: {  	_ =	shalt  }
0x4a: {  	_ =	shalt  }
0x4b: {  	_ =	shalt  }
0x4c: {  	_ =	shalt  }
0x4d: {  	_ =	shalt  }
0x4e: {  	_ =	shalt  }
0x4f: {  	_ =	shalt  }
0x50: {  	_ =	shalt  }
0x51: {  	_ =	shalt  }
0x52: {  	_ =	shalt  }
0x53: {  	_ =	shalt  }
0x54: {  	_ =	shalt  }
0x55: {  	_ =	shalt  }
0x56: {  	_ =	shalt  }
0x57: {  	_ =	shalt  }
0x58: {  	_ =	shalt  }
0x59: {  	_ =	shalt  }
0x5a: {  	_ =	shalt  }
0x5b: {  	_ =	shalt  }
0x5c: {  	_ =	shalt  }
0x5d: {  	_ =	shalt  }
0x5e: {  	_ =	shalt  }
0x5f: {  	_ =	shalt  }
0x60: {  	_ =	shalt  }
0x61: {  	_ =	shalt  }
0x62: {  	_ =	shalt  }
0x63: {  	_ =	shalt  }
0x64: {  	_ =	shalt  }
0x65: {  	_ =	shalt  }
0x66: {  	_ =	shalt  }
0x67: {  	_ =	shalt  }
0x68: {  	_ =	shalt  }
0x69: {  	_ =	shalt  }
0x6a: {  	_ =	shalt  }
0x6b: {  	_ =	shalt  }
0x6c: {  	_ =	shalt  }
0x6d: {  	_ =	shalt  }
0x6e: {  	_ =	shalt  }
0x6f: {  	_ =	shalt  }
0x70: {  	_ =	shalt  }
0x71: {  	_ =	shalt  }
0x72: {  	_ =	shalt  }
0x73: {  	_ =	shalt  }
0x74: {  	_ =	shalt  }
0x75: {  	_ =	shalt  }
0x76: {  	_ =	shalt  }
0x77: {  	_ =	shalt  }
0x78: {  	_ =	shalt  }
0x79: {  	_ =	shalt  }
0x7a: {  	_ =	shalt  }
0x7b: {  	_ =	shalt  }
0x7c: {  	_ =	shalt  }
0x7d: {  	_ =	shalt  }
0x7e: {  	_ =	shalt  }
0x7f: {  	_ =	shalt  }
0x80: {  	_ =	shalt  }
0x81: {  	_ =	shalt  }
0x82: {  	_ =	shalt  }
0x83: {  	_ =	shalt  }
0x84: {  	_ =	shalt  }
0x85: {  	_ =	shalt  }
0x86: {  	_ =	shalt  }
0x87: {  	_ =	shalt  }
.Lfunc_end0:
.L_simem_size_0:
called_computation.1_lowered:
.L_overlay_start_0:
0x88: {  	s2 =	sld [smem:$0x3FD9]  }
0x89: {  	s3 =	sld [smem:$0x3FFE];
	_ =	sdelay $0x1  }
0x8a: {  	s1 =	srdreg.scid  }
0x8b: {  	s0 =	sand.u32 $0x1, s1  }
0x8c: {  	s16 =	sshll.u32 s0, $0xA;
	s2 =	sadd.s32 s3, s2  }
0x8d: {  	s2 =	sadd.s32 s2, s16  }
0x8e: {  	[smem:$0x3EB7] =	sst s2  }
0x8f: {  	_ = 	snop  }
0x90: {  	(tm) =	ssettm $0x1  }
0x91: {  	s17 =	sld [smem:$0x3FFB];
	_ =	sdelay $0x3  }
0x92: {  	_ =	strace s17  }
0x93: {  	s2 =	sld [smem:$0x3FFC];
	_ =	sdelay $0x3  }
0x94: {  	_ =	strace s2  }
0x95: {  	s2 =	sld [smem:$0x3FFD];
	_ =	sdelay $0x3  }
0x96: {  	_ =	strace s2  }
0x97: {  	_ =	strace $0x8FFFFFFF  }
0x98: {  	s18 =	sld [smem:$0x3FDB];
	_ =	sdelay $0x1  }
0x99: {  	s19 =	simm.s32 $_scs_section_size  }
0x9a: {  	s4 =	simm.s32 $_size__tile_overlayer_lowered;
	s5 =	simm.s32 $_tile_overlayer_lowered  }
0x9b: {  	s22 =	simm.s32 $0x1BFF;
	s21 =	sshll.u32 s5, $0x1;
	s2 =	sadd.s32 s19, s18  }
0x9c: {  	s6 =	simm.s32 $0x0;
	s20 =	sshll.u32 s4, $0x1;
	s4 =	sadd.s32 s21, s2  }
0x9d: {  	[timem:s6], [sflag:s22] =	dma.local [hbm:s4], s20  }
0x9e: {  	_ =	swait.ge [sflag:s22], s20  }
0x9f: {  	s3 =	ssub.s32 $0x0, s20;
	[sflag:s22] =	ssyncset.done $0x0  }
0xa0: {  	[sflag:s22] =	ssyncadd.s32 s3;
	_ =	sdelay $0x1  }
0xa1: {  	s23 =	simm.s32 $0x1B8B  }
0xa2: {  	_ =	swait.ge [sflag:s23], $0x1  }
0xa3: {  	[sflag:s23] =	ssyncset.done $0x0  }
0xa4: {  	s25 =	simm.s32 $0x1B8E;
	s24 =	sld [smem:$0x3FFE];
	[sflag:s23] =	ssyncadd.s32 $0xFFFFFFFF  }
0xa5: {  	s26 =	simm.s32 $execute0_lowered;
	[smem:$0x3FD2] =	sst s25  }
0xa6: {  	s4 =	sshll.u32 s26, $0x1;
	_ =	strace $0x8000004C;
	[dreg:$0x1] =	wrdreg $0xFFFFFFFF  }
0xa7: {  	s28 =	simm.s32 $_size_execute0_lowered;
	s2 =	sadd.s32 s2, s4;
	[dreg:$0x0] =	wrdreg $0x0  }
0xa8: {  	s4 =	sshll.u32 s28, $0x1;
	[dreg:$0x2] =	wrdreg s2  }
0xa9: {  	[dreg:$0x3] =	wrdreg s4  }
0xaa: {  	[dreg:$0x4] =	wrdreg $0xC0  }
0xab: {  	_ =	task [dreg:s6], $0x5FFFF  }
0xac: {  	[dreg:$0x1] =	wrdreg $0xFFFFFFFF  }
0xad: {  	[dreg:$0x0] =	wrdreg $0x60  }
0xae: {  	[dreg:$0x2] =	wrdreg s24  }
0xaf: {  	[dreg:$0x3] =	wrdreg $0xA8000  }
0xb0: {  	[dreg:$0x4] =	wrdreg $0x9  }
0xb1: {  	_ =	task.clear_ibuf [dreg:s6], $0x5FFFF;
	_ =	strace $0x9000004C  }
0xb2: {  	s29 =	simm.s32 $0x9;
	_ =	strace $0x8000004E  }
0xb3: {  	_ =	swait.ge [sflag:s29], $0x1  }
0xb4: {  	[sflag:s29] =	ssyncadd.s32 $0xFFFFFFFF  }
0xb5: {  	_ =	strace $0x9000004E  }
0xb6: {  	_ =	sfence  }
0xb7: {  	s30 =	sld [smem:$0x0];
	_ =	sdelay $0x2  }
0xb8: {  	s31 =	sshll.u32 s1, $0xD;
	s1 =	sshrl.u32 s1, $0x2  }
0xb9: {  	s3 =	sand.u32 $0x4000, s31;
	s1 =	sadd.s32 s1, s30  }
0xba: {  	s0 =	sor.u32 s3, s0;
	s1 =	sshll.u32 s1, $0x11  }
0xbb: {  	s0 =	sor.u32 s1, s0  }
0xbc: {  	s0 =	sadd.s32 $0x8F2B, s0  }
0xbd: {  	[sflag:s0] =	ssyncadd.remote.s32 $0x1  }
0xbe: {  	_ =	sfence.sel $0xFFFF  }
0xbf: {  	[dreg:$0x0] =	wrdreg $0xFFFFFFFF;
	(pc) =	sbr.abs _section_cstart, $3  }
0xc0: {  	[dreg:$0x1] =	wrdreg $0xFFFFFFFF  }
0xc1: {  	_ =	task.clear_ibuf [dreg:s6], $0x2FFFF;
	_ =	strace $0x9FFFFFFF  }
0xc2: {  	(tm) =	ssettm $0x7FFFFFFF  }
0xc3: {  	_ =	shalt  }
tec
execute0_lowered:
.L_overlay_start_1:
0x0: {  	(tag) =	ssettag $0x1  }
0x1: {  	s4 =	rddreg [dreg:$0x0]  }
0x2: {  	s1 =	rddreg [dreg:$0x1];
	s3 =	srdreg.scid  }
0x3: {  	s0 =	rddreg [dreg:$0x2];
	s2 =	simm.s32 $0x0;
	s6 =	sand.u32 $0x1, s3  }
0x4: {  	s20 =	simm.s32 $0x50;
	s3 =	stileid.u32;
	s5 =	smul.u32 $0x271000, s6  }
0x5: {  	[smem:$0x7FF] =	sst s2;
	s14 =	sadd.s32 $0x113400, s4;
	s24 =	smul.u32 $0x50000, s3  }
0x6: {  	s21 =	simm.s32 $0x0;
	_ =	strace $0x8000004D;
	s9 =	smul.u32 $0x14000, s3  }
0x7: {  	s7 =	sshll.u32 s3, $0xB;
	s8 =	sshll.u32 s6, $0xF;
	s12 =	smul.u32 $0x140000, s6  }
0x8: {  	s25 =	ssub.s32 $0x2, s6;
	s31 =	smul.u32 $0x27100, s3;
	s23 =	sor.u32 s7, s8  }
0x9: {  	s26 =	sshrl.u32 s25, $0x1;
	s16 =	sadd.s32 s5, s4;
	s5 =	sadd.s32 s23, s4  }
0xa: {  	s7 =	sshrl.u32 s24, $0x2;
	s15 =	ssub.s32 s25, s26;
	s10 =	sadd.s32 $0x4000, s9  }
0xb: {  	s11 =	sadd.s32 $0x8000, s9;
	s13 =	sadd.s32 $0xC000, s9;
	s17 =	sadd.s32 $0x10000, s9  }
0xc: {  	s18 =	sadd.s32 s9, s12;
	s4 =	sadd.s32 $0x29000, s5;
	s5 =	sadd.s32 s7, s1  }
0xd: {  	s6 =	sadd.s32 s10, s1;
	s7 =	sadd.s32 s11, s1;
	s8 =	sadd.s32 s13, s1  }
0xe: {  	s9 =	sadd.s32 s17, s1;
	s18 =	sshrl.u32 s18, $0x3;
	s19 =	sadd.s32 s12, s10  }
0xf: {  	s29 =	sadd.s32 s12, s11;
	s13 =	sadd.s32 s12, s13;
	s17 =	sadd.s32 s12, s17  }
0x10: {  	s15 =	smax.u32 s15, $0x1;
	s16 =	sadd.s32 s31, s16;
	s10 =	sadd.s32 s14, s18  }
0x11: {  	s28 =	sshrl.u32 s19, $0x3;
	s30 =	sshrl.u32 s29, $0x3;
	s13 =	sshrl.u32 s13, $0x3  }
0x12: {  	s17 =	sshrl.u32 s17, $0x3;
	s16 =	sadd.s32 $0xAD7400, s16;
	s18 =	simm.s32 $0x6800  }
0x13: {  	s19 =	simm.s32 $0x4000;
	s11 =	sadd.s32 s14, s28;
	s12 =	sadd.s32 s14, s30  }
0x14: {  	v0 =	vimm.f32 $0.0e+00;
	s13 =	sadd.s32 s14, s13;
	s14 =	sadd.s32 s14, s17;
	s17 =	simm.s32 $0x1  }
.LBB2_1:
0x15: {  	[tilespmem:s2], [sflag:$0x1] =	stream.linear.gather [hbm4b:s4+s2], $0x3E80, $0x38;
	[tilespmem:$0x1E800] =	vst v63  }
0x16: {  	_ =	swait.ge [sflag:s17], $0x3E80  }
0x17: {  	[sflag:s17] =	ssyncset.done $0x0  }
0x18: {  	s22 =	simm.s32 $0x0;
	s23 =	simm.s32 $0x200;
	[sflag:s17] =	ssyncadd.s32 $0xFFFFC180  }
.LBB2_2:
0x19: {  	p0 =	sne.s32 s23, $0xFE00;
	[tilespmem:s22+$0x6870] =	vst v0  }
0x1a: {  	[tilespmem:s22+$0x6800] =	vst v0  }
0x1b: {  	[tilespmem:s22+$0x6810] =	vst v0  }
.Ltmp0:
0x1c: {  	[tilespmem:s22+$0x6820] =	vst v0;
	(pc) =	sbr.rel @p0 .LBB2_2-.Ltmp0, $4  }
0x1d: {  	[tilespmem:s22+$0x6830] =	vst v0  }
0x1e: {  	[tilespmem:s22+$0x6840] =	vst v0  }
0x1f: {  	[tilespmem:s22+$0x6850] =	vst v0  }
0x20: {  	[tilespmem:s22+$0x6860] =	vst v0;
	s22 =	sshra.s32 s23, $0x2;
	s23 =	sadd.s32 $0x200, s23  }
0x21: {  	[tilespmem:s22+$0x6870] =	vst v0  }
0x22: {  	[tilespmem:s22+$0x6800] =	vst v0  }
0x23: {  	[tilespmem:s22+$0x6810] =	vst v0  }
0x24: {  	[tilespmem:s22+$0x6820] =	vst v0  }
0x25: {  	[tilespmem:s22+$0x6830] =	vst v0  }
0x26: {  	[tilespmem:s22+$0x6840] =	vst v0  }
0x27: {  	[tilespmem:s22+$0x6850] =	vst v0  }
0x28: {  	[tilespmem:s22+$0x6860] =	vst v0  }
0x29: {  	[spmem:s5] =	stream.linear.scatter [tilespmem:s18], [sflag:$0x1], $0x4000, $0x38;
	[tilespmem:$0x1E800] =	vst v63  }
0x2a: {  	_ =	swait.ge [sflag:s17], $0x4000  }
0x2b: {  	[sflag:s17] =	ssyncset.done $0x0  }
0x2c: {  	[sflag:s17] =	ssyncadd.s32 $0xFFFFC000  }
0x2d: {  	[spmem:s6] =	stream.linear.scatter [tilespmem:s18], [sflag:$0x1], $0x4000, $0x38;
	[tilespmem:$0x1E800] =	vst v63  }
0x2e: {  	_ =	swait.ge [sflag:s17], $0x4000  }
0x2f: {  	[sflag:s17] =	ssyncset.done $0x0  }
0x30: {  	[sflag:s17] =	ssyncadd.s32 $0xFFFFC000  }
0x31: {  	[spmem:s7] =	stream.linear.scatter [tilespmem:s18], [sflag:$0x1], $0x4000, $0x38;
	[tilespmem:$0x1E800] =	vst v63  }
0x32: {  	_ =	swait.ge [sflag:s17], $0x4000  }
0x33: {  	[sflag:s17] =	ssyncset.done $0x0  }
0x34: {  	[sflag:s17] =	ssyncadd.s32 $0xFFFFC000  }
0x35: {  	[spmem:s8] =	stream.linear.scatter [tilespmem:s18], [sflag:$0x1], $0x4000, $0x38;
	[tilespmem:$0x1E800] =	vst v63  }
0x36: {  	_ =	swait.ge [sflag:s17], $0x4000  }
0x37: {  	[sflag:s17] =	ssyncset.done $0x0  }
0x38: {  	[sflag:s17] =	ssyncadd.s32 $0xFFFFC000  }
0x39: {  	[spmem:s9] =	stream.linear.scatter [tilespmem:s18], [sflag:$0x1], $0x4000, $0x38;
	[tilespmem:$0x1E800] =	vst v63  }
0x3a: {  	_ =	swait.ge [sflag:s17], $0x4000  }
0x3b: {  	[sflag:s17] =	ssyncset.done $0x0  }
0x3c: {  	[sflag:s17] =	ssyncadd.s32 $0xFFFFC000  }
0x3d: {  	[bflag:$0x0] =	sbarrier.arrive $0xFFFF  }
0x3e: {  	[tilespmem:s19], [sflag:$0x1] =	stream.linear.gather [hbm4b:s16+s2], $0x2800, $0x38;
	[tilespmem:$0x1E800] =	vst v63  }
0x3f: {  	_ =	swait.ge [sflag:s17], $0x2800  }
0x40: {  	[sflag:s17] =	ssyncset.done $0x0  }
0x41: {  	s31 =	simm.s32 $0x0;
	[sflag:s17] =	ssyncadd.s32 $0xFFFFD800  }
0x42: {  	[spmem:s1] =	stream.indirect.scatter.add.f32 [tilespmem:s19], [sflag:$0x1], $0x80, s31, s20, $0xb8;
	[tilespmem:$0x1E800] =	vst v63  }
0x43: {  	_ =	swait.ge [sflag:s17], $0x2800  }
0x44: {  	s22 =	simm.s32 $0x200;
	s23 =	smov.u32 s16;
	[sflag:s17] =	ssyncset.done $0x0  }
.LBB2_4:
0x45: {  	p0 =	sne.s32 s22, $0xF800;
	[sflag:s17] =	ssyncadd.s32 $0xFFFFD800;
	s23 =	sadd.s32 $0x500, s23  }
0x46: {  	[tilespmem:s19], [sflag:$0x1] =	stream.linear.gather [hbm4b:s23+s2], $0x2800, $0x38;
	[tilespmem:$0x1E800] =	vst v63  }
0x47: {  	s24 =	smov.u32 s22;
	s22 =	sadd.s32 $0x200, s22;
	_ =	swait.ge [sflag:s17], $0x2800  }
.Ltmp1:
0x48: {  	[sflag:s17] =	ssyncset.done $0x0;
	(pc) =	sbr.rel @p0 .LBB2_4-.Ltmp1, $4  }
0x49: {  	s24 =	sshra.s32 s24, $0x2;
	[sflag:s17] =	ssyncadd.s32 $0xFFFFD800  }
0x4a: {  	[spmem:s1] =	stream.indirect.scatter.add.f32 [tilespmem:s19], [sflag:$0x1], $0x80, s24, s20, $0xb8;
	[tilespmem:$0x1E800] =	vst v63  }
0x4b: {  	_ =	swait.ge [sflag:s17], $0x2800  }
0x4c: {  	[sflag:s17] =	ssyncset.done $0x0  }
0x4d: {  	[sflag:s17] =	ssyncadd.s32 $0xFFFFD800  }
0x4e: {  	[bflag:$0x0] =	sbarrier.arrive $0xFFFF  }
0x4f: {  	[tilespmem:s18], [sflag:$0x1] =	stream.linear.gather [spmem:s5], $0x4000, $0x38;
	[tilespmem:$0x1E800] =	vst v63  }
0x50: {  	_ =	swait.ge [sflag:s17], $0x4000  }
0x51: {  	[sflag:s17] =	ssyncset.done $0x0  }
0x52: {  	[sflag:s17] =	ssyncadd.s32 $0xFFFFC000  }
0x53: {  	[hbm4b:s10+s2] =	stream.linear.scatter [tilespmem:s18], [sflag:$0x1], $0x4000, $0x38;
	[tilespmem:$0x1E800] =	vst v63  }
0x54: {  	_ =	swait.ge [sflag:s17], $0x4000  }
0x55: {  	[sflag:s17] =	ssyncset.done $0x0  }
0x56: {  	[sflag:s17] =	ssyncadd.s32 $0xFFFFC000  }
0x57: {  	[tilespmem:s18], [sflag:$0x1] =	stream.linear.gather [spmem:s6], $0x4000, $0x38;
	[tilespmem:$0x1E800] =	vst v63  }
0x58: {  	_ =	swait.ge [sflag:s17], $0x4000  }
0x59: {  	[sflag:s17] =	ssyncset.done $0x0  }
0x5a: {  	[sflag:s17] =	ssyncadd.s32 $0xFFFFC000  }
0x5b: {  	[hbm4b:s11+s2] =	stream.linear.scatter [tilespmem:s18], [sflag:$0x1], $0x4000, $0x38;
	[tilespmem:$0x1E800] =	vst v63  }
0x5c: {  	_ =	swait.ge [sflag:s17], $0x4000  }
0x5d: {  	[sflag:s17] =	ssyncset.done $0x0  }
0x5e: {  	[sflag:s17] =	ssyncadd.s32 $0xFFFFC000  }
0x5f: {  	[tilespmem:s18], [sflag:$0x1] =	stream.linear.gather [spmem:s7], $0x4000, $0x38;
	[tilespmem:$0x1E800] =	vst v63  }
0x60: {  	_ =	swait.ge [sflag:s17], $0x4000  }
0x61: {  	[sflag:s17] =	ssyncset.done $0x0  }
0x62: {  	[sflag:s17] =	ssyncadd.s32 $0xFFFFC000  }
0x63: {  	[hbm4b:s12+s2] =	stream.linear.scatter [tilespmem:s18], [sflag:$0x1], $0x4000, $0x38;
	[tilespmem:$0x1E800] =	vst v63  }
0x64: {  	_ =	swait.ge [sflag:s17], $0x4000  }
0x65: {  	[sflag:s17] =	ssyncset.done $0x0  }
0x66: {  	[sflag:s17] =	ssyncadd.s32 $0xFFFFC000  }
0x67: {  	[tilespmem:s18], [sflag:$0x1] =	stream.linear.gather [spmem:s8], $0x4000, $0x38;
	[tilespmem:$0x1E800] =	vst v63  }
0x68: {  	_ =	swait.ge [sflag:s17], $0x4000  }
0x69: {  	[sflag:s17] =	ssyncset.done $0x0  }
0x6a: {  	[sflag:s17] =	ssyncadd.s32 $0xFFFFC000  }
0x6b: {  	[hbm4b:s13+s2] =	stream.linear.scatter [tilespmem:s18], [sflag:$0x1], $0x4000, $0x38;
	[tilespmem:$0x1E800] =	vst v63  }
0x6c: {  	_ =	swait.ge [sflag:s17], $0x4000  }
0x6d: {  	[sflag:s17] =	ssyncset.done $0x0  }
0x6e: {  	[sflag:s17] =	ssyncadd.s32 $0xFFFFC000  }
0x6f: {  	[tilespmem:s18], [sflag:$0x1] =	stream.linear.gather [spmem:s9], $0x4000, $0x38;
	[tilespmem:$0x1E800] =	vst v63  }
0x70: {  	s21 =	sadd.s32 $0x1, s21;
	_ =	swait.ge [sflag:s17], $0x4000  }
0x71: {  	p0 =	sne.s32 s21, s15;
	[sflag:s17] =	ssyncset.done $0x0  }
.Ltmp2:
0x72: {  	[sflag:s17] =	ssyncadd.s32 $0xFFFFC000;
	(pc) =	sbr.rel @p0 .LBB2_1-.Ltmp2, $4  }
0x73: {  	[hbm4b:s14+s2] =	stream.linear.scatter [tilespmem:s18], [sflag:$0x1], $0x4000, $0x38;
	[tilespmem:$0x1E800] =	vst v63  }
0x74: {  	_ =	swait.ge [sflag:s17], $0x4000  }
0x75: {  	[sflag:s17] =	ssyncset.done $0x0  }
0x76: {  	[sflag:s17] =	ssyncadd.s32 $0xFFFFC000  }
0x77: {  	_ =	sfence.sel $0x180000  }
0x78: {  	[bflag:$0x0] =	sbarrier.arrive $0xFFFF  }
0x79: {  	p0 =	sne.s32 s3, $0x0;
	_ =	strace $0x9000004D  }
0x7a: {  	s0 =	sadd.s32 @!p0 $0x100000, s0;
	[bflag:$0x2] =	sbarrier.arrive $0xFFFF  }
0x7b: {  	[sflag:s0] =	ssyncadd.tile.s32 @!p0 $0x1;
	_ =	shalt  }
.Lfunc_end2:
_tile_overlayer_lowered:
.L_overlay_start_2:
0x7c: {  	(tag) =	ssettag $0x2  }
0x7d: {  	s0 =	rddreg [dreg:$0x0];
	s2 =	stileid.u32  }
0x7e: {  	s1 =	rddreg [dreg:$0x1];
	p0 =	sne.s32 s2, $0x0  }
0x7f: {  	s3 =	rddreg [dreg:$0x2];
	[bflag:$0x3] =	sbarrier.arrive $0xFFFF;
	s2 =	simm.s32 @!p0 $0x1C01  }
0x80: {  	[timem:s3], [sflag:s2] =	dma.local @!p0 [hbm:s0], s1  }
0x81: {  	s0 =	simm.s32 @!p0 $0x1  }
0x82: {  	_ =	swait.ge @!p0 [sflag:s0], s1  }
0x83: {  	s1 =	ssub.s32 @!p0 $0x0, s1;
	[sflag:s0] =	ssyncset.done @!p0 $0x0  }
0x84: {  	[sflag:s0] =	ssyncadd.s32 @!p0 s1  }
0x85: {  	[bflag:$0x3] =	sbarrier.arrive $0xFFFF  }
0x86: {  	_ =	shalt  }

// kernel: kernel.6.cloned.1.call-start
scs
__scs_entry_jumppad:
0x0: {  	(pc) =	sbr.rel $0x88, $3  }
0x1: {  	(tag) =	ssettag $0x0;
	lr =	simm.s32 $0x1  }
0x2: {  	[smem:$0x3E90] =	sst lr;
	_ =	strace $0xD0000000  }
0x3: {  	_ = 	snop  }
0x4: {  	_ = 	snop  }
0x5: {  	_ = 	snop  }
0x6: {  	_ = 	snop  }
0x7: {  	_ = 	snop  }
__scs_overlays_trampoline_lowered:
0x8: {  	[smem:$0x3E9F] =	sst s0  }
0x9: {  	[smem:$0x3EA0] =	sst s1  }
0xa: {  	[smem:$0x3EA1] =	sst s2  }
0xb: {  	[smem:$0x3EA2] =	sst s3  }
0xc: {  	[smem:$0x3EA3] =	sst s4  }
0xd: {  	[smem:$0x3EA4] =	sst s5  }
0xe: {  	[smem:$0x3EA5] =	sst s6  }
0xf: {  	[smem:$0x3EA6] =	sst s7  }
0x10: {  	[smem:$0x3EA7] =	sst s8  }
0x11: {  	[smem:$0x3EA8] =	sst s9;
	s0 =	simm.s32 @!p0 $0x0  }
0x12: {  	s1 =	sld [smem:$0x3E8E];
	s0 =	simm.s32 @p0 $0x1  }
0x13: {  	[smem:$0x3EA9] =	sst s0;
	s0 =	simm.s32 @!p1 $0x0  }
0x14: {  	s2 =	sld [smem:$0x3E8D];
	s0 =	simm.s32 @p1 $0x1  }
0x15: {  	[smem:$0x3EAA] =	sst s0;
	s0 =	simm.s32 @!p2 $0x0  }
0x16: {  	s3 =	sld [smem:$0x3FDB];
	s0 =	simm.s32 @p2 $0x1  }
0x17: {  	s4 =	simm.s32 $0x1BF5;
	[smem:$0x3EAC] =	sst s0  }
0x18: {  	s0 =	sld [smem:$0x3E8F];
	_ =	swait.ge [sflag:s4], $0x0  }
0x19: {  	s7 =	sld [smem:$0x3E90]  }
0x1a: {  	s8 =	sadd.s32 $0xFFFFE003, lr  }
0x1b: {  	s9 =	sadd.s32 $0xFFFFFEF7, lr;
	s5 =	simm.s32 $0xFFFFFFFF;
	p2 =	slt.u32 s8, $0xFFFFF086  }
0x1c: {  	p1 =	slt.u32 s9, $0xF7A;
	s5 =	simm.s32 @!p2 $0x0  }
0x1d: {  	s5 =	simm.s32 @p1 $0x1;
	p0 =	seq.s32 s7, s2  }
0x1e: {  	s7 =	smul.u32 @!p0 $0xF7A, s2;
	p2 =	seq.s32 @!p0 s5, $0x0  }
0x1f: {  	s9 =	smul.u32 $0xF7A, s1;
	s8 =	simm.s32 @!p0 $0x1BF5;
	p2 =	por !p2, p0  }
0x20: {  	[sflag:s8] =	ssyncset.s32 @!p0 $0xFFFFF086;
	s6 =	sadd.s32 @!p0 s3, s7;
	s7 =	simm.s32 @!p0 $0x108  }
0x21: {  	s3 =	sadd.s32 s3, s9;
	s6 =	sadd.s32 @!p0 $0x88, s6;
	s7 =	simm.s32 @p2 $0x1082  }
0x22: {  	[simem:s7], [sflag:s8] =	dma.local @!p0 [hbm:s6], $0xF7A  }
0x23: {  	s9 =	sor.u32 $0xD0000000, s2;
	s6 =	simm.s32 $0x108;
	_ =	swait.ge @!p0 [sflag:s8], $0x0  }
0x24: {  	s3 =	sadd.s32 $0x88, s3;
	s6 =	simm.s32 @!p1 $0x1082;
	[sflag:s4] =	ssyncset.s32 $0xFFFFF086  }
0x25: {  	[simem:s6], [sflag:s4] =	dma.local [hbm:s3], $0xF7A  }
0x26: {  	[smem:$0x3E90] =	sst s1;
	(tag) =	ssettag s2;
	_ =	strace s9  }
0x27: {  	s1 =	sld [smem:$0x3EA0]  }
0x28: {  	s2 =	sld [smem:$0x3EA1]  }
0x29: {  	s4 =	sld [smem:$0x3EA3]  }
0x2a: {  	p0 =	seq.s32 s5, $0x0;
	s5 =	sld [smem:$0x3EA4]  }
0x2b: {  	s6 =	sld [smem:$0x3EA5]  }
0x2c: {  	s7 =	sld [smem:$0x3EA6]  }
0x2d: {  	s3 =	simm.s32 $0x108;
	s8 =	sld [smem:$0x3EA7]  }
0x2e: {  	s3 =	simm.s32 @!p0 $0x1082;
	s9 =	sld [smem:$0x3EA8]  }
0x2f: {  	lr =	sadd.s32 s0, s3;
	s0 =	sld [smem:$0x3E9F]  }
0x30: {  	s3 =	sld [smem:$0x3EA2]  }
0x31: {  	[smem:$0x3EAB] =	sst s10  }
0x32: {  	s10 =	sld [smem:$0x3EA9];
	_ =	sdelay $0x3  }
0x33: {  	p0 =	seq.s32 s10, $0x1;
	s10 =	sld [smem:$0x3EAB];
	_ =	sdelay $0x3  }
0x34: {  	[smem:$0x3EAB] =	sst s10  }
0x35: {  	s10 =	sld [smem:$0x3EAA];
	_ =	sdelay $0x3  }
0x36: {  	p1 =	seq.s32 s10, $0x1;
	s10 =	sld [smem:$0x3EAB];
	_ =	sdelay $0x3  }
0x37: {  	[smem:$0x3EAB] =	sst s10  }
0x38: {  	s10 =	sld [smem:$0x3EAC]  }
0x39: {  	_ = 	snop;
	(pc) =	sbr.ind lr, $3  }
0x3a: {  	_ = 	snop  }
0x3b: {  	_ = 	snop  }
0x3c: {  	p2 =	seq.s32 s10, $0x1;
	s10 =	sld [smem:$0x3EAB]  }
0x3d: {  	_ =	shalt  }
0x3e: {  	_ =	shalt  }
0x3f: {  	_ =	shalt  }
0x40: {  	_ =	shalt  }
0x41: {  	_ =	shalt  }
0x42: {  	_ =	shalt  }
0x43: {  	_ =	shalt  }
0x44: {  	_ =	shalt  }
0x45: {  	_ =	shalt  }
0x46: {  	_ =	shalt  }
0x47: {  	_ =	shalt  }
0x48: {  	_ =	shalt  }
0x49: {  	_ =	shalt  }
0x4a: {  	_ =	shalt  }
0x4b: {  	_ =	shalt  }
0x4c: {  	_ =	shalt  }
0x4d: {  	_ =	shalt  }
0x4e: {  	_ =	shalt  }
0x4f: {  	_ =	shalt  }
0x50: {  	_ =	shalt  }
0x51: {  	_ =	shalt  }
0x52: {  	_ =	shalt  }
0x53: {  	_ =	shalt  }
0x54: {  	_ =	shalt  }
0x55: {  	_ =	shalt  }
0x56: {  	_ =	shalt  }
0x57: {  	_ =	shalt  }
0x58: {  	_ =	shalt  }
0x59: {  	_ =	shalt  }
0x5a: {  	_ =	shalt  }
0x5b: {  	_ =	shalt  }
0x5c: {  	_ =	shalt  }
0x5d: {  	_ =	shalt  }
0x5e: {  	_ =	shalt  }
0x5f: {  	_ =	shalt  }
0x60: {  	_ =	shalt  }
0x61: {  	_ =	shalt  }
0x62: {  	_ =	shalt  }
0x63: {  	_ =	shalt  }
0x64: {  	_ =	shalt  }
0x65: {  	_ =	shalt  }
0x66: {  	_ =	shalt  }
0x67: {  	_ =	shalt  }
0x68: {  	_ =	shalt  }
0x69: {  	_ =	shalt  }
0x6a: {  	_ =	shalt  }
0x6b: {  	_ =	shalt  }
0x6c: {  	_ =	shalt  }
0x6d: {  	_ =	shalt  }
0x6e: {  	_ =	shalt  }
0x6f: {  	_ =	shalt  }
0x70: {  	_ =	shalt  }
0x71: {  	_ =	shalt  }
0x72: {  	_ =	shalt  }
0x73: {  	_ =	shalt  }
0x74: {  	_ =	shalt  }
0x75: {  	_ =	shalt  }
0x76: {  	_ =	shalt  }
0x77: {  	_ =	shalt  }
0x78: {  	_ =	shalt  }
0x79: {  	_ =	shalt  }
0x7a: {  	_ =	shalt  }
0x7b: {  	_ =	shalt  }
0x7c: {  	_ =	shalt  }
0x7d: {  	_ =	shalt  }
0x7e: {  	_ =	shalt  }
0x7f: {  	_ =	shalt  }
0x80: {  	_ =	shalt  }
0x81: {  	_ =	shalt  }
0x82: {  	_ =	shalt  }
0x83: {  	_ =	shalt  }
0x84: {  	_ =	shalt  }
0x85: {  	_ =	shalt  }
0x86: {  	_ =	shalt  }
0x87: {  	_ =	shalt  }
.Lfunc_end0:
.L_simem_size_0:
called_computation.2_lowered:
.L_overlay_start_0:
0x88: {  	s2 =	sld [smem:$0x3FD9]  }
0x89: {  	s3 =	sld [smem:$0x3FFE];
	_ =	sdelay $0x1  }
0x8a: {  	s1 =	srdreg.scid  }
0x8b: {  	s0 =	sand.u32 $0x1, s1  }
0x8c: {  	s17 =	sshll.u32 s0, $0xA;
	s2 =	sadd.s32 s3, s2  }
0x8d: {  	s2 =	sadd.s32 s2, s17  }
0x8e: {  	[smem:$0x3EB7] =	sst s2  }
0x8f: {  	_ = 	snop  }
0x90: {  	s2 =	sld [smem:$0x3FC6]  }
0x91: {  	s18 =	sld [smem:$0x3FC5];
	(tm) =	ssettm $0x1  }
0x92: {  	s4 =	sld [smem:$0x3FFB];
	_ =	sdelay $0x3  }
0x93: {  	_ =	strace s4  }
0x94: {  	s4 =	sld [smem:$0x3FFC];
	_ =	sdelay $0x3  }
0x95: {  	_ =	strace s4  }
0x96: {  	s4 =	sld [smem:$0x3FFD];
	_ =	sdelay $0x3  }
0x97: {  	_ =	strace s4  }
0x98: {  	_ =	strace $0x8FFFFFFF  }
0x99: {  	s19 =	sld [smem:$0x3FDB];
	_ =	sdelay $0x1  }
0x9a: {  	s5 =	simm.s32 $_scs_section_size  }
0x9b: {  	s6 =	simm.s32 $_size__tile_overlayer_lowered;
	s7 =	simm.s32 $_tile_overlayer_lowered  }
0x9c: {  	s22 =	simm.s32 $0x1BFF;
	s21 =	sshll.u32 s7, $0x1;
	s4 =	sadd.s32 s5, s19  }
0x9d: {  	s8 =	simm.s32 $0x0;
	s20 =	sshll.u32 s6, $0x1;
	s6 =	sadd.s32 s21, s4  }
0x9e: {  	[timem:s8], [sflag:s22] =	dma.local [hbm:s6], s20  }
0x9f: {  	_ =	swait.ge [sflag:s22], s20  }
0xa0: {  	s5 =	ssub.s32 $0x0, s20;
	[sflag:s22] =	ssyncset.done $0x0  }
0xa1: {  	[sflag:s22] =	ssyncadd.s32 s5;
	_ =	sdelay $0x1  }
0xa2: {  	s23 =	simm.s32 $0x1B8B  }
0xa3: {  	_ =	swait.ge [sflag:s23], $0x1  }
0xa4: {  	[sflag:s23] =	ssyncset.done $0x0  }
0xa5: {  	s25 =	simm.s32 $0x1B8E;
	s24 =	sld [smem:$0x3FFE];
	[sflag:s23] =	ssyncadd.s32 $0xFFFFFFFF  }
0xa6: {  	s26 =	simm.s32 $execute0_lowered;
	[smem:$0x3FD2] =	sst s25  }
0xa7: {  	s6 =	sshll.u32 s26, $0x1;
	_ =	strace $0x80000046;
	[dreg:$0x1] =	wrdreg $0xFFFFFFFF  }
0xa8: {  	s28 =	simm.s32 $_size_execute0_lowered;
	s4 =	sadd.s32 s4, s6;
	[dreg:$0x0] =	wrdreg $0x0  }
0xa9: {  	s6 =	sshll.u32 s28, $0x1;
	[dreg:$0x2] =	wrdreg s4  }
0xaa: {  	[dreg:$0x3] =	wrdreg s6  }
0xab: {  	[dreg:$0x4] =	wrdreg $0xC0  }
0xac: {  	_ =	task [dreg:s8], $0x5FFFF  }
0xad: {  	[dreg:$0x1] =	wrdreg $0xFFFFFFFF  }
0xae: {  	[dreg:$0x0] =	wrdreg $0x60  }
0xaf: {  	[dreg:$0x2] =	wrdreg s24  }
0xb0: {  	[dreg:$0x3] =	wrdreg s2  }
0xb1: {  	[dreg:$0x4] =	wrdreg s18  }
0xb2: {  	[dreg:$0x5] =	wrdreg $0x9  }
0xb3: {  	_ =	task.clear_ibuf [dreg:s8], $0x6FFFF;
	_ =	strace $0x90000046  }
0xb4: {  	s29 =	simm.s32 $0x9;
	_ =	strace $0x80000048  }
0xb5: {  	_ =	swait.ge [sflag:s29], $0x1  }
0xb6: {  	[sflag:s29] =	ssyncadd.s32 $0xFFFFFFFF  }
0xb7: {  	_ =	strace $0x90000048  }
0xb8: {  	_ =	sfence  }
0xb9: {  	s30 =	sld [smem:$0x0];
	_ =	sdelay $0x2  }
0xba: {  	s31 =	sshll.u32 s1, $0xD;
	s1 =	sshrl.u32 s1, $0x2  }
0xbb: {  	s3 =	sand.u32 $0x4000, s31;
	s1 =	sadd.s32 s1, s30  }
0xbc: {  	s0 =	sor.u32 s3, s0;
	s1 =	sshll.u32 s1, $0x11  }
0xbd: {  	s0 =	sor.u32 s1, s0  }
0xbe: {  	s0 =	sadd.s32 $0x8F2B, s0  }
0xbf: {  	[sflag:s0] =	ssyncadd.remote.s32 $0x1  }
0xc0: {  	_ =	sfence.sel $0xFFFF  }
0xc1: {  	[dreg:$0x0] =	wrdreg $0xFFFFFFFF;
	(pc) =	sbr.abs _section_cstart, $3  }
0xc2: {  	[dreg:$0x1] =	wrdreg $0xFFFFFFFF  }
0xc3: {  	_ =	task.clear_ibuf [dreg:s8], $0x2FFFF;
	_ =	strace $0x9FFFFFFF  }
0xc4: {  	(tm) =	ssettm $0x7FFFFFFF  }
0xc5: {  	_ =	shalt  }
tec
execute0_lowered:
.L_overlay_start_1:
0x0: {  	(tag) =	ssettag $0x1  }
0x1: {  	s5 =	rddreg [dreg:$0x0]  }
0x2: {  	s6 =	rddreg [dreg:$0x1]  }
0x3: {  	s0 =	srdreg.scid;
	s7 =	rddreg [dreg:$0x2]  }
0x4: {  	s1 =	stileid.u32;
	s2 =	simm.s32 $0x0;
	s12 =	simm.s32 $0x4F00  }
0x5: {  	s13 =	simm.s32 $0x7680;
	s14 =	simm.s32 $0x9E00;
	s15 =	simm.s32 $0xC580  }
0x6: {  	s16 =	simm.s32 $0x0;
	s3 =	sand.u32 $0x1, s0;
	s0 =	rddreg [dreg:$0x3]  }
0x7: {  	[smem:$0x7FF] =	sst s2;
	s4 =	sshll.u32 s3, $0x4;
	s9 =	ssub.s32 $0x2, s3  }
0x8: {  	_ =	strace $0x80000047;
	s4 =	sor.u32 s1, s4;
	s10 =	sshrl.u32 s9, $0x1  }
0x9: {  	s3 =	sadd.s32 $0x14E00, s5;
	s8 =	smul.u32 $0x4E2, s4;
	s9 =	ssub.s32 s9, s10  }
0xa: {  	s4 =	sadd.s32 $0x14800, s5;
	s10 =	simm.s32 $0x1;
	s9 =	smax.u32 s9, $0x1  }
0xb: {  	s11 =	sadd.s32 s8, s5;
	s5 =	sadd.s32 s6, s8;
	s6 =	sadd.s32 s7, s8  }
0xc: {  	s7 =	sadd.s32 $0x15400, s11;
	s8 =	sadd.s32 $0x1F200, s11;
	s11 =	simm.s32 $0x2780  }
.LBB2_1:
0xd: {  	[tilespmem:s2], [sflag:$0x1] =	stream.linear.gather [hbm4b:s3+s2], $0x2780, $0x38;
	[tilespmem:$0xED00] =	vst v63  }
0xe: {  	_ =	swait.ge [sflag:s10], $0x2780  }
0xf: {  	[sflag:s10] =	ssyncset.done $0x0  }
0x10: {  	[sflag:s10] =	ssyncadd.s32 $0xFFFFD880  }
0x11: {  	[tilespmem:s11], [sflag:$0x1] =	stream.linear.gather [hbm4b:s4+s2], $0x2780, $0x38;
	[tilespmem:$0xED00] =	vst v63  }
0x12: {  	_ =	swait.ge [sflag:s10], $0x2780  }
0x13: {  	[sflag:s10] =	ssyncset.done $0x0  }
0x14: {  	[sflag:s10] =	ssyncadd.s32 $0xFFFFD880  }
0x15: {  	[tilespmem:s12], [sflag:$0x1] =	stream.linear.gather [hbm4b:s5+s2], $0x2710, $0x38;
	[tilespmem:$0xED00] =	vst v63  }
0x16: {  	_ =	swait.ge [sflag:s10], $0x2710  }
0x17: {  	[sflag:s10] =	ssyncset.done $0x0  }
0x18: {  	[sflag:s10] =	ssyncadd.s32 $0xFFFFD8F0  }
0x19: {  	[tilespmem:s13], [sflag:$0x1] =	stream.linear.gather [hbm4b:s6+s2], $0x2710, $0x38;
	[tilespmem:$0xED00] =	vst v63  }
0x1a: {  	_ =	swait.ge [sflag:s10], $0x2710  }
0x1b: {  	[sflag:s10] =	ssyncset.done $0x0  }
0x1c: {  	s17 =	simm.s32 $0x0;
	[sflag:s10] =	ssyncadd.s32 $0xFFFFD8F0  }
0x1d: {  	v0 =	vld [tilespmem:s17+$0x4F00];
	_ =	sdelay $0x1  }
0x1e: {  	v1 =	vld [tilespmem:s17+$0x7680];
	_ =	sdelay $0x5  }
0x1f: {  	v3 =	vld.idx.msk [tilespmem:v0+s2+$0x0], $0xffff  }
0x20: {  	v2 =	vld.idx.msk [tilespmem:v0+s11+$0x0], $0xffff  }
0x21: {  	v4 =	vld.idx.msk [tilespmem:v1+s2+$0x0], $0xffff  }
0x22: {  	s18 =	simm.s32 $0x10;
	v5 =	vld.idx.msk [tilespmem:v1+s11+$0x0], $0xffff  }
0x23: {  	v1 =	vld [tilespmem:s18+$0x4F00]  }
0x24: {  	s19 =	simm.s32 $0x80;
	v0 =	vld [tilespmem:s18+$0x7680]  }
.LBB2_2:
0x25: {  	_ =	sdelay $0x1  }
0x26: {  	p0 =	sne.s32 s19, $0x9C00;
	s20 =	smov.u32 s19;
	s19 =	sadd.s32 $0x40, s19;
	v3 =	vsub.f32 v3, v4  }
0x27: {  	v2 =	vsub.f32 v2, v5  }
0x28: {  	[tilespmem:s17+$0x9E00] =	vst v3  }
0x29: {  	[tilespmem:s17+$0xC580] =	vst v2;
	s17 =	smov.u32 s18  }
0x2a: {  	v3 =	vld.idx.msk [tilespmem:v1+s2+$0x0], $0xffff  }
.Ltmp0:
0x2b: {  	v2 =	vld.idx.msk [tilespmem:v1+s11+$0x0], $0xffff;
	(pc) =	sbr.rel @p0 .LBB2_2-.Ltmp0, $4  }
0x2c: {  	v4 =	vld.idx.msk [tilespmem:v0+s2+$0x0], $0xffff  }
0x2d: {  	s18 =	sshra.s32 s20, $0x2;
	v5 =	vld.idx.msk [tilespmem:v0+s11+$0x0], $0xffff  }
0x2e: {  	v1 =	vld [tilespmem:s18+$0x4F00]  }
0x2f: {  	v0 =	vld [tilespmem:s18+$0x7680]  }
0x30: {  	_ =	sdelay $0x2  }
0x31: {  	v3 =	vsub.f32 v3, v4  }
0x32: {  	v2 =	vsub.f32 v2, v5  }
0x33: {  	[tilespmem:s17+$0x9E00] =	vst v3  }
0x34: {  	[tilespmem:s17+$0xC580] =	vst v2  }
0x35: {  	v2 =	vld.idx.msk [tilespmem:v1+s2+$0x0], $0xffff  }
0x36: {  	v62 =	vld.idx.msk [tilespmem:v1+s11+$0x0], $0xffff  }
0x37: {  	v3 =	vld.idx.msk [tilespmem:v0+s2+$0x0], $0xffff  }
0x38: {  	v63 =	vld.idx.msk [tilespmem:v0+s11+$0x0], $0xffff;
	_ =	sdelay $0x3  }
0x39: {  	v2 =	vsub.f32 v2, v3  }
0x3a: {  	v0 =	vsub.f32 v62, v63  }
0x3b: {  	[tilespmem:s18+$0x9E00] =	vst v2  }
0x3c: {  	[tilespmem:s18+$0xC580] =	vst v0  }
0x3d: {  	[hbm4b:s7+s2] =	stream.linear.scatter [tilespmem:s14], [sflag:$0x1], $0x2710, $0x38;
	[tilespmem:$0xED00] =	vst v63  }
0x3e: {  	s16 =	sadd.s32 $0x1, s16;
	_ =	swait.ge [sflag:s10], $0x2710  }
0x3f: {  	p0 =	sne.s32 s16, s9;
	[sflag:s10] =	ssyncset.done $0x0  }
.Ltmp1:
0x40: {  	[sflag:s10] =	ssyncadd.s32 $0xFFFFD8F0;
	(pc) =	sbr.rel @p0 .LBB2_1-.Ltmp1, $4  }
0x41: {  	[hbm4b:s8+s2] =	stream.linear.scatter [tilespmem:s15], [sflag:$0x1], $0x2710, $0x38;
	[tilespmem:$0xED00] =	vst v63  }
0x42: {  	_ =	swait.ge [sflag:s10], $0x2710  }
0x43: {  	[sflag:s10] =	ssyncset.done $0x0  }
0x44: {  	[sflag:s10] =	ssyncadd.s32 $0xFFFFD8F0  }
0x45: {  	_ =	sfence.sel $0x180000  }
0x46: {  	[bflag:$0x0] =	sbarrier.arrive $0xFFFF  }
0x47: {  	p0 =	sne.s32 s1, $0x0;
	_ =	strace $0x90000047  }
0x48: {  	s0 =	sadd.s32 @!p0 $0x100000, s0;
	[bflag:$0x2] =	sbarrier.arrive $0xFFFF  }
0x49: {  	[sflag:s0] =	ssyncadd.tile.s32 @!p0 $0x1;
	_ =	shalt  }
.Lfunc_end2:
_tile_overlayer_lowered:
.L_overlay_start_2:
0x4a: {  	(tag) =	ssettag $0x2  }
0x4b: {  	s0 =	rddreg [dreg:$0x0];
	s2 =	stileid.u32  }
0x4c: {  	s1 =	rddreg [dreg:$0x1];
	p0 =	sne.s32 s2, $0x0  }
0x4d: {  	s3 =	rddreg [dreg:$0x2];
	[bflag:$0x3] =	sbarrier.arrive $0xFFFF;
	s2 =	simm.s32 @!p0 $0x1C01  }
0x4e: {  	[timem:s3], [sflag:s2] =	dma.local @!p0 [hbm:s0], s1  }
0x4f: {  	s0 =	simm.s32 @!p0 $0x1  }
0x50: {  	_ =	swait.ge @!p0 [sflag:s0], s1  }
0x51: {  	s1 =	ssub.s32 @!p0 $0x0, s1;
	[sflag:s0] =	ssyncset.done @!p0 $0x0  }
0x52: {  	[sflag:s0] =	ssyncadd.s32 @!p0 s1  }
0x53: {  	[bflag:$0x3] =	sbarrier.arrive $0xFFFF  }
0x54: {  	_ =	shalt  }

</sc_bundles>
